<compile_context>
chip_gen: v7x
topology: tpu7x:2x2x1
jax: 0.10.2.dev20260603
libtpu: 0.0.44.dev20260713+nightly
codegen_flags: <defaults>
</compile_context>

<pallas_src>
import functools

import jax
import jax.numpy as jnp
from jax import lax
from jax.experimental import pallas as pl
from jax.experimental.pallas import tpu as pltpu
from jax.experimental.pallas import tpu_sc as plsc




def _proj_body(x_ref, w_ref, out_ref):
    out_ref[...] = jnp.dot(x_ref[...], w_ref[...],
                           preferred_element_type=jnp.float32)


def _tail_body(qparts_ref, b2_ref, out_ref):
    n = out_ref.shape[0]
    out_ref[...] = jnp.tanh(qparts_ref[0, :n] + qparts_ref[1, :n]
                            + b2_ref[0])




def _make_scatter16(n, npad, h, e, nc, ns, ch):
    nw = nc * ns
    epw = e // nw
    nchunk = epw // ch
    rps = npad // ns
    nfull = n // rps
    nrem = n % rps
    mesh = plsc.VectorSubcoreMesh(core_axis_name="c", subcore_axis_name="s")

    @functools.partial(
        pl.kernel,
        out_type=jax.ShapeDtypeStruct((nc, npad, h), jnp.float32),
        mesh=mesh,
        scratch_types=[
            pltpu.VMEM((2, ch), jnp.int32),
            pltpu.VMEM((2, ch), jnp.int32),
            pltpu.VMEM((2, ch, h), jnp.float32),
            pltpu.VMEM((rps, h), jnp.float32),
            pltpu.VMEM_SHARED((npad, h), jnp.float32),
            pltpu.SemaphoreType.DMA,
            pltpu.SemaphoreType.DMA,
        ],
        compiler_params=pltpu.CompilerParams(use_tc_tiling_on_sc=False),
    )
    def scatter16(p_hbm, edge_hbm, out_hbm, src_v, dst_v, rows_v,
                  stage_v, accum, sem0, sem1):
        cid = lax.axis_index("c")
        sid = lax.axis_index("s")
        wid = sid * nc + cid
        sems = (sem0, sem1)

        base0 = wid * epw
        pltpu.sync_copy(edge_hbm.at[0, pl.ds(base0, ch)], src_v.at[0])
        pltpu.sync_copy(edge_hbm.at[1, pl.ds(base0, ch)], dst_v.at[0])
        g = pltpu.async_copy(p_hbm.at[src_v.at[0]], rows_v.at[0], sems[0])

        def _zrow(i, _):
            stage_v[i] = jnp.zeros((h,), jnp.float32)
            return 0
        lax.fori_loop(0, rps, _zrow, 0)

        @pl.when(jnp.logical_and(cid == 0, sid < nfull))
        def _():
            pltpu.sync_copy(p_hbm.at[pl.ds(sid * rps, rps)], stage_v)

        if nrem > 0:
            @pl.when(jnp.logical_and(cid == 0, sid == nfull))
            def _():
                pltpu.sync_copy(p_hbm.at[pl.ds(nfull * rps, nrem)],
                                stage_v.at[pl.ds(0, nrem)])

        pltpu.sync_copy(stage_v, accum.at[pl.ds(sid * rps, rps)])
        plsc.subcore_barrier()

        for k in range(nchunk):
            b = k % 2
            nb = (k + 1) % 2
            if k + 1 < nchunk:
                basek = wid * epw + (k + 1) * ch
                pltpu.sync_copy(edge_hbm.at[0, pl.ds(basek, ch)],
                                src_v.at[nb])
                pltpu.sync_copy(edge_hbm.at[1, pl.ds(basek, ch)],
                                dst_v.at[nb])
                g.wait()
                g = pltpu.async_copy(p_hbm.at[src_v.at[nb]], rows_v.at[nb],
                                     sems[nb])
            else:
                g.wait()
            pltpu.sync_copy(rows_v.at[b], accum.at[dst_v.at[b]], add=True)
        plsc.subcore_barrier()

        pltpu.sync_copy(accum.at[pl.ds(sid * rps, rps)], stage_v)
        pltpu.sync_copy(stage_v, out_hbm.at[cid, pl.ds(sid * rps, rps)])

    return scatter16


def _rsqrt_newton(x):
    i = plsc.bitcast(x, jnp.int32)
    y = plsc.bitcast(jnp.int32(0x5F3759DF) - (i >> 1), jnp.float32)
    for _ in range(3):
        y = y * (1.5 - 0.5 * x * y * y)
    return y


def _make_middle(n, npad, h, e, nc, ns, ch):
    nw = nc * ns
    epw = e // nw
    nchunk = epw // ch
    rs = npad // ns
    fl = rs * h
    mesh = plsc.VectorSubcoreMesh(core_axis_name="c", subcore_axis_name="s")

    @functools.partial(
        pl.kernel,
        out_type=jax.ShapeDtypeStruct((nc, npad), jnp.float32),
        mesh=mesh,
        scratch_types=[
            pltpu.VMEM((fl,), jnp.float32),
            pltpu.VMEM((fl,), jnp.float32),
            pltpu.VMEM((h,), jnp.float32),
            pltpu.VMEM((h,), jnp.float32),
            pltpu.VMEM((ns * 2 * h,), jnp.float32),
            pltpu.VMEM((3 * h,), jnp.float32),
            pltpu.VMEM((rs,), jnp.float32),
            pltpu.VMEM((rs,), jnp.float32),
            pltpu.VMEM((2, ch), jnp.int32),
            pltpu.VMEM((2, ch), jnp.int32),
            pltpu.VMEM((2, ch), jnp.float32),
            pltpu.VMEM_SHARED((ns * 2 * h,), jnp.float32),
            pltpu.VMEM_SHARED((npad,), jnp.float32),
            pltpu.VMEM_SHARED((npad,), jnp.float32),
            pltpu.SemaphoreType.DMA,
            pltpu.SemaphoreType.DMA,
        ],
        compiler_params=pltpu.CompilerParams(use_tc_tiling_on_sc=False,
                                             needs_layout_passes=False),
    )
    def middle(parts_hbm, gbw_hbm, edge_hbm, out_hbm,
               pa_v, agg_v, ssum_v, ssq_v, allst_v, gbw_v, q_v, zb_v,
               src_v, dst_v, vals_v, stats_sp, qsp, accq, sem0, sem1):
        cid = lax.axis_index("c")
        sid = lax.axis_index("s")
        wid = sid * nc + cid
        sems = (sem0, sem1)

        base0 = wid * epw
        pltpu.sync_copy(edge_hbm.at[0, pl.ds(base0, ch)], src_v.at[0])
        pltpu.sync_copy(edge_hbm.at[1, pl.ds(base0, ch)], dst_v.at[0])

        pltpu.sync_copy(parts_hbm.at[0, pl.ds(sid * fl, fl)], pa_v)
        pltpu.sync_copy(parts_hbm.at[1, pl.ds(sid * fl, fl)], agg_v)
        pltpu.sync_copy(gbw_hbm, gbw_v)

        def _p1(r, carry):
            s, sq = carry
            v = pa_v[pl.ds(r * h, h)] + agg_v[pl.ds(r * h, h)]
            agg_v[pl.ds(r * h, h)] = v
            return (s + v, sq + v * v)
        zs = jnp.zeros((h,), jnp.float32)
        s_part, sq_part = lax.fori_loop(0, rs, _p1, (zs, zs))
        ssum_v[...] = s_part
        ssq_v[...] = sq_part
        pltpu.sync_copy(ssum_v, stats_sp.at[pl.ds(sid * 2 * h, h)])
        pltpu.sync_copy(ssq_v, stats_sp.at[pl.ds(sid * 2 * h + h, h)])
        plsc.subcore_barrier()

        pltpu.sync_copy(stats_sp, allst_v)

        def _p2(i, carry):
            s, sq = carry
            return (s + allst_v[pl.ds(i * 2 * h, h)],
                    sq + allst_v[pl.ds(i * 2 * h + h, h)])
        s_all, sq_all = lax.fori_loop(0, ns, _p2, (zs, zs))
        mu = s_all * (1.0 / n)
        var = sq_all * (1.0 / n) - mu * mu
        inv = _rsqrt_newton(var + 1e-5)
        scale = inv * gbw_v[pl.ds(0, h)]
        shift = gbw_v[pl.ds(h, h)] - mu * scale
        w2 = gbw_v[pl.ds(2 * h, h)]

        lanes = lax.iota(jnp.int32, 16)

        def _p3(g, _):
            def _row(j, qvec):
                v = agg_v[pl.ds((g * 16 + j) * h, h)] * scale + shift
                v = jnp.where(v > 0, v, jnp.exp(v) - 1.0)
                return jnp.where(lanes == j, jnp.sum(v * w2), qvec)
            qvec = lax.fori_loop(0, 16, _row, jnp.zeros((16,), jnp.float32))
            q_v[pl.ds(g * 16, 16)] = qvec
            return 0
        lax.fori_loop(0, rs // 16, _p3, 0)

        def _zvec(i, _):
            zb_v[pl.ds(i * 16, 16)] = jnp.zeros((16,), jnp.float32)
            return 0
        lax.fori_loop(0, rs // 16, _zvec, 0)

        pltpu.sync_copy(q_v, qsp.at[pl.ds(sid * rs, rs)])

        @pl.when(cid == 0)
        def _():
            pltpu.sync_copy(q_v, accq.at[pl.ds(sid * rs, rs)])

        @pl.when(cid != 0)
        def _():
            pltpu.sync_copy(zb_v, accq.at[pl.ds(sid * rs, rs)])

        plsc.subcore_barrier()

        g = pltpu.async_copy(qsp.at[src_v.at[0]], vals_v.at[0], sems[0])
        for k in range(nchunk):
            b = k % 2
            nb = (k + 1) % 2
            if k + 1 < nchunk:
                basek = wid * epw + (k + 1) * ch
                pltpu.sync_copy(edge_hbm.at[0, pl.ds(basek, ch)],
                                src_v.at[nb])
                pltpu.sync_copy(edge_hbm.at[1, pl.ds(basek, ch)],
                                dst_v.at[nb])
                g.wait()
                g = pltpu.async_copy(qsp.at[src_v.at[nb]], vals_v.at[nb],
                                     sems[nb])
            else:
                g.wait()
            pltpu.sync_copy(vals_v.at[b], accq.at[dst_v.at[b]], add=True)
        plsc.subcore_barrier()

        pltpu.sync_copy(accq.at[pl.ds(sid * rs, rs)], zb_v)
        pltpu.sync_copy(zb_v, out_hbm.at[cid, pl.ds(sid * rs, rs)])

    return middle




def kernel(x, edge_index, W1, b1, gamma, beta, W2, b2):
    n, d = x.shape
    hdim = W1.shape[1]
    e = edge_index.shape[1]
    odim = W2.shape[1]

    info = plsc.get_sparse_core_info()
    nc, ns = info.num_cores, info.num_subcores

    p = pl.pallas_call(
        _proj_body,
        out_shape=jax.ShapeDtypeStruct((n, hdim), jnp.float32),
    )(x, W1)

    npad = ((n + 16 * ns - 1) // (16 * ns)) * (16 * ns)

    parts = _make_scatter16(n, npad, hdim, e, nc, ns, ch=2000)(p, edge_index)

    gbw = jnp.concatenate([gamma, beta, W2.reshape(hdim)])
    qparts = _make_middle(n, npad, hdim, e, nc, ns, ch=2000)(
        parts.reshape(nc, npad * hdim), gbw, edge_index)

    out_flat = pl.pallas_call(
        _tail_body,
        out_shape=jax.ShapeDtypeStruct((n,), jnp.float32),
    )(qparts, b2)

    return out_flat.reshape(n, odim)

# --- scband reference (transcript-rebuilt; emitter-appended) ---
"""Pipeline reference for scband-completion-net-adversarial-eval-52072183496997 (READ-ONLY COPY).

The authoritative reference and input builder live on the scoring server;
editing this copy changes nothing except your own understanding.
"""

import jax, jax.numpy as jnp
import numpy as np

N = 10000
E = 320000
D = 128
H = 16
O = 1


def setup_inputs(seed: int = 0) -> dict:
    key = jax.random.key(seed)
    k1, k2, k3, k4 = jax.random.split(key, 4)
    x = jax.random.normal(k1, (N, D), dtype=jnp.float32)
    edge_index = jax.random.randint(k2, (2, E), 0, N, dtype=jnp.int32)
    # Learned parameters sized per init_kwargs (enc_ch[0]=16, out_nchannel=1)
    W1 = jax.random.normal(k3, (D, H), dtype=jnp.float32) * 0.05
    b1 = jnp.zeros((H,), dtype=jnp.float32)
    gamma = jnp.ones((H,), dtype=jnp.float32)
    beta = jnp.zeros((H,), dtype=jnp.float32)
    W2 = jax.random.normal(k4, (H, O), dtype=jnp.float32) * 0.1
    b2 = jnp.zeros((O,), dtype=jnp.float32)
    return {"x": x, "edge_index": edge_index, "W1": W1, "b1": b1,
            "gamma": gamma, "beta": beta, "W2": W2, "b2": b2}


def reference(x, edge_index, W1, b1, gamma, beta, W2, b2):
    # Sparse-voxel convolution expressed as gather/scatter message passing
    # over the neighbor-offset graph (SparseCore-friendly primitives).
    src = edge_index[0]
    dst = edge_index[1]
    # Encoder block s1: neighborhood aggregation (sparse conv analog)
    agg1 = jnp.zeros_like(x).at[dst].add(x[src]) + x  # include center voxel
    h = agg1 @ W1 + b1
    # BatchNorm (eval-style normalization over active sites)
    mu = jnp.mean(h, axis=0)
    var = jnp.var(h, axis=0)
    h = (h - mu) / jnp.sqrt(var + 1e-5) * gamma + beta
    h = jax.nn.elu(h)
    # Decoder output conv: second neighborhood aggregation + linear
    agg2 = jnp.zeros_like(h).at[dst].add(h[src]) + h
    out = jnp.tanh(agg2 @ W2 + b2)  # final_layer='tanh'
    return out

if __name__ == "__main__":
    import jax
    _d = setup_inputs()
    print(jax.jit(kernel)(*tuple(_d.values())))

</pallas_src>

<mosaic_0001>
#map = affine_map<(d0, d1) -> (0, 0)>
#map1 = affine_map<(d0, d1) -> (0)>
module attributes {stable_mosaic.version = 14 : i64} {
  func.func @middle(%arg0: i32, %arg1: i32, %arg2: memref<2x163840xf32, #tpu.memory_space<hbm>>, %arg3: memref<48xf32, #tpu.memory_space<hbm>>, %arg4: memref<2x320000xi32, #tpu.memory_space<hbm>>, %arg5: memref<2x10240xf32, #tpu.memory_space<hbm>>, %arg6: memref<10240xf32, #tpu.memory_space<vmem>>, %arg7: memref<10240xf32, #tpu.memory_space<vmem>>, %arg8: memref<16xf32, #tpu.memory_space<vmem>>, %arg9: memref<16xf32, #tpu.memory_space<vmem>>, %arg10: memref<512xf32, #tpu.memory_space<vmem>>, %arg11: memref<48xf32, #tpu.memory_space<vmem>>, %arg12: memref<640xf32, #tpu.memory_space<vmem>>, %arg13: memref<640xf32, #tpu.memory_space<vmem>>, %arg14: memref<2x2000xi32, #tpu.memory_space<vmem>>, %arg15: memref<2x2000xi32, #tpu.memory_space<vmem>>, %arg16: memref<2x2000xf32, #tpu.memory_space<vmem>>, %arg17: memref<512xf32, #tpu.memory_space<vmem_shared>>, %arg18: memref<10240xf32, #tpu.memory_space<vmem_shared>>, %arg19: memref<10240xf32, #tpu.memory_space<vmem_shared>>, %arg20: memref<!tpu.dma_semaphore, #tpu.memory_space<semaphore_mem>>, %arg21: memref<!tpu.dma_semaphore, #tpu.memory_space<semaphore_mem>>) attributes {dimension_semantics = [#tpu.dimension_semantics<core_parallel>, #tpu.dimension_semantics<subcore_parallel>], iteration_bounds = array<i64: 2, 16>, scalar_prefetch = 0 : i64, scratch_operands = 16 : i64, tpu.core_type = #tpu.core_type<sc_vector_subcore>, window_params = [{transform_indices = #map}, {transform_indices = #map1}, {transform_indices = #map}, {transform_indices = #map}]} {
    %mul3A = arith.constant 2 : i32
    %mul3A_0 = arith.muli %arg1, %mul3A : i32
    %add3A = arith.addi %mul3A_0, %arg0 : i32
    %mul3A_1 = arith.constant 10000 : i32
    %mul3A_2 = arith.muli %add3A, %mul3A_1 : i32
    %run_scoped3A = arith.constant 0 : i32
    %run_scoped3A_3 = arith.constant 0 : i32
    "tpu.region"() ({
      %run_scoped3A_256 = tpu.sem_alloc : memref<!tpu.dma_semaphore, #tpu.memory_space<semaphore_mem>>
      %dma_start3A_257 = arith.constant 0 : i32
      %dma_start3A_258 = tpu.memref_slice %arg14[%run_scoped3A_3, %dma_start3A_257] : memref<2x2000xi32, #tpu.memory_space<vmem>> -> memref<1x2000xi32, #tpu.memory_space<vmem>>
      %dma_start3A_259 = tpu.memref_squeeze %dma_start3A_258 : memref<1x2000xi32, #tpu.memory_space<vmem>> -> memref<2000xi32, #tpu.memory_space<vmem>>
      %dma_start3A_260 = tpu.memref_slice %arg4[%run_scoped3A, %mul3A_2] : memref<2x320000xi32, #tpu.memory_space<hbm>> -> memref<1x2000xi32, #tpu.memory_space<hbm>>
      %dma_start3A_261 = tpu.memref_squeeze %dma_start3A_260 : memref<1x2000xi32, #tpu.memory_space<hbm>> -> memref<2000xi32, #tpu.memory_space<hbm>>
      %dma_start3A_262 = arith.constant 0 : i32
      %dma_start3A_263 = tpu.memref_slice %arg14[%run_scoped3A_3, %dma_start3A_262] : memref<2x2000xi32, #tpu.memory_space<vmem>> -> memref<1x2000xi32, #tpu.memory_space<vmem>>
      %dma_start3A_264 = tpu.memref_squeeze %dma_start3A_263 : memref<1x2000xi32, #tpu.memory_space<vmem>> -> memref<2000xi32, #tpu.memory_space<vmem>>
      %dma_start3A_265 = tpu.memref_slice %arg4[%run_scoped3A, %mul3A_2] : memref<2x320000xi32, #tpu.memory_space<hbm>> -> memref<1x2000xi32, #tpu.memory_space<hbm>>
      %dma_start3A_266 = tpu.memref_squeeze %dma_start3A_265 : memref<1x2000xi32, #tpu.memory_space<hbm>> -> memref<2000xi32, #tpu.memory_space<hbm>>
      tpu.enqueue_dma source(%dma_start3A_266 : memref<2000xi32, #tpu.memory_space<hbm>>) target(%dma_start3A_264 : memref<2000xi32, #tpu.memory_space<vmem>>) target_semaphore(%run_scoped3A_256 : memref<!tpu.dma_semaphore, #tpu.memory_space<semaphore_mem>>)
      %dma_wait3A_267 = arith.constant 0 : i32
      %dma_wait3A_268 = tpu.memref_slice %arg14[%run_scoped3A_3, %dma_wait3A_267] : memref<2x2000xi32, #tpu.memory_space<vmem>> -> memref<1x2000xi32, #tpu.memory_space<vmem>>
      %dma_wait3A_269 = tpu.memref_squeeze %dma_wait3A_268 : memref<1x2000xi32, #tpu.memory_space<vmem>> -> memref<2000xi32, #tpu.memory_space<vmem>>
      %dma_wait3A_270 = tpu.memref_slice %arg4[%run_scoped3A, %mul3A_2] : memref<2x320000xi32, #tpu.memory_space<hbm>> -> memref<1x2000xi32, #tpu.memory_space<hbm>>
      %dma_wait3A_271 = tpu.memref_squeeze %dma_wait3A_270 : memref<1x2000xi32, #tpu.memory_space<hbm>> -> memref<2000xi32, #tpu.memory_space<hbm>>
      %dma_wait3A_272 = arith.constant 0 : i32
      %dma_wait3A_273 = tpu.memref_slice %arg14[%run_scoped3A_3, %dma_wait3A_272] : memref<2x2000xi32, #tpu.memory_space<vmem>> -> memref<1x2000xi32, #tpu.memory_space<vmem>>
      %dma_wait3A_274 = tpu.memref_squeeze %dma_wait3A_273 : memref<1x2000xi32, #tpu.memory_space<vmem>> -> memref<2000xi32, #tpu.memory_space<vmem>>
      %dma_wait3A_275 = tpu.memref_slice %arg4[%run_scoped3A, %mul3A_2] : memref<2x320000xi32, #tpu.memory_space<hbm>> -> memref<1x2000xi32, #tpu.memory_space<hbm>>
      %dma_wait3A_276 = tpu.memref_squeeze %dma_wait3A_275 : memref<1x2000xi32, #tpu.memory_space<hbm>> -> memref<2000xi32, #tpu.memory_space<hbm>>
      tpu.wait_dma2 semaphore(%run_scoped3A_256 : memref<!tpu.dma_semaphore, #tpu.memory_space<semaphore_mem>>) src(%dma_wait3A_276 : memref<2000xi32, #tpu.memory_space<hbm>>) dst(%dma_wait3A_274 : memref<2000xi32, #tpu.memory_space<vmem>>)
      tpu.yield
    }) : () -> ()
    %run_scoped3A_4 = arith.constant 1 : i32
    %run_scoped3A_5 = arith.constant 0 : i32
    "tpu.region"() ({
      %run_scoped3A_256 = tpu.sem_alloc : memref<!tpu.dma_semaphore, #tpu.memory_space<semaphore_mem>>
      %dma_start3A_257 = arith.constant 0 : i32
      %dma_start3A_258 = tpu.memref_slice %arg15[%run_scoped3A_5, %dma_start3A_257] : memref<2x2000xi32, #tpu.memory_space<vmem>> -> memref<1x2000xi32, #tpu.memory_space<vmem>>
      %dma_start3A_259 = tpu.memref_squeeze %dma_start3A_258 : memref<1x2000xi32, #tpu.memory_space<vmem>> -> memref<2000xi32, #tpu.memory_space<vmem>>
      %dma_start3A_260 = tpu.memref_slice %arg4[%run_scoped3A_4, %mul3A_2] : memref<2x320000xi32, #tpu.memory_space<hbm>> -> memref<1x2000xi32, #tpu.memory_space<hbm>>
      %dma_start3A_261 = tpu.memref_squeeze %dma_start3A_260 : memref<1x2000xi32, #tpu.memory_space<hbm>> -> memref<2000xi32, #tpu.memory_space<hbm>>
      %dma_start3A_262 = arith.constant 0 : i32
      %dma_start3A_263 = tpu.memref_slice %arg15[%run_scoped3A_5, %dma_start3A_262] : memref<2x2000xi32, #tpu.memory_space<vmem>> -> memref<1x2000xi32, #tpu.memory_space<vmem>>
      %dma_start3A_264 = tpu.memref_squeeze %dma_start3A_263 : memref<1x2000xi32, #tpu.memory_space<vmem>> -> memref<2000xi32, #tpu.memory_space<vmem>>
      %dma_start3A_265 = tpu.memref_slice %arg4[%run_scoped3A_4, %mul3A_2] : memref<2x320000xi32, #tpu.memory_space<hbm>> -> memref<1x2000xi32, #tpu.memory_space<hbm>>
      %dma_start3A_266 = tpu.memref_squeeze %dma_start3A_265 : memref<1x2000xi32, #tpu.memory_space<hbm>> -> memref<2000xi32, #tpu.memory_space<hbm>>
      tpu.enqueue_dma source(%dma_start3A_266 : memref<2000xi32, #tpu.memory_space<hbm>>) target(%dma_start3A_264 : memref<2000xi32, #tpu.memory_space<vmem>>) target_semaphore(%run_scoped3A_256 : memref<!tpu.dma_semaphore, #tpu.memory_space<semaphore_mem>>)
      %dma_wait3A_267 = arith.constant 0 : i32
      %dma_wait3A_268 = tpu.memref_slice %arg15[%run_scoped3A_5, %dma_wait3A_267] : memref<2x2000xi32, #tpu.memory_space<vmem>> -> memref<1x2000xi32, #tpu.memory_space<vmem>>
      %dma_wait3A_269 = tpu.memref_squeeze %dma_wait3A_268 : memref<1x2000xi32, #tpu.memory_space<vmem>> -> memref<2000xi32, #tpu.memory_space<vmem>>
      %dma_wait3A_270 = tpu.memref_slice %arg4[%run_scoped3A_4, %mul3A_2] : memref<2x320000xi32, #tpu.memory_space<hbm>> -> memref<1x2000xi32, #tpu.memory_space<hbm>>
      %dma_wait3A_271 = tpu.memref_squeeze %dma_wait3A_270 : memref<1x2000xi32, #tpu.memory_space<hbm>> -> memref<2000xi32, #tpu.memory_space<hbm>>
      %dma_wait3A_272 = arith.constant 0 : i32
      %dma_wait3A_273 = tpu.memref_slice %arg15[%run_scoped3A_5, %dma_wait3A_272] : memref<2x2000xi32, #tpu.memory_space<vmem>> -> memref<1x2000xi32, #tpu.memory_space<vmem>>
      %dma_wait3A_274 = tpu.memref_squeeze %dma_wait3A_273 : memref<1x2000xi32, #tpu.memory_space<vmem>> -> memref<2000xi32, #tpu.memory_space<vmem>>
      %dma_wait3A_275 = tpu.memref_slice %arg4[%run_scoped3A_4, %mul3A_2] : memref<2x320000xi32, #tpu.memory_space<hbm>> -> memref<1x2000xi32, #tpu.memory_space<hbm>>
      %dma_wait3A_276 = tpu.memref_squeeze %dma_wait3A_275 : memref<1x2000xi32, #tpu.memory_space<hbm>> -> memref<2000xi32, #tpu.memory_space<hbm>>
      tpu.wait_dma2 semaphore(%run_scoped3A_256 : memref<!tpu.dma_semaphore, #tpu.memory_space<semaphore_mem>>) src(%dma_wait3A_276 : memref<2000xi32, #tpu.memory_space<hbm>>) dst(%dma_wait3A_274 : memref<2000xi32, #tpu.memory_space<vmem>>)
      tpu.yield
    }) : () -> ()
    %mul3A_6 = arith.constant 10240 : i32
    %mul3A_7 = arith.muli %arg1, %mul3A_6 : i32
    %run_scoped3A_8 = arith.constant 0 : i32
    "tpu.region"() ({
      %run_scoped3A_256 = tpu.sem_alloc : memref<!tpu.dma_semaphore, #tpu.memory_space<semaphore_mem>>
      %dma_start3A_257 = tpu.memref_slice %arg2[%run_scoped3A_8, %mul3A_7] : memref<2x163840xf32, #tpu.memory_space<hbm>> -> memref<1x10240xf32, #tpu.memory_space<hbm>>
      %dma_start3A_258 = tpu.memref_squeeze %dma_start3A_257 : memref<1x10240xf32, #tpu.memory_space<hbm>> -> memref<10240xf32, #tpu.memory_space<hbm>>
      %dma_start3A_259 = tpu.memref_slice %arg2[%run_scoped3A_8, %mul3A_7] : memref<2x163840xf32, #tpu.memory_space<hbm>> -> memref<1x10240xf32, #tpu.memory_space<hbm>>
      %dma_start3A_260 = tpu.memref_squeeze %dma_start3A_259 : memref<1x10240xf32, #tpu.memory_space<hbm>> -> memref<10240xf32, #tpu.memory_space<hbm>>
      tpu.enqueue_dma source(%dma_start3A_260 : memref<10240xf32, #tpu.memory_space<hbm>>) target(%arg6 : memref<10240xf32, #tpu.memory_space<vmem>>) target_semaphore(%run_scoped3A_256 : memref<!tpu.dma_semaphore, #tpu.memory_space<semaphore_mem>>)
      %dma_wait3A_261 = tpu.memref_slice %arg2[%run_scoped3A_8, %mul3A_7] : memref<2x163840xf32, #tpu.memory_space<hbm>> -> memref<1x10240xf32, #tpu.memory_space<hbm>>
      %dma_wait3A_262 = tpu.memref_squeeze %dma_wait3A_261 : memref<1x10240xf32, #tpu.memory_space<hbm>> -> memref<10240xf32, #tpu.memory_space<hbm>>
      %dma_wait3A_263 = tpu.memref_slice %arg2[%run_scoped3A_8, %mul3A_7] : memref<2x163840xf32, #tpu.memory_space<hbm>> -> memref<1x10240xf32, #tpu.memory_space<hbm>>
      %dma_wait3A_264 = tpu.memref_squeeze %dma_wait3A_263 : memref<1x10240xf32, #tpu.memory_space<hbm>> -> memref<10240xf32, #tpu.memory_space<hbm>>
      tpu.wait_dma2 semaphore(%run_scoped3A_256 : memref<!tpu.dma_semaphore, #tpu.memory_space<semaphore_mem>>) src(%dma_wait3A_264 : memref<10240xf32, #tpu.memory_space<hbm>>) dst(%arg6 : memref<10240xf32, #tpu.memory_space<vmem>>)
      tpu.yield
    }) : () -> ()
    %mul3A_9 = arith.constant 10240 : i32
    %mul3A_10 = arith.muli %arg1, %mul3A_9 : i32
    %run_scoped3A_11 = arith.constant 1 : i32
    "tpu.region"() ({
      %run_scoped3A_256 = tpu.sem_alloc : memref<!tpu.dma_semaphore, #tpu.memory_space<semaphore_mem>>
      %dma_start3A_257 = tpu.memref_slice %arg2[%run_scoped3A_11, %mul3A_10] : memref<2x163840xf32, #tpu.memory_space<hbm>> -> memref<1x10240xf32, #tpu.memory_space<hbm>>
      %dma_start3A_258 = tpu.memref_squeeze %dma_start3A_257 : memref<1x10240xf32, #tpu.memory_space<hbm>> -> memref<10240xf32, #tpu.memory_space<hbm>>
      %dma_start3A_259 = tpu.memref_slice %arg2[%run_scoped3A_11, %mul3A_10] : memref<2x163840xf32, #tpu.memory_space<hbm>> -> memref<1x10240xf32, #tpu.memory_space<hbm>>
      %dma_start3A_260 = tpu.memref_squeeze %dma_start3A_259 : memref<1x10240xf32, #tpu.memory_space<hbm>> -> memref<10240xf32, #tpu.memory_space<hbm>>
      tpu.enqueue_dma source(%dma_start3A_260 : memref<10240xf32, #tpu.memory_space<hbm>>) target(%arg7 : memref<10240xf32, #tpu.memory_space<vmem>>) target_semaphore(%run_scoped3A_256 : memref<!tpu.dma_semaphore, #tpu.memory_space<semaphore_mem>>)
      %dma_wait3A_261 = tpu.memref_slice %arg2[%run_scoped3A_11, %mul3A_10] : memref<2x163840xf32, #tpu.memory_space<hbm>> -> memref<1x10240xf32, #tpu.memory_space<hbm>>
      %dma_wait3A_262 = tpu.memref_squeeze %dma_wait3A_261 : memref<1x10240xf32, #tpu.memory_space<hbm>> -> memref<10240xf32, #tpu.memory_space<hbm>>
      %dma_wait3A_263 = tpu.memref_slice %arg2[%run_scoped3A_11, %mul3A_10] : memref<2x163840xf32, #tpu.memory_space<hbm>> -> memref<1x10240xf32, #tpu.memory_space<hbm>>
      %dma_wait3A_264 = tpu.memref_squeeze %dma_wait3A_263 : memref<1x10240xf32, #tpu.memory_space<hbm>> -> memref<10240xf32, #tpu.memory_space<hbm>>
      tpu.wait_dma2 semaphore(%run_scoped3A_256 : memref<!tpu.dma_semaphore, #tpu.memory_space<semaphore_mem>>) src(%dma_wait3A_264 : memref<10240xf32, #tpu.memory_space<hbm>>) dst(%arg7 : memref<10240xf32, #tpu.memory_space<vmem>>)
      tpu.yield
    }) : () -> ()
    "tpu.region"() ({
      %run_scoped3A_256 = tpu.sem_alloc : memref<!tpu.dma_semaphore, #tpu.memory_space<semaphore_mem>>
      tpu.enqueue_dma source(%arg3 : memref<48xf32, #tpu.memory_space<hbm>>) target(%arg11 : memref<48xf32, #tpu.memory_space<vmem>>) target_semaphore(%run_scoped3A_256 : memref<!tpu.dma_semaphore, #tpu.memory_space<semaphore_mem>>)
      tpu.wait_dma2 semaphore(%run_scoped3A_256 : memref<!tpu.dma_semaphore, #tpu.memory_space<semaphore_mem>>) src(%arg3 : memref<48xf32, #tpu.memory_space<hbm>>) dst(%arg11 : memref<48xf32, #tpu.memory_space<vmem>>)
      tpu.yield
    }) : () -> ()
    %broadcast_in_dim3A = arith.constant 0.000000e+00 : f32
    %broadcast_in_dim3A_12 = vector.broadcast %broadcast_in_dim3A : f32 to vector<16xf32>
    %scan3A = arith.constant 0 : i32
    %scan3A_13 = arith.constant 640 : i32
    %scan3A_14 = arith.addi %scan3A, %scan3A_13 : i32
    %scan3A_15 = arith.constant 1 : i32
    %scan3A_16:2 = scf.for %scan3A_256 = %scan3A to %scan3A_14 step %scan3A_15 iter_args(%scan3A_257 = %broadcast_in_dim3A_12, %scan3A_258 = %broadcast_in_dim3A_12) -> (vector<16xf32>, vector<16xf32>)  : i32 {
      %mul3A_259 = arith.constant 16 : i32
      %mul3A_260 = arith.muli %scan3A_256, %mul3A_259 : i32
      %get3A_261 = arith.index_cast %mul3A_260 : i32 to index
      %get3A_262 = tpu.vector_load %arg6[%get3A_261] {strides = array<i32>} : memref<10240xf32, #tpu.memory_space<vmem>>, vector<16xf32>,
      %mul3A_263 = arith.constant 16 : i32
      %mul3A_264 = arith.muli %scan3A_256, %mul3A_263 : i32
      %get3A_265 = arith.index_cast %mul3A_264 : i32 to index
      %get3A_266 = tpu.vector_load %arg7[%get3A_265] {strides = array<i32>} : memref<10240xf32, #tpu.memory_space<vmem>>, vector<16xf32>,
      %add3A_267 = arith.addf %get3A_262, %get3A_266 : vector<16xf32>
      %mul3A_268 = arith.constant 16 : i32
      %mul3A_269 = arith.muli %scan3A_256, %mul3A_268 : i32
      %swap3A_270 = arith.index_cast %mul3A_269 : i32 to index
      %swap3A_271 = tpu.vector_load %arg7[%swap3A_270] {strides = array<i32>} : memref<10240xf32, #tpu.memory_space<vmem>>, vector<16xf32>,
      tpu.vector_store %arg7[%swap3A_270], %add3A_267 {strides = array<i32>} : memref<10240xf32, #tpu.memory_space<vmem>>, vector<16xf32>,
      %add3A_272 = arith.addf %scan3A_257, %add3A_267 : vector<16xf32>
      %mul3A_273 = arith.mulf %add3A_267, %add3A_267 : vector<16xf32>
      %add3A_274 = arith.addf %scan3A_258, %mul3A_273 : vector<16xf32>
      scf.yield %add3A_272, %add3A_274 : vector<16xf32>, vector<16xf32>
    }
    %scan3A_17 = arith.constant 640 : i32
    %swap3A = arith.constant 0 : index
    %swap3A_18 = tpu.vector_load %arg8[%swap3A] {strides = array<i32>} : memref<16xf32, #tpu.memory_space<vmem>>, vector<16xf32>,
    tpu.vector_store %arg8[%swap3A], %scan3A_16#0 {strides = array<i32>} : memref<16xf32, #tpu.memory_space<vmem>>, vector<16xf32>,
    %swap3A_19 = arith.constant 0 : index
    %swap3A_20 = tpu.vector_load %arg9[%swap3A_19] {strides = array<i32>} : memref<16xf32, #tpu.memory_space<vmem>>, vector<16xf32>,
    tpu.vector_store %arg9[%swap3A_19], %scan3A_16#1 {strides = array<i32>} : memref<16xf32, #tpu.memory_space<vmem>>, vector<16xf32>,
    %mul3A_21 = arith.constant 2 : i32
    %mul3A_22 = arith.muli %arg1, %mul3A_21 : i32
    %mul3A_23 = arith.constant 16 : i32
    %mul3A_24 = arith.muli %mul3A_22, %mul3A_23 : i32
    "tpu.region"() ({
      %run_scoped3A_256 = tpu.sem_alloc : memref<!tpu.dma_semaphore, #tpu.memory_space<semaphore_mem>>
      %dma_start3A_257 = tpu.memref_slice %arg17[%mul3A_24] : memref<512xf32, #tpu.memory_space<vmem_shared>> -> memref<16xf32, #tpu.memory_space<vmem_shared>>
      %dma_start3A_258 = tpu.memref_slice %arg17[%mul3A_24] : memref<512xf32, #tpu.memory_space<vmem_shared>> -> memref<16xf32, #tpu.memory_space<vmem_shared>>
      tpu.enqueue_dma source(%arg8 : memref<16xf32, #tpu.memory_space<vmem>>) target(%dma_start3A_258 : memref<16xf32, #tpu.memory_space<vmem_shared>>) target_semaphore(%run_scoped3A_256 : memref<!tpu.dma_semaphore, #tpu.memory_space<semaphore_mem>>)
      %dma_wait3A_259 = tpu.memref_slice %arg17[%mul3A_24] : memref<512xf32, #tpu.memory_space<vmem_shared>> -> memref<16xf32, #tpu.memory_space<vmem_shared>>
      %dma_wait3A_260 = tpu.memref_slice %arg17[%mul3A_24] : memref<512xf32, #tpu.memory_space<vmem_shared>> -> memref<16xf32, #tpu.memory_space<vmem_shared>>
      tpu.wait_dma2 semaphore(%run_scoped3A_256 : memref<!tpu.dma_semaphore, #tpu.memory_space<semaphore_mem>>) src(%arg8 : memref<16xf32, #tpu.memory_space<vmem>>) dst(%dma_wait3A_260 : memref<16xf32, #tpu.memory_space<vmem_shared>>)
      tpu.yield
    }) : () -> ()
    %mul3A_25 = arith.constant 2 : i32
    %mul3A_26 = arith.muli %arg1, %mul3A_25 : i32
    %mul3A_27 = arith.constant 16 : i32
    %mul3A_28 = arith.muli %mul3A_26, %mul3A_27 : i32
    %add3A_29 = arith.constant 16 : i32
    %add3A_30 = arith.addi %mul3A_28, %add3A_29 : i32
    "tpu.region"() ({
      %run_scoped3A_256 = tpu.sem_alloc : memref<!tpu.dma_semaphore, #tpu.memory_space<semaphore_mem>>
      %dma_start3A_257 = tpu.memref_slice %arg17[%add3A_30] : memref<512xf32, #tpu.memory_space<vmem_shared>> -> memref<16xf32, #tpu.memory_space<vmem_shared>>
      %dma_start3A_258 = tpu.memref_slice %arg17[%add3A_30] : memref<512xf32, #tpu.memory_space<vmem_shared>> -> memref<16xf32, #tpu.memory_space<vmem_shared>>
      tpu.enqueue_dma source(%arg9 : memref<16xf32, #tpu.memory_space<vmem>>) target(%dma_start3A_258 : memref<16xf32, #tpu.memory_space<vmem_shared>>) target_semaphore(%run_scoped3A_256 : memref<!tpu.dma_semaphore, #tpu.memory_space<semaphore_mem>>)
      %dma_wait3A_259 = tpu.memref_slice %arg17[%add3A_30] : memref<512xf32, #tpu.memory_space<vmem_shared>> -> memref<16xf32, #tpu.memory_space<vmem_shared>>
      %dma_wait3A_260 = tpu.memref_slice %arg17[%add3A_30] : memref<512xf32, #tpu.memory_space<vmem_shared>> -> memref<16xf32, #tpu.memory_space<vmem_shared>>
      tpu.wait_dma2 semaphore(%run_scoped3A_256 : memref<!tpu.dma_semaphore, #tpu.memory_space<semaphore_mem>>) src(%arg9 : memref<16xf32, #tpu.memory_space<vmem>>) dst(%dma_wait3A_260 : memref<16xf32, #tpu.memory_space<vmem_shared>>)
      tpu.yield
    }) : () -> ()
    %barrier3A = arith.constant 0 : index
    tpu.barrier barrier_id(%barrier3A)
    "tpu.region"() ({
      %run_scoped3A_256 = tpu.sem_alloc : memref<!tpu.dma_semaphore, #tpu.memory_space<semaphore_mem>>
      tpu.enqueue_dma source(%arg17 : memref<512xf32, #tpu.memory_space<vmem_shared>>) target(%arg10 : memref<512xf32, #tpu.memory_space<vmem>>) target_semaphore(%run_scoped3A_256 : memref<!tpu.dma_semaphore, #tpu.memory_space<semaphore_mem>>)
      tpu.wait_dma2 semaphore(%run_scoped3A_256 : memref<!tpu.dma_semaphore, #tpu.memory_space<semaphore_mem>>) src(%arg17 : memref<512xf32, #tpu.memory_space<vmem_shared>>) dst(%arg10 : memref<512xf32, #tpu.memory_space<vmem>>)
      tpu.yield
    }) : () -> ()
    %scan3A_31 = arith.constant 0 : i32
    %scan3A_32 = arith.constant 16 : i32
    %scan3A_33 = arith.addi %scan3A_31, %scan3A_32 : i32
    %scan3A_34 = arith.constant 1 : i32
    %scan3A_35:2 = scf.for %scan3A_256 = %scan3A_31 to %scan3A_33 step %scan3A_34 iter_args(%scan3A_257 = %broadcast_in_dim3A_12, %scan3A_258 = %broadcast_in_dim3A_12) -> (vector<16xf32>, vector<16xf32>)  : i32 {
      %mul3A_259 = arith.constant 2 : i32
      %mul3A_260 = arith.muli %scan3A_256, %mul3A_259 : i32
      %mul3A_261 = arith.constant 16 : i32
      %mul3A_262 = arith.muli %mul3A_260, %mul3A_261 : i32
      %get3A_263 = arith.index_cast %mul3A_262 : i32 to index
      %get3A_264 = tpu.vector_load %arg10[%get3A_263] {strides = array<i32>} : memref<512xf32, #tpu.memory_space<vmem>>, vector<16xf32>,
      %add3A_265 = arith.addf %scan3A_257, %get3A_264 : vector<16xf32>
      %mul3A_266 = arith.constant 2 : i32
      %mul3A_267 = arith.muli %scan3A_256, %mul3A_266 : i32
      %mul3A_268 = arith.constant 16 : i32
      %mul3A_269 = arith.muli %mul3A_267, %mul3A_268 : i32
      %add3A_270 = arith.constant 16 : i32
      %add3A_271 = arith.addi %mul3A_269, %add3A_270 : i32
      %get3A_272 = arith.index_cast %add3A_271 : i32 to index
      %get3A_273 = tpu.vector_load %arg10[%get3A_272] {strides = array<i32>} : memref<512xf32, #tpu.memory_space<vmem>>, vector<16xf32>,
      %add3A_274 = arith.addf %scan3A_258, %get3A_273 : vector<16xf32>
      scf.yield %add3A_265, %add3A_274 : vector<16xf32>, vector<16xf32>
    }
    %scan3A_36 = arith.constant 16 : i32
    %mul3A_37 = arith.constant 9.99999974E-5 : f32
    %mul3A_38 = vector.broadcast %mul3A_37 : f32 to vector<16xf32>
    %mul3A_39 = arith.mulf %scan3A_35#0, %mul3A_38 : vector<16xf32>
    %mul3A_40 = arith.constant 9.99999974E-5 : f32
    %mul3A_41 = vector.broadcast %mul3A_40 : f32 to vector<16xf32>
    %mul3A_42 = arith.mulf %scan3A_35#1, %mul3A_41 : vector<16xf32>
    %mul3A_43 = arith.mulf %mul3A_39, %mul3A_39 : vector<16xf32>
    %sub3A = arith.subf %mul3A_42, %mul3A_43 : vector<16xf32>
    %add3A_44 = arith.constant 9.99999974E-6 : f32
    %add3A_45 = vector.broadcast %add3A_44 : f32 to vector<16xf32>
    %add3A_46 = arith.addf %sub3A, %add3A_45 : vector<16xf32>
    %bitcast3A = vector.bitcast %add3A_46 : vector<16xf32> to vector<16xi32>
    %shift_right_arithmetic3A = arith.constant 1 : i32
    %shift_right_arithmetic3A_47 = vector.broadcast %shift_right_arithmetic3A : i32 to vector<16xi32>
    %shift_right_arithmetic3A_48 = arith.shrsi %bitcast3A, %shift_right_arithmetic3A_47 : vector<16xi32>
    %sub3A_49 = arith.constant 1597463007 : i32
    %sub3A_50 = vector.broadcast %sub3A_49 : i32 to vector<16xi32>
    %sub3A_51 = arith.subi %sub3A_50, %shift_right_arithmetic3A_48 : vector<16xi32>
    %bitcast3A_52 = vector.bitcast %sub3A_51 : vector<16xi32> to vector<16xf32>
    %mul3A_53 = arith.constant 5.000000e-01 : f32
    %mul3A_54 = vector.broadcast %mul3A_53 : f32 to vector<16xf32>
    %mul3A_55 = arith.mulf %mul3A_54, %add3A_46 : vector<16xf32>
    %mul3A_56 = arith.mulf %mul3A_55, %bitcast3A_52 : vector<16xf32>
    %mul3A_57 = arith.mulf %mul3A_56, %bitcast3A_52 : vector<16xf32>
    %sub3A_58 = arith.constant 1.500000e+00 : f32
    %sub3A_59 = vector.broadcast %sub3A_58 : f32 to vector<16xf32>
    %sub3A_60 = arith.subf %sub3A_59, %mul3A_57 : vector<16xf32>
    %mul3A_61 = arith.mulf %bitcast3A_52, %sub3A_60 : vector<16xf32>
    %mul3A_62 = arith.constant 5.000000e-01 : f32
    %mul3A_63 = vector.broadcast %mul3A_62 : f32 to vector<16xf32>
    %mul3A_64 = arith.mulf %mul3A_63, %add3A_46 : vector<16xf32>
    %mul3A_65 = arith.mulf %mul3A_64, %mul3A_61 : vector<16xf32>
    %mul3A_66 = arith.mulf %mul3A_65, %mul3A_61 : vector<16xf32>
    %sub3A_67 = arith.constant 1.500000e+00 : f32
    %sub3A_68 = vector.broadcast %sub3A_67 : f32 to vector<16xf32>
    %sub3A_69 = arith.subf %sub3A_68, %mul3A_66 : vector<16xf32>
    %mul3A_70 = arith.mulf %mul3A_61, %sub3A_69 : vector<16xf32>
    %mul3A_71 = arith.constant 5.000000e-01 : f32
    %mul3A_72 = vector.broadcast %mul3A_71 : f32 to vector<16xf32>
    %mul3A_73 = arith.mulf %mul3A_72, %add3A_46 : vector<16xf32>
    %mul3A_74 = arith.mulf %mul3A_73, %mul3A_70 : vector<16xf32>
    %mul3A_75 = arith.mulf %mul3A_74, %mul3A_70 : vector<16xf32>
    %sub3A_76 = arith.constant 1.500000e+00 : f32
    %sub3A_77 = vector.broadcast %sub3A_76 : f32 to vector<16xf32>
    %sub3A_78 = arith.subf %sub3A_77, %mul3A_75 : vector<16xf32>
    %mul3A_79 = arith.mulf %mul3A_70, %sub3A_78 : vector<16xf32>
    %get3A = arith.constant 0 : index
    %get3A_80 = tpu.vector_load %arg11[%get3A] {strides = array<i32>} : memref<48xf32, #tpu.memory_space<vmem>>, vector<16xf32>,
    %mul3A_81 = arith.mulf %mul3A_79, %get3A_80 : vector<16xf32>
    %get3A_82 = arith.constant 16 : index
    %get3A_83 = tpu.vector_load %arg11[%get3A_82] {strides = array<i32>} : memref<48xf32, #tpu.memory_space<vmem>>, vector<16xf32>,
    %mul3A_84 = arith.mulf %mul3A_39, %mul3A_81 : vector<16xf32>
    %sub3A_85 = arith.subf %get3A_83, %mul3A_84 : vector<16xf32>
    %get3A_86 = arith.constant 32 : index
    %get3A_87 = tpu.vector_load %arg11[%get3A_86] {strides = array<i32>} : memref<48xf32, #tpu.memory_space<vmem>>, vector<16xf32>,
    %iota3A = tpu.iota {dimensions = array<i32: 0>} : vector<16xi32>
    %scan3A_88 = arith.constant 0 : i32
    %scan3A_89 = arith.constant 0 : i32
    %scan3A_90 = arith.constant 40 : i32
    %scan3A_91 = arith.addi %scan3A_89, %scan3A_90 : i32
    %scan3A_92 = arith.constant 1 : i32
    %scan3A_93 = scf.for %scan3A_256 = %scan3A_89 to %scan3A_91 step %scan3A_92 iter_args(%scan3A_257 = %scan3A_88) -> (i32)  : i32 {
      %broadcast_in_dim3A_258 = arith.constant 0.000000e+00 : f32
      %broadcast_in_dim3A_259 = vector.broadcast %broadcast_in_dim3A_258 : f32 to vector<16xf32>
      %scan3A_260 = arith.constant 0 : i32
      %scan3A_261 = arith.constant 16 : i32
      %scan3A_262 = arith.addi %scan3A_260, %scan3A_261 : i32
      %scan3A_263 = arith.constant 1 : i32
      %scan3A_264 = scf.for %scan3A_271 = %scan3A_260 to %scan3A_262 step %scan3A_263 iter_args(%scan3A_272 = %broadcast_in_dim3A_259) -> (vector<16xf32>)  : i32 {
        %mul3A_273 = arith.constant 16 : i32
        %mul3A_274 = arith.muli %scan3A_256, %mul3A_273 : i32
        %add3A_275 = arith.addi %mul3A_274, %scan3A_271 : i32
        %mul3A_276 = arith.constant 16 : i32
        %mul3A_277 = arith.muli %add3A_275, %mul3A_276 : i32
        %get3A_278 = arith.index_cast %mul3A_277 : i32 to index
        %get3A_279 = tpu.vector_load %arg7[%get3A_278] {strides = array<i32>} : memref<10240xf32, #tpu.memory_space<vmem>>, vector<16xf32>,
        %mul3A_280 = arith.mulf %get3A_279, %mul3A_81 : vector<16xf32>
        %add3A_281 = arith.addf %mul3A_280, %sub3A_85 : vector<16xf32>
        %gt3A = arith.constant 0.000000e+00 : f32
        %gt3A_282 = vector.broadcast %gt3A : f32 to vector<16xf32>
        %gt3A_283 = arith.cmpf ogt, %add3A_281, %gt3A_282 : vector<16xf32>
        %exp3A = math.exp %add3A_281 : vector<16xf32>
        %sub3A_284 = arith.constant 1.000000e+00 : f32
        %sub3A_285 = vector.broadcast %sub3A_284 : f32 to vector<16xf32>
        %sub3A_286 = arith.subf %exp3A, %sub3A_285 : vector<16xf32>
        %select_n3A = arith.select %gt3A_283, %add3A_281, %sub3A_286 : vector<16xi1>, vector<16xf32>
        %eq3A_287 = vector.broadcast %scan3A_271 : i32 to vector<16xi32>
        %eq3A_288 = arith.cmpi eq, %iota3A, %eq3A_287 : vector<16xi32>
        %mul3A_289 = arith.mulf %select_n3A, %get3A_87 : vector<16xf32>
        %reduce_sum3A = arith.constant true
        %reduce_sum3A_290 = vector.broadcast %reduce_sum3A : i1 to vector<16xi1>
        %reduce_sum3A_291 = tpu.scan <sum>, %mul3A_289 masked %reduce_sum3A_290 : vector<16xf32>, vector<16xi1> -> vector<16xf32>
        %reduce_sum3A_292 = vector.extract %reduce_sum3A_291[15] : f32 from vector<16xf32>
        %broadcast_in_dim3A_293 = vector.broadcast %reduce_sum3A_292 : f32 to vector<16xf32>
        %select_n3A_294 = arith.select %eq3A_288, %broadcast_in_dim3A_293, %scan3A_272 : vector<16xi1>, vector<16xf32>
        scf.yield %select_n3A_294 : vector<16xf32>
      }
      %scan3A_265 = arith.constant 16 : i32
      %mul3A_266 = arith.constant 16 : i32
      %mul3A_267 = arith.muli %scan3A_256, %mul3A_266 : i32
      %swap3A_268 = arith.index_cast %mul3A_267 : i32 to index
      %swap3A_269 = tpu.vector_load %arg12[%swap3A_268] {strides = array<i32>} : memref<640xf32, #tpu.memory_space<vmem>>, vector<16xf32>,
      tpu.vector_store %arg12[%swap3A_268], %scan3A_264 {strides = array<i32>} : memref<640xf32, #tpu.memory_space<vmem>>, vector<16xf32>,
      %scan3A_270 = arith.constant 0 : i32
      scf.yield %scan3A_270 : i32
    }
    %scan3A_94 = arith.constant 40 : i32
    %scan3A_95 = arith.constant 0 : i32
    %scan3A_96 = arith.constant 0 : i32
    %scan3A_97 = arith.constant 40 : i32
    %scan3A_98 = arith.addi %scan3A_96, %scan3A_97 : i32
    %scan3A_99 = arith.constant 1 : i32
    %scan3A_100 = scf.for %scan3A_256 = %scan3A_96 to %scan3A_98 step %scan3A_99 iter_args(%scan3A_257 = %scan3A_95) -> (i32)  : i32 {
      %broadcast_in_dim3A_258 = arith.constant 0.000000e+00 : f32
      %broadcast_in_dim3A_259 = vector.broadcast %broadcast_in_dim3A_258 : f32 to vector<16xf32>
      %mul3A_260 = arith.constant 16 : i32
      %mul3A_261 = arith.muli %scan3A_256, %mul3A_260 : i32
      %swap3A_262 = arith.index_cast %mul3A_261 : i32 to index
      %swap3A_263 = tpu.vector_load %arg13[%swap3A_262] {strides = array<i32>} : memref<640xf32, #tpu.memory_space<vmem>>, vector<16xf32>,
      tpu.vector_store %arg13[%swap3A_262], %broadcast_in_dim3A_259 {strides = array<i32>} : memref<640xf32, #tpu.memory_space<vmem>>, vector<16xf32>,
      %scan3A_264 = arith.constant 0 : i32
      scf.yield %scan3A_264 : i32
    }
    %scan3A_101 = arith.constant 40 : i32
    %mul3A_102 = arith.constant 640 : i32
    %mul3A_103 = arith.muli %arg1, %mul3A_102 : i32
    "tpu.region"() ({
      %run_scoped3A_256 = tpu.sem_alloc : memref<!tpu.dma_semaphore, #tpu.memory_space<semaphore_mem>>
      %dma_start3A_257 = tpu.memref_slice %arg18[%mul3A_103] : memref<10240xf32, #tpu.memory_space<vmem_shared>> -> memref<640xf32, #tpu.memory_space<vmem_shared>>
      %dma_start3A_258 = tpu.memref_slice %arg18[%mul3A_103] : memref<10240xf32, #tpu.memory_space<vmem_shared>> -> memref<640xf32, #tpu.memory_space<vmem_shared>>
      tpu.enqueue_dma source(%arg12 : memref<640xf32, #tpu.memory_space<vmem>>) target(%dma_start3A_258 : memref<640xf32, #tpu.memory_space<vmem_shared>>) target_semaphore(%run_scoped3A_256 : memref<!tpu.dma_semaphore, #tpu.memory_space<semaphore_mem>>)
      %dma_wait3A_259 = tpu.memref_slice %arg18[%mul3A_103] : memref<10240xf32, #tpu.memory_space<vmem_shared>> -> memref<640xf32, #tpu.memory_space<vmem_shared>>
      %dma_wait3A_260 = tpu.memref_slice %arg18[%mul3A_103] : memref<10240xf32, #tpu.memory_space<vmem_shared>> -> memref<640xf32, #tpu.memory_space<vmem_shared>>
      tpu.wait_dma2 semaphore(%run_scoped3A_256 : memref<!tpu.dma_semaphore, #tpu.memory_space<semaphore_mem>>) src(%arg12 : memref<640xf32, #tpu.memory_space<vmem>>) dst(%dma_wait3A_260 : memref<640xf32, #tpu.memory_space<vmem_shared>>)
      tpu.yield
    }) : () -> ()
    %eq3A = arith.constant 0 : i32
    %eq3A_104 = arith.cmpi eq, %arg0, %eq3A : i32
    %convert_element_type3A = arith.extui %eq3A_104 : i1 to i32
    %cond3A = arith.constant 0 : i32
    %cond3A_105 = arith.cmpi ne, %convert_element_type3A, %cond3A : i32
    scf.if %cond3A_105 {
      %mul3A_256 = arith.constant 640 : i32
      %mul3A_257 = arith.muli %arg1, %mul3A_256 : i32
      "tpu.region"() ({
        %run_scoped3A_258 = tpu.sem_alloc : memref<!tpu.dma_semaphore, #tpu.memory_space<semaphore_mem>>
        %dma_start3A_259 = tpu.memref_slice %arg19[%mul3A_257] : memref<10240xf32, #tpu.memory_space<vmem_shared>> -> memref<640xf32, #tpu.memory_space<vmem_shared>>
        %dma_start3A_260 = tpu.memref_slice %arg19[%mul3A_257] : memref<10240xf32, #tpu.memory_space<vmem_shared>> -> memref<640xf32, #tpu.memory_space<vmem_shared>>
        tpu.enqueue_dma source(%arg12 : memref<640xf32, #tpu.memory_space<vmem>>) target(%dma_start3A_260 : memref<640xf32, #tpu.memory_space<vmem_shared>>) target_semaphore(%run_scoped3A_258 : memref<!tpu.dma_semaphore, #tpu.memory_space<semaphore_mem>>)
        %dma_wait3A_261 = tpu.memref_slice %arg19[%mul3A_257] : memref<10240xf32, #tpu.memory_space<vmem_shared>> -> memref<640xf32, #tpu.memory_space<vmem_shared>>
        %dma_wait3A_262 = tpu.memref_slice %arg19[%mul3A_257] : memref<10240xf32, #tpu.memory_space<vmem_shared>> -> memref<640xf32, #tpu.memory_space<vmem_shared>>
        tpu.wait_dma2 semaphore(%run_scoped3A_258 : memref<!tpu.dma_semaphore, #tpu.memory_space<semaphore_mem>>) src(%arg12 : memref<640xf32, #tpu.memory_space<vmem>>) dst(%dma_wait3A_262 : memref<640xf32, #tpu.memory_space<vmem_shared>>)
        tpu.yield
      }) : () -> ()
    } else {
    }
    %ne3A = arith.constant 0 : i32
    %ne3A_106 = arith.cmpi ne, %arg0, %ne3A : i32
    %convert_element_type3A_107 = arith.extui %ne3A_106 : i1 to i32
    %cond3A_108 = arith.constant 0 : i32
    %cond3A_109 = arith.cmpi ne, %convert_element_type3A_107, %cond3A_108 : i32
    scf.if %cond3A_109 {
      %mul3A_256 = arith.constant 640 : i32
      %mul3A_257 = arith.muli %arg1, %mul3A_256 : i32
      "tpu.region"() ({
        %run_scoped3A_258 = tpu.sem_alloc : memref<!tpu.dma_semaphore, #tpu.memory_space<semaphore_mem>>
        %dma_start3A_259 = tpu.memref_slice %arg19[%mul3A_257] : memref<10240xf32, #tpu.memory_space<vmem_shared>> -> memref<640xf32, #tpu.memory_space<vmem_shared>>
        %dma_start3A_260 = tpu.memref_slice %arg19[%mul3A_257] : memref<10240xf32, #tpu.memory_space<vmem_shared>> -> memref<640xf32, #tpu.memory_space<vmem_shared>>
        tpu.enqueue_dma source(%arg13 : memref<640xf32, #tpu.memory_space<vmem>>) target(%dma_start3A_260 : memref<640xf32, #tpu.memory_space<vmem_shared>>) target_semaphore(%run_scoped3A_258 : memref<!tpu.dma_semaphore, #tpu.memory_space<semaphore_mem>>)
        %dma_wait3A_261 = tpu.memref_slice %arg19[%mul3A_257] : memref<10240xf32, #tpu.memory_space<vmem_shared>> -> memref<640xf32, #tpu.memory_space<vmem_shared>>
        %dma_wait3A_262 = tpu.memref_slice %arg19[%mul3A_257] : memref<10240xf32, #tpu.memory_space<vmem_shared>> -> memref<640xf32, #tpu.memory_space<vmem_shared>>
        tpu.wait_dma2 semaphore(%run_scoped3A_258 : memref<!tpu.dma_semaphore, #tpu.memory_space<semaphore_mem>>) src(%arg13 : memref<640xf32, #tpu.memory_space<vmem>>) dst(%dma_wait3A_262 : memref<640xf32, #tpu.memory_space<vmem_shared>>)
        tpu.yield
      }) : () -> ()
    } else {
    }
    %barrier3A_110 = arith.constant 0 : index
    tpu.barrier barrier_id(%barrier3A_110)
    %dma_start3A = arith.constant 0 : i32
    %dma_start3A_111 = arith.constant 0 : i32
    %dma_start3A_112 = arith.constant 0 : i32
    %dma_start3A_113 = tpu.memref_slice %arg16[%dma_start3A_111, %dma_start3A_112] : memref<2x2000xf32, #tpu.memory_space<vmem>> -> memref<1x2000xf32, #tpu.memory_space<vmem>>
    %dma_start3A_114 = tpu.memref_squeeze %dma_start3A_113 : memref<1x2000xf32, #tpu.memory_space<vmem>> -> memref<2000xf32, #tpu.memory_space<vmem>>
    %dma_start3A_115 = arith.constant 0 : i32
    %dma_start3A_116 = tpu.memref_slice %arg14[%dma_start3A, %dma_start3A_115] : memref<2x2000xi32, #tpu.memory_space<vmem>> -> memref<1x2000xi32, #tpu.memory_space<vmem>>
    %dma_start3A_117 = tpu.memref_squeeze %dma_start3A_116 : memref<1x2000xi32, #tpu.memory_space<vmem>> -> memref<2000xi32, #tpu.memory_space<vmem>>
    %dma_start3A_118 = arith.constant 0 : i32
    %dma_start3A_119 = tpu.memref_slice %arg18[%dma_start3A_118] : memref<10240xf32, #tpu.memory_space<vmem_shared>> -> memref<10240xf32, #tpu.memory_space<vmem_shared>>
    tpu.enqueue_indirect_dma source(%dma_start3A_119 : memref<10240xf32, #tpu.memory_space<vmem_shared>>) target(%dma_start3A_114 : memref<2000xf32, #tpu.memory_space<vmem>>) offsets(%dma_start3A_117 : memref<2000xi32, #tpu.memory_space<vmem>>) semaphore(%arg20 : memref<!tpu.dma_semaphore, #tpu.memory_space<semaphore_mem>>)
    %mul3A_120 = arith.constant 10000 : i32
    %mul3A_121 = arith.muli %add3A, %mul3A_120 : i32
    %add3A_122 = arith.constant 2000 : i32
    %add3A_123 = arith.addi %mul3A_121, %add3A_122 : i32
    %run_scoped3A_124 = arith.constant 0 : i32
    %run_scoped3A_125 = arith.constant 1 : i32
    "tpu.region"() ({
      %run_scoped3A_256 = tpu.sem_alloc : memref<!tpu.dma_semaphore, #tpu.memory_space<semaphore_mem>>
      %dma_start3A_257 = arith.constant 0 : i32
      %dma_start3A_258 = tpu.memref_slice %arg14[%run_scoped3A_125, %dma_start3A_257] : memref<2x2000xi32, #tpu.memory_space<vmem>> -> memref<1x2000xi32, #tpu.memory_space<vmem>>
      %dma_start3A_259 = tpu.memref_squeeze %dma_start3A_258 : memref<1x2000xi32, #tpu.memory_space<vmem>> -> memref<2000xi32, #tpu.memory_space<vmem>>
      %dma_start3A_260 = tpu.memref_slice %arg4[%run_scoped3A_124, %add3A_123] : memref<2x320000xi32, #tpu.memory_space<hbm>> -> memref<1x2000xi32, #tpu.memory_space<hbm>>
      %dma_start3A_261 = tpu.memref_squeeze %dma_start3A_260 : memref<1x2000xi32, #tpu.memory_space<hbm>> -> memref<2000xi32, #tpu.memory_space<hbm>>
      %dma_start3A_262 = arith.constant 0 : i32
      %dma_start3A_263 = tpu.memref_slice %arg14[%run_scoped3A_125, %dma_start3A_262] : memref<2x2000xi32, #tpu.memory_space<vmem>> -> memref<1x2000xi32, #tpu.memory_space<vmem>>
      %dma_start3A_264 = tpu.memref_squeeze %dma_start3A_263 : memref<1x2000xi32, #tpu.memory_space<vmem>> -> memref<2000xi32, #tpu.memory_space<vmem>>
      %dma_start3A_265 = tpu.memref_slice %arg4[%run_scoped3A_124, %add3A_123] : memref<2x320000xi32, #tpu.memory_space<hbm>> -> memref<1x2000xi32, #tpu.memory_space<hbm>>
      %dma_start3A_266 = tpu.memref_squeeze %dma_start3A_265 : memref<1x2000xi32, #tpu.memory_space<hbm>> -> memref<2000xi32, #tpu.memory_space<hbm>>
      tpu.enqueue_dma source(%dma_start3A_266 : memref<2000xi32, #tpu.memory_space<hbm>>) target(%dma_start3A_264 : memref<2000xi32, #tpu.memory_space<vmem>>) target_semaphore(%run_scoped3A_256 : memref<!tpu.dma_semaphore, #tpu.memory_space<semaphore_mem>>)
      %dma_wait3A_267 = arith.constant 0 : i32
      %dma_wait3A_268 = tpu.memref_slice %arg14[%run_scoped3A_125, %dma_wait3A_267] : memref<2x2000xi32, #tpu.memory_space<vmem>> -> memref<1x2000xi32, #tpu.memory_space<vmem>>
      %dma_wait3A_269 = tpu.memref_squeeze %dma_wait3A_268 : memref<1x2000xi32, #tpu.memory_space<vmem>> -> memref<2000xi32, #tpu.memory_space<vmem>>
      %dma_wait3A_270 = tpu.memref_slice %arg4[%run_scoped3A_124, %add3A_123] : memref<2x320000xi32, #tpu.memory_space<hbm>> -> memref<1x2000xi32, #tpu.memory_space<hbm>>
      %dma_wait3A_271 = tpu.memref_squeeze %dma_wait3A_270 : memref<1x2000xi32, #tpu.memory_space<hbm>> -> memref<2000xi32, #tpu.memory_space<hbm>>
      %dma_wait3A_272 = arith.constant 0 : i32
      %dma_wait3A_273 = tpu.memref_slice %arg14[%run_scoped3A_125, %dma_wait3A_272] : memref<2x2000xi32, #tpu.memory_space<vmem>> -> memref<1x2000xi32, #tpu.memory_space<vmem>>
      %dma_wait3A_274 = tpu.memref_squeeze %dma_wait3A_273 : memref<1x2000xi32, #tpu.memory_space<vmem>> -> memref<2000xi32, #tpu.memory_space<vmem>>
      %dma_wait3A_275 = tpu.memref_slice %arg4[%run_scoped3A_124, %add3A_123] : memref<2x320000xi32, #tpu.memory_space<hbm>> -> memref<1x2000xi32, #tpu.memory_space<hbm>>
      %dma_wait3A_276 = tpu.memref_squeeze %dma_wait3A_275 : memref<1x2000xi32, #tpu.memory_space<hbm>> -> memref<2000xi32, #tpu.memory_space<hbm>>
      tpu.wait_dma2 semaphore(%run_scoped3A_256 : memref<!tpu.dma_semaphore, #tpu.memory_space<semaphore_mem>>) src(%dma_wait3A_276 : memref<2000xi32, #tpu.memory_space<hbm>>) dst(%dma_wait3A_274 : memref<2000xi32, #tpu.memory_space<vmem>>)
      tpu.yield
    }) : () -> ()
    %run_scoped3A_126 = arith.constant 1 : i32
    %run_scoped3A_127 = arith.constant 1 : i32
    "tpu.region"() ({
      %run_scoped3A_256 = tpu.sem_alloc : memref<!tpu.dma_semaphore, #tpu.memory_space<semaphore_mem>>
      %dma_start3A_257 = arith.constant 0 : i32
      %dma_start3A_258 = tpu.memref_slice %arg15[%run_scoped3A_127, %dma_start3A_257] : memref<2x2000xi32, #tpu.memory_space<vmem>> -> memref<1x2000xi32, #tpu.memory_space<vmem>>
      %dma_start3A_259 = tpu.memref_squeeze %dma_start3A_258 : memref<1x2000xi32, #tpu.memory_space<vmem>> -> memref<2000xi32, #tpu.memory_space<vmem>>
      %dma_start3A_260 = tpu.memref_slice %arg4[%run_scoped3A_126, %add3A_123] : memref<2x320000xi32, #tpu.memory_space<hbm>> -> memref<1x2000xi32, #tpu.memory_space<hbm>>
      %dma_start3A_261 = tpu.memref_squeeze %dma_start3A_260 : memref<1x2000xi32, #tpu.memory_space<hbm>> -> memref<2000xi32, #tpu.memory_space<hbm>>
      %dma_start3A_262 = arith.constant 0 : i32
      %dma_start3A_263 = tpu.memref_slice %arg15[%run_scoped3A_127, %dma_start3A_262] : memref<2x2000xi32, #tpu.memory_space<vmem>> -> memref<1x2000xi32, #tpu.memory_space<vmem>>
      %dma_start3A_264 = tpu.memref_squeeze %dma_start3A_263 : memref<1x2000xi32, #tpu.memory_space<vmem>> -> memref<2000xi32, #tpu.memory_space<vmem>>
      %dma_start3A_265 = tpu.memref_slice %arg4[%run_scoped3A_126, %add3A_123] : memref<2x320000xi32, #tpu.memory_space<hbm>> -> memref<1x2000xi32, #tpu.memory_space<hbm>>
      %dma_start3A_266 = tpu.memref_squeeze %dma_start3A_265 : memref<1x2000xi32, #tpu.memory_space<hbm>> -> memref<2000xi32, #tpu.memory_space<hbm>>
      tpu.enqueue_dma source(%dma_start3A_266 : memref<2000xi32, #tpu.memory_space<hbm>>) target(%dma_start3A_264 : memref<2000xi32, #tpu.memory_space<vmem>>) target_semaphore(%run_scoped3A_256 : memref<!tpu.dma_semaphore, #tpu.memory_space<semaphore_mem>>)
      %dma_wait3A_267 = arith.constant 0 : i32
      %dma_wait3A_268 = tpu.memref_slice %arg15[%run_scoped3A_127, %dma_wait3A_267] : memref<2x2000xi32, #tpu.memory_space<vmem>> -> memref<1x2000xi32, #tpu.memory_space<vmem>>
      %dma_wait3A_269 = tpu.memref_squeeze %dma_wait3A_268 : memref<1x2000xi32, #tpu.memory_space<vmem>> -> memref<2000xi32, #tpu.memory_space<vmem>>
      %dma_wait3A_270 = tpu.memref_slice %arg4[%run_scoped3A_126, %add3A_123] : memref<2x320000xi32, #tpu.memory_space<hbm>> -> memref<1x2000xi32, #tpu.memory_space<hbm>>
      %dma_wait3A_271 = tpu.memref_squeeze %dma_wait3A_270 : memref<1x2000xi32, #tpu.memory_space<hbm>> -> memref<2000xi32, #tpu.memory_space<hbm>>
      %dma_wait3A_272 = arith.constant 0 : i32
      %dma_wait3A_273 = tpu.memref_slice %arg15[%run_scoped3A_127, %dma_wait3A_272] : memref<2x2000xi32, #tpu.memory_space<vmem>> -> memref<1x2000xi32, #tpu.memory_space<vmem>>
      %dma_wait3A_274 = tpu.memref_squeeze %dma_wait3A_273 : memref<1x2000xi32, #tpu.memory_space<vmem>> -> memref<2000xi32, #tpu.memory_space<vmem>>
      %dma_wait3A_275 = tpu.memref_slice %arg4[%run_scoped3A_126, %add3A_123] : memref<2x320000xi32, #tpu.memory_space<hbm>> -> memref<1x2000xi32, #tpu.memory_space<hbm>>
      %dma_wait3A_276 = tpu.memref_squeeze %dma_wait3A_275 : memref<1x2000xi32, #tpu.memory_space<hbm>> -> memref<2000xi32, #tpu.memory_space<hbm>>
      tpu.wait_dma2 semaphore(%run_scoped3A_256 : memref<!tpu.dma_semaphore, #tpu.memory_space<semaphore_mem>>) src(%dma_wait3A_276 : memref<2000xi32, #tpu.memory_space<hbm>>) dst(%dma_wait3A_274 : memref<2000xi32, #tpu.memory_space<vmem>>)
      tpu.yield
    }) : () -> ()
    %dma_wait3A = arith.constant 0 : i32
    %dma_wait3A_128 = arith.constant 0 : i32
    %dma_wait3A_129 = arith.constant 0 : i32
    %dma_wait3A_130 = tpu.memref_slice %arg16[%dma_wait3A_128, %dma_wait3A_129] : memref<2x2000xf32, #tpu.memory_space<vmem>> -> memref<1x2000xf32, #tpu.memory_space<vmem>>
    %dma_wait3A_131 = tpu.memref_squeeze %dma_wait3A_130 : memref<1x2000xf32, #tpu.memory_space<vmem>> -> memref<2000xf32, #tpu.memory_space<vmem>>
    %dma_wait3A_132 = arith.constant 0 : i32
    %dma_wait3A_133 = tpu.memref_slice %arg14[%dma_wait3A, %dma_wait3A_132] : memref<2x2000xi32, #tpu.memory_space<vmem>> -> memref<1x2000xi32, #tpu.memory_space<vmem>>
    %dma_wait3A_134 = tpu.memref_squeeze %dma_wait3A_133 : memref<1x2000xi32, #tpu.memory_space<vmem>> -> memref<2000xi32, #tpu.memory_space<vmem>>
    %dma_wait3A_135 = arith.constant 0 : i32
    %dma_wait3A_136 = tpu.memref_slice %arg18[%dma_wait3A_135] : memref<10240xf32, #tpu.memory_space<vmem_shared>> -> memref<10240xf32, #tpu.memory_space<vmem_shared>>
    tpu.wait_indirect_dma semaphore(%arg20 : memref<!tpu.dma_semaphore, #tpu.memory_space<semaphore_mem>>) src(%dma_wait3A_136 : memref<10240xf32, #tpu.memory_space<vmem_shared>>) dst(%dma_wait3A_131 : memref<2000xf32, #tpu.memory_space<vmem>>)
    %dma_start3A_137 = arith.constant 1 : i32
    %dma_start3A_138 = arith.constant 1 : i32
    %dma_start3A_139 = arith.constant 0 : i32
    %dma_start3A_140 = tpu.memref_slice %arg16[%dma_start3A_138, %dma_start3A_139] : memref<2x2000xf32, #tpu.memory_space<vmem>> -> memref<1x2000xf32, #tpu.memory_space<vmem>>
    %dma_start3A_141 = tpu.memref_squeeze %dma_start3A_140 : memref<1x2000xf32, #tpu.memory_space<vmem>> -> memref<2000xf32, #tpu.memory_space<vmem>>
    %dma_start3A_142 = arith.constant 0 : i32
    %dma_start3A_143 = tpu.memref_slice %arg14[%dma_start3A_137, %dma_start3A_142] : memref<2x2000xi32, #tpu.memory_space<vmem>> -> memref<1x2000xi32, #tpu.memory_space<vmem>>
    %dma_start3A_144 = tpu.memref_squeeze %dma_start3A_143 : memref<1x2000xi32, #tpu.memory_space<vmem>> -> memref<2000xi32, #tpu.memory_space<vmem>>
    %dma_start3A_145 = arith.constant 0 : i32
    %dma_start3A_146 = tpu.memref_slice %arg18[%dma_start3A_145] : memref<10240xf32, #tpu.memory_space<vmem_shared>> -> memref<10240xf32, #tpu.memory_space<vmem_shared>>
    tpu.enqueue_indirect_dma source(%dma_start3A_146 : memref<10240xf32, #tpu.memory_space<vmem_shared>>) target(%dma_start3A_141 : memref<2000xf32, #tpu.memory_space<vmem>>) offsets(%dma_start3A_144 : memref<2000xi32, #tpu.memory_space<vmem>>) semaphore(%arg21 : memref<!tpu.dma_semaphore, #tpu.memory_space<semaphore_mem>>)
    %run_scoped3A_147 = arith.constant 0 : i32
    %run_scoped3A_148 = arith.constant 0 : i32
    "tpu.region"() ({
      %run_scoped3A_256 = tpu.sem_alloc : memref<!tpu.dma_semaphore, #tpu.memory_space<semaphore_mem>>
      %dma_start3A_257 = arith.constant 0 : i32
      %dma_start3A_258 = tpu.memref_slice %arg16[%run_scoped3A_147, %dma_start3A_257] : memref<2x2000xf32, #tpu.memory_space<vmem>> -> memref<1x2000xf32, #tpu.memory_space<vmem>>
      %dma_start3A_259 = tpu.memref_squeeze %dma_start3A_258 : memref<1x2000xf32, #tpu.memory_space<vmem>> -> memref<2000xf32, #tpu.memory_space<vmem>>
      %dma_start3A_260 = arith.constant 0 : i32
      %dma_start3A_261 = tpu.memref_slice %arg15[%run_scoped3A_148, %dma_start3A_260] : memref<2x2000xi32, #tpu.memory_space<vmem>> -> memref<1x2000xi32, #tpu.memory_space<vmem>>
      %dma_start3A_262 = tpu.memref_squeeze %dma_start3A_261 : memref<1x2000xi32, #tpu.memory_space<vmem>> -> memref<2000xi32, #tpu.memory_space<vmem>>
      %dma_start3A_263 = arith.constant 0 : i32
      %dma_start3A_264 = tpu.memref_slice %arg19[%dma_start3A_263] : memref<10240xf32, #tpu.memory_space<vmem_shared>> -> memref<10240xf32, #tpu.memory_space<vmem_shared>>
      tpu.enqueue_indirect_dma source(%dma_start3A_259 : memref<2000xf32, #tpu.memory_space<vmem>>) target(%dma_start3A_264 : memref<10240xf32, #tpu.memory_space<vmem_shared>>) offsets(%dma_start3A_262 : memref<2000xi32, #tpu.memory_space<vmem>>) semaphore(%run_scoped3A_256 : memref<!tpu.dma_semaphore, #tpu.memory_space<semaphore_mem>>) {add = true}
      %dma_wait3A_265 = arith.constant 0 : i32
      %dma_wait3A_266 = tpu.memref_slice %arg16[%run_scoped3A_147, %dma_wait3A_265] : memref<2x2000xf32, #tpu.memory_space<vmem>> -> memref<1x2000xf32, #tpu.memory_space<vmem>>
      %dma_wait3A_267 = tpu.memref_squeeze %dma_wait3A_266 : memref<1x2000xf32, #tpu.memory_space<vmem>> -> memref<2000xf32, #tpu.memory_space<vmem>>
      %dma_wait3A_268 = arith.constant 0 : i32
      %dma_wait3A_269 = tpu.memref_slice %arg15[%run_scoped3A_148, %dma_wait3A_268] : memref<2x2000xi32, #tpu.memory_space<vmem>> -> memref<1x2000xi32, #tpu.memory_space<vmem>>
      %dma_wait3A_270 = tpu.memref_squeeze %dma_wait3A_269 : memref<1x2000xi32, #tpu.memory_space<vmem>> -> memref<2000xi32, #tpu.memory_space<vmem>>
      %dma_wait3A_271 = arith.constant 0 : i32
      %dma_wait3A_272 = tpu.memref_slice %arg19[%dma_wait3A_271] : memref<10240xf32, #tpu.memory_space<vmem_shared>> -> memref<10240xf32, #tpu.memory_space<vmem_shared>>
      tpu.wait_indirect_dma semaphore(%run_scoped3A_256 : memref<!tpu.dma_semaphore, #tpu.memory_space<semaphore_mem>>) src(%dma_wait3A_267 : memref<2000xf32, #tpu.memory_space<vmem>>) dst(%dma_wait3A_272 : memref<10240xf32, #tpu.memory_space<vmem_shared>>)
      tpu.yield
    }) : () -> ()
    %mul3A_149 = arith.constant 10000 : i32
    %mul3A_150 = arith.muli %add3A, %mul3A_149 : i32
    %add3A_151 = arith.constant 4000 : i32
    %add3A_152 = arith.addi %mul3A_150, %add3A_151 : i32
    %run_scoped3A_153 = arith.constant 0 : i32
    %run_scoped3A_154 = arith.constant 0 : i32
    "tpu.region"() ({
      %run_scoped3A_256 = tpu.sem_alloc : memref<!tpu.dma_semaphore, #tpu.memory_space<semaphore_mem>>
      %dma_start3A_257 = arith.constant 0 : i32
      %dma_start3A_258 = tpu.memref_slice %arg14[%run_scoped3A_154, %dma_start3A_257] : memref<2x2000xi32, #tpu.memory_space<vmem>> -> memref<1x2000xi32, #tpu.memory_space<vmem>>
      %dma_start3A_259 = tpu.memref_squeeze %dma_start3A_258 : memref<1x2000xi32, #tpu.memory_space<vmem>> -> memref<2000xi32, #tpu.memory_space<vmem>>
      %dma_start3A_260 = tpu.memref_slice %arg4[%run_scoped3A_153, %add3A_152] : memref<2x320000xi32, #tpu.memory_space<hbm>> -> memref<1x2000xi32, #tpu.memory_space<hbm>>
      %dma_start3A_261 = tpu.memref_squeeze %dma_start3A_260 : memref<1x2000xi32, #tpu.memory_space<hbm>> -> memref<2000xi32, #tpu.memory_space<hbm>>
      %dma_start3A_262 = arith.constant 0 : i32
      %dma_start3A_263 = tpu.memref_slice %arg14[%run_scoped3A_154, %dma_start3A_262] : memref<2x2000xi32, #tpu.memory_space<vmem>> -> memref<1x2000xi32, #tpu.memory_space<vmem>>
      %dma_start3A_264 = tpu.memref_squeeze %dma_start3A_263 : memref<1x2000xi32, #tpu.memory_space<vmem>> -> memref<2000xi32, #tpu.memory_space<vmem>>
      %dma_start3A_265 = tpu.memref_slice %arg4[%run_scoped3A_153, %add3A_152] : memref<2x320000xi32, #tpu.memory_space<hbm>> -> memref<1x2000xi32, #tpu.memory_space<hbm>>
      %dma_start3A_266 = tpu.memref_squeeze %dma_start3A_265 : memref<1x2000xi32, #tpu.memory_space<hbm>> -> memref<2000xi32, #tpu.memory_space<hbm>>
      tpu.enqueue_dma source(%dma_start3A_266 : memref<2000xi32, #tpu.memory_space<hbm>>) target(%dma_start3A_264 : memref<2000xi32, #tpu.memory_space<vmem>>) target_semaphore(%run_scoped3A_256 : memref<!tpu.dma_semaphore, #tpu.memory_space<semaphore_mem>>)
      %dma_wait3A_267 = arith.constant 0 : i32
      %dma_wait3A_268 = tpu.memref_slice %arg14[%run_scoped3A_154, %dma_wait3A_267] : memref<2x2000xi32, #tpu.memory_space<vmem>> -> memref<1x2000xi32, #tpu.memory_space<vmem>>
      %dma_wait3A_269 = tpu.memref_squeeze %dma_wait3A_268 : memref<1x2000xi32, #tpu.memory_space<vmem>> -> memref<2000xi32, #tpu.memory_space<vmem>>
      %dma_wait3A_270 = tpu.memref_slice %arg4[%run_scoped3A_153, %add3A_152] : memref<2x320000xi32, #tpu.memory_space<hbm>> -> memref<1x2000xi32, #tpu.memory_space<hbm>>
      %dma_wait3A_271 = tpu.memref_squeeze %dma_wait3A_270 : memref<1x2000xi32, #tpu.memory_space<hbm>> -> memref<2000xi32, #tpu.memory_space<hbm>>
      %dma_wait3A_272 = arith.constant 0 : i32
      %dma_wait3A_273 = tpu.memref_slice %arg14[%run_scoped3A_154, %dma_wait3A_272] : memref<2x2000xi32, #tpu.memory_space<vmem>> -> memref<1x2000xi32, #tpu.memory_space<vmem>>
      %dma_wait3A_274 = tpu.memref_squeeze %dma_wait3A_273 : memref<1x2000xi32, #tpu.memory_space<vmem>> -> memref<2000xi32, #tpu.memory_space<vmem>>
      %dma_wait3A_275 = tpu.memref_slice %arg4[%run_scoped3A_153, %add3A_152] : memref<2x320000xi32, #tpu.memory_space<hbm>> -> memref<1x2000xi32, #tpu.memory_space<hbm>>
      %dma_wait3A_276 = tpu.memref_squeeze %dma_wait3A_275 : memref<1x2000xi32, #tpu.memory_space<hbm>> -> memref<2000xi32, #tpu.memory_space<hbm>>
      tpu.wait_dma2 semaphore(%run_scoped3A_256 : memref<!tpu.dma_semaphore, #tpu.memory_space<semaphore_mem>>) src(%dma_wait3A_276 : memref<2000xi32, #tpu.memory_space<hbm>>) dst(%dma_wait3A_274 : memref<2000xi32, #tpu.memory_space<vmem>>)
      tpu.yield
    }) : () -> ()
    %run_scoped3A_155 = arith.constant 1 : i32
    %run_scoped3A_156 = arith.constant 0 : i32
    "tpu.region"() ({
      %run_scoped3A_256 = tpu.sem_alloc : memref<!tpu.dma_semaphore, #tpu.memory_space<semaphore_mem>>
      %dma_start3A_257 = arith.constant 0 : i32
      %dma_start3A_258 = tpu.memref_slice %arg15[%run_scoped3A_156, %dma_start3A_257] : memref<2x2000xi32, #tpu.memory_space<vmem>> -> memref<1x2000xi32, #tpu.memory_space<vmem>>
      %dma_start3A_259 = tpu.memref_squeeze %dma_start3A_258 : memref<1x2000xi32, #tpu.memory_space<vmem>> -> memref<2000xi32, #tpu.memory_space<vmem>>
      %dma_start3A_260 = tpu.memref_slice %arg4[%run_scoped3A_155, %add3A_152] : memref<2x320000xi32, #tpu.memory_space<hbm>> -> memref<1x2000xi32, #tpu.memory_space<hbm>>
      %dma_start3A_261 = tpu.memref_squeeze %dma_start3A_260 : memref<1x2000xi32, #tpu.memory_space<hbm>> -> memref<2000xi32, #tpu.memory_space<hbm>>
      %dma_start3A_262 = arith.constant 0 : i32
      %dma_start3A_263 = tpu.memref_slice %arg15[%run_scoped3A_156, %dma_start3A_262] : memref<2x2000xi32, #tpu.memory_space<vmem>> -> memref<1x2000xi32, #tpu.memory_space<vmem>>
      %dma_start3A_264 = tpu.memref_squeeze %dma_start3A_263 : memref<1x2000xi32, #tpu.memory_space<vmem>> -> memref<2000xi32, #tpu.memory_space<vmem>>
      %dma_start3A_265 = tpu.memref_slice %arg4[%run_scoped3A_155, %add3A_152] : memref<2x320000xi32, #tpu.memory_space<hbm>> -> memref<1x2000xi32, #tpu.memory_space<hbm>>
      %dma_start3A_266 = tpu.memref_squeeze %dma_start3A_265 : memref<1x2000xi32, #tpu.memory_space<hbm>> -> memref<2000xi32, #tpu.memory_space<hbm>>
      tpu.enqueue_dma source(%dma_start3A_266 : memref<2000xi32, #tpu.memory_space<hbm>>) target(%dma_start3A_264 : memref<2000xi32, #tpu.memory_space<vmem>>) target_semaphore(%run_scoped3A_256 : memref<!tpu.dma_semaphore, #tpu.memory_space<semaphore_mem>>)
      %dma_wait3A_267 = arith.constant 0 : i32
      %dma_wait3A_268 = tpu.memref_slice %arg15[%run_scoped3A_156, %dma_wait3A_267] : memref<2x2000xi32, #tpu.memory_space<vmem>> -> memref<1x2000xi32, #tpu.memory_space<vmem>>
      %dma_wait3A_269 = tpu.memref_squeeze %dma_wait3A_268 : memref<1x2000xi32, #tpu.memory_space<vmem>> -> memref<2000xi32, #tpu.memory_space<vmem>>
      %dma_wait3A_270 = tpu.memref_slice %arg4[%run_scoped3A_155, %add3A_152] : memref<2x320000xi32, #tpu.memory_space<hbm>> -> memref<1x2000xi32, #tpu.memory_space<hbm>>
      %dma_wait3A_271 = tpu.memref_squeeze %dma_wait3A_270 : memref<1x2000xi32, #tpu.memory_space<hbm>> -> memref<2000xi32, #tpu.memory_space<hbm>>
      %dma_wait3A_272 = arith.constant 0 : i32
      %dma_wait3A_273 = tpu.memref_slice %arg15[%run_scoped3A_156, %dma_wait3A_272] : memref<2x2000xi32, #tpu.memory_space<vmem>> -> memref<1x2000xi32, #tpu.memory_space<vmem>>
      %dma_wait3A_274 = tpu.memref_squeeze %dma_wait3A_273 : memref<1x2000xi32, #tpu.memory_space<vmem>> -> memref<2000xi32, #tpu.memory_space<vmem>>
      %dma_wait3A_275 = tpu.memref_slice %arg4[%run_scoped3A_155, %add3A_152] : memref<2x320000xi32, #tpu.memory_space<hbm>> -> memref<1x2000xi32, #tpu.memory_space<hbm>>
      %dma_wait3A_276 = tpu.memref_squeeze %dma_wait3A_275 : memref<1x2000xi32, #tpu.memory_space<hbm>> -> memref<2000xi32, #tpu.memory_space<hbm>>
      tpu.wait_dma2 semaphore(%run_scoped3A_256 : memref<!tpu.dma_semaphore, #tpu.memory_space<semaphore_mem>>) src(%dma_wait3A_276 : memref<2000xi32, #tpu.memory_space<hbm>>) dst(%dma_wait3A_274 : memref<2000xi32, #tpu.memory_space<vmem>>)
      tpu.yield
    }) : () -> ()
    %dma_wait3A_157 = arith.constant 1 : i32
    %dma_wait3A_158 = arith.constant 1 : i32
    %dma_wait3A_159 = arith.constant 0 : i32
    %dma_wait3A_160 = tpu.memref_slice %arg16[%dma_wait3A_158, %dma_wait3A_159] : memref<2x2000xf32, #tpu.memory_space<vmem>> -> memref<1x2000xf32, #tpu.memory_space<vmem>>
    %dma_wait3A_161 = tpu.memref_squeeze %dma_wait3A_160 : memref<1x2000xf32, #tpu.memory_space<vmem>> -> memref<2000xf32, #tpu.memory_space<vmem>>
    %dma_wait3A_162 = arith.constant 0 : i32
    %dma_wait3A_163 = tpu.memref_slice %arg14[%dma_wait3A_157, %dma_wait3A_162] : memref<2x2000xi32, #tpu.memory_space<vmem>> -> memref<1x2000xi32, #tpu.memory_space<vmem>>
    %dma_wait3A_164 = tpu.memref_squeeze %dma_wait3A_163 : memref<1x2000xi32, #tpu.memory_space<vmem>> -> memref<2000xi32, #tpu.memory_space<vmem>>
    %dma_wait3A_165 = arith.constant 0 : i32
    %dma_wait3A_166 = tpu.memref_slice %arg18[%dma_wait3A_165] : memref<10240xf32, #tpu.memory_space<vmem_shared>> -> memref<10240xf32, #tpu.memory_space<vmem_shared>>
    tpu.wait_indirect_dma semaphore(%arg21 : memref<!tpu.dma_semaphore, #tpu.memory_space<semaphore_mem>>) src(%dma_wait3A_166 : memref<10240xf32, #tpu.memory_space<vmem_shared>>) dst(%dma_wait3A_161 : memref<2000xf32, #tpu.memory_space<vmem>>)
    %dma_start3A_167 = arith.constant 0 : i32
    %dma_start3A_168 = arith.constant 0 : i32
    %dma_start3A_169 = arith.constant 0 : i32
    %dma_start3A_170 = tpu.memref_slice %arg16[%dma_start3A_168, %dma_start3A_169] : memref<2x2000xf32, #tpu.memory_space<vmem>> -> memref<1x2000xf32, #tpu.memory_space<vmem>>
    %dma_start3A_171 = tpu.memref_squeeze %dma_start3A_170 : memref<1x2000xf32, #tpu.memory_space<vmem>> -> memref<2000xf32, #tpu.memory_space<vmem>>
    %dma_start3A_172 = arith.constant 0 : i32
    %dma_start3A_173 = tpu.memref_slice %arg14[%dma_start3A_167, %dma_start3A_172] : memref<2x2000xi32, #tpu.memory_space<vmem>> -> memref<1x2000xi32, #tpu.memory_space<vmem>>
    %dma_start3A_174 = tpu.memref_squeeze %dma_start3A_173 : memref<1x2000xi32, #tpu.memory_space<vmem>> -> memref<2000xi32, #tpu.memory_space<vmem>>
    %dma_start3A_175 = arith.constant 0 : i32
    %dma_start3A_176 = tpu.memref_slice %arg18[%dma_start3A_175] : memref<10240xf32, #tpu.memory_space<vmem_shared>> -> memref<10240xf32, #tpu.memory_space<vmem_shared>>
    tpu.enqueue_indirect_dma source(%dma_start3A_176 : memref<10240xf32, #tpu.memory_space<vmem_shared>>) target(%dma_start3A_171 : memref<2000xf32, #tpu.memory_space<vmem>>) offsets(%dma_start3A_174 : memref<2000xi32, #tpu.memory_space<vmem>>) semaphore(%arg20 : memref<!tpu.dma_semaphore, #tpu.memory_space<semaphore_mem>>)
    %run_scoped3A_177 = arith.constant 1 : i32
    %run_scoped3A_178 = arith.constant 1 : i32
    "tpu.region"() ({
      %run_scoped3A_256 = tpu.sem_alloc : memref<!tpu.dma_semaphore, #tpu.memory_space<semaphore_mem>>
      %dma_start3A_257 = arith.constant 0 : i32
      %dma_start3A_258 = tpu.memref_slice %arg16[%run_scoped3A_177, %dma_start3A_257] : memref<2x2000xf32, #tpu.memory_space<vmem>> -> memref<1x2000xf32, #tpu.memory_space<vmem>>
      %dma_start3A_259 = tpu.memref_squeeze %dma_start3A_258 : memref<1x2000xf32, #tpu.memory_space<vmem>> -> memref<2000xf32, #tpu.memory_space<vmem>>
      %dma_start3A_260 = arith.constant 0 : i32
      %dma_start3A_261 = tpu.memref_slice %arg15[%run_scoped3A_178, %dma_start3A_260] : memref<2x2000xi32, #tpu.memory_space<vmem>> -> memref<1x2000xi32, #tpu.memory_space<vmem>>
      %dma_start3A_262 = tpu.memref_squeeze %dma_start3A_261 : memref<1x2000xi32, #tpu.memory_space<vmem>> -> memref<2000xi32, #tpu.memory_space<vmem>>
      %dma_start3A_263 = arith.constant 0 : i32
      %dma_start3A_264 = tpu.memref_slice %arg19[%dma_start3A_263] : memref<10240xf32, #tpu.memory_space<vmem_shared>> -> memref<10240xf32, #tpu.memory_space<vmem_shared>>
      tpu.enqueue_indirect_dma source(%dma_start3A_259 : memref<2000xf32, #tpu.memory_space<vmem>>) target(%dma_start3A_264 : memref<10240xf32, #tpu.memory_space<vmem_shared>>) offsets(%dma_start3A_262 : memref<2000xi32, #tpu.memory_space<vmem>>) semaphore(%run_scoped3A_256 : memref<!tpu.dma_semaphore, #tpu.memory_space<semaphore_mem>>) {add = true}
      %dma_wait3A_265 = arith.constant 0 : i32
      %dma_wait3A_266 = tpu.memref_slice %arg16[%run_scoped3A_177, %dma_wait3A_265] : memref<2x2000xf32, #tpu.memory_space<vmem>> -> memref<1x2000xf32, #tpu.memory_space<vmem>>
      %dma_wait3A_267 = tpu.memref_squeeze %dma_wait3A_266 : memref<1x2000xf32, #tpu.memory_space<vmem>> -> memref<2000xf32, #tpu.memory_space<vmem>>
      %dma_wait3A_268 = arith.constant 0 : i32
      %dma_wait3A_269 = tpu.memref_slice %arg15[%run_scoped3A_178, %dma_wait3A_268] : memref<2x2000xi32, #tpu.memory_space<vmem>> -> memref<1x2000xi32, #tpu.memory_space<vmem>>
      %dma_wait3A_270 = tpu.memref_squeeze %dma_wait3A_269 : memref<1x2000xi32, #tpu.memory_space<vmem>> -> memref<2000xi32, #tpu.memory_space<vmem>>
      %dma_wait3A_271 = arith.constant 0 : i32
      %dma_wait3A_272 = tpu.memref_slice %arg19[%dma_wait3A_271] : memref<10240xf32, #tpu.memory_space<vmem_shared>> -> memref<10240xf32, #tpu.memory_space<vmem_shared>>
      tpu.wait_indirect_dma semaphore(%run_scoped3A_256 : memref<!tpu.dma_semaphore, #tpu.memory_space<semaphore_mem>>) src(%dma_wait3A_267 : memref<2000xf32, #tpu.memory_space<vmem>>) dst(%dma_wait3A_272 : memref<10240xf32, #tpu.memory_space<vmem_shared>>)
      tpu.yield
    }) : () -> ()
    %mul3A_179 = arith.constant 10000 : i32
    %mul3A_180 = arith.muli %add3A, %mul3A_179 : i32
    %add3A_181 = arith.constant 6000 : i32
    %add3A_182 = arith.addi %mul3A_180, %add3A_181 : i32
    %run_scoped3A_183 = arith.constant 0 : i32
    %run_scoped3A_184 = arith.constant 1 : i32
    "tpu.region"() ({
      %run_scoped3A_256 = tpu.sem_alloc : memref<!tpu.dma_semaphore, #tpu.memory_space<semaphore_mem>>
      %dma_start3A_257 = arith.constant 0 : i32
      %dma_start3A_258 = tpu.memref_slice %arg14[%run_scoped3A_184, %dma_start3A_257] : memref<2x2000xi32, #tpu.memory_space<vmem>> -> memref<1x2000xi32, #tpu.memory_space<vmem>>
      %dma_start3A_259 = tpu.memref_squeeze %dma_start3A_258 : memref<1x2000xi32, #tpu.memory_space<vmem>> -> memref<2000xi32, #tpu.memory_space<vmem>>
      %dma_start3A_260 = tpu.memref_slice %arg4[%run_scoped3A_183, %add3A_182] : memref<2x320000xi32, #tpu.memory_space<hbm>> -> memref<1x2000xi32, #tpu.memory_space<hbm>>
      %dma_start3A_261 = tpu.memref_squeeze %dma_start3A_260 : memref<1x2000xi32, #tpu.memory_space<hbm>> -> memref<2000xi32, #tpu.memory_space<hbm>>
      %dma_start3A_262 = arith.constant 0 : i32
      %dma_start3A_263 = tpu.memref_slice %arg14[%run_scoped3A_184, %dma_start3A_262] : memref<2x2000xi32, #tpu.memory_space<vmem>> -> memref<1x2000xi32, #tpu.memory_space<vmem>>
      %dma_start3A_264 = tpu.memref_squeeze %dma_start3A_263 : memref<1x2000xi32, #tpu.memory_space<vmem>> -> memref<2000xi32, #tpu.memory_space<vmem>>
      %dma_start3A_265 = tpu.memref_slice %arg4[%run_scoped3A_183, %add3A_182] : memref<2x320000xi32, #tpu.memory_space<hbm>> -> memref<1x2000xi32, #tpu.memory_space<hbm>>
      %dma_start3A_266 = tpu.memref_squeeze %dma_start3A_265 : memref<1x2000xi32, #tpu.memory_space<hbm>> -> memref<2000xi32, #tpu.memory_space<hbm>>
      tpu.enqueue_dma source(%dma_start3A_266 : memref<2000xi32, #tpu.memory_space<hbm>>) target(%dma_start3A_264 : memref<2000xi32, #tpu.memory_space<vmem>>) target_semaphore(%run_scoped3A_256 : memref<!tpu.dma_semaphore, #tpu.memory_space<semaphore_mem>>)
      %dma_wait3A_267 = arith.constant 0 : i32
      %dma_wait3A_268 = tpu.memref_slice %arg14[%run_scoped3A_184, %dma_wait3A_267] : memref<2x2000xi32, #tpu.memory_space<vmem>> -> memref<1x2000xi32, #tpu.memory_space<vmem>>
      %dma_wait3A_269 = tpu.memref_squeeze %dma_wait3A_268 : memref<1x2000xi32, #tpu.memory_space<vmem>> -> memref<2000xi32, #tpu.memory_space<vmem>>
      %dma_wait3A_270 = tpu.memref_slice %arg4[%run_scoped3A_183, %add3A_182] : memref<2x320000xi32, #tpu.memory_space<hbm>> -> memref<1x2000xi32, #tpu.memory_space<hbm>>
      %dma_wait3A_271 = tpu.memref_squeeze %dma_wait3A_270 : memref<1x2000xi32, #tpu.memory_space<hbm>> -> memref<2000xi32, #tpu.memory_space<hbm>>
      %dma_wait3A_272 = arith.constant 0 : i32
      %dma_wait3A_273 = tpu.memref_slice %arg14[%run_scoped3A_184, %dma_wait3A_272] : memref<2x2000xi32, #tpu.memory_space<vmem>> -> memref<1x2000xi32, #tpu.memory_space<vmem>>
      %dma_wait3A_274 = tpu.memref_squeeze %dma_wait3A_273 : memref<1x2000xi32, #tpu.memory_space<vmem>> -> memref<2000xi32, #tpu.memory_space<vmem>>
      %dma_wait3A_275 = tpu.memref_slice %arg4[%run_scoped3A_183, %add3A_182] : memref<2x320000xi32, #tpu.memory_space<hbm>> -> memref<1x2000xi32, #tpu.memory_space<hbm>>
      %dma_wait3A_276 = tpu.memref_squeeze %dma_wait3A_275 : memref<1x2000xi32, #tpu.memory_space<hbm>> -> memref<2000xi32, #tpu.memory_space<hbm>>
      tpu.wait_dma2 semaphore(%run_scoped3A_256 : memref<!tpu.dma_semaphore, #tpu.memory_space<semaphore_mem>>) src(%dma_wait3A_276 : memref<2000xi32, #tpu.memory_space<hbm>>) dst(%dma_wait3A_274 : memref<2000xi32, #tpu.memory_space<vmem>>)
      tpu.yield
    }) : () -> ()
    %run_scoped3A_185 = arith.constant 1 : i32
    %run_scoped3A_186 = arith.constant 1 : i32
    "tpu.region"() ({
      %run_scoped3A_256 = tpu.sem_alloc : memref<!tpu.dma_semaphore, #tpu.memory_space<semaphore_mem>>
      %dma_start3A_257 = arith.constant 0 : i32
      %dma_start3A_258 = tpu.memref_slice %arg15[%run_scoped3A_186, %dma_start3A_257] : memref<2x2000xi32, #tpu.memory_space<vmem>> -> memref<1x2000xi32, #tpu.memory_space<vmem>>
      %dma_start3A_259 = tpu.memref_squeeze %dma_start3A_258 : memref<1x2000xi32, #tpu.memory_space<vmem>> -> memref<2000xi32, #tpu.memory_space<vmem>>
      %dma_start3A_260 = tpu.memref_slice %arg4[%run_scoped3A_185, %add3A_182] : memref<2x320000xi32, #tpu.memory_space<hbm>> -> memref<1x2000xi32, #tpu.memory_space<hbm>>
      %dma_start3A_261 = tpu.memref_squeeze %dma_start3A_260 : memref<1x2000xi32, #tpu.memory_space<hbm>> -> memref<2000xi32, #tpu.memory_space<hbm>>
      %dma_start3A_262 = arith.constant 0 : i32
      %dma_start3A_263 = tpu.memref_slice %arg15[%run_scoped3A_186, %dma_start3A_262] : memref<2x2000xi32, #tpu.memory_space<vmem>> -> memref<1x2000xi32, #tpu.memory_space<vmem>>
      %dma_start3A_264 = tpu.memref_squeeze %dma_start3A_263 : memref<1x2000xi32, #tpu.memory_space<vmem>> -> memref<2000xi32, #tpu.memory_space<vmem>>
      %dma_start3A_265 = tpu.memref_slice %arg4[%run_scoped3A_185, %add3A_182] : memref<2x320000xi32, #tpu.memory_space<hbm>> -> memref<1x2000xi32, #tpu.memory_space<hbm>>
      %dma_start3A_266 = tpu.memref_squeeze %dma_start3A_265 : memref<1x2000xi32, #tpu.memory_space<hbm>> -> memref<2000xi32, #tpu.memory_space<hbm>>
      tpu.enqueue_dma source(%dma_start3A_266 : memref<2000xi32, #tpu.memory_space<hbm>>) target(%dma_start3A_264 : memref<2000xi32, #tpu.memory_space<vmem>>) target_semaphore(%run_scoped3A_256 : memref<!tpu.dma_semaphore, #tpu.memory_space<semaphore_mem>>)
      %dma_wait3A_267 = arith.constant 0 : i32
      %dma_wait3A_268 = tpu.memref_slice %arg15[%run_scoped3A_186, %dma_wait3A_267] : memref<2x2000xi32, #tpu.memory_space<vmem>> -> memref<1x2000xi32, #tpu.memory_space<vmem>>
      %dma_wait3A_269 = tpu.memref_squeeze %dma_wait3A_268 : memref<1x2000xi32, #tpu.memory_space<vmem>> -> memref<2000xi32, #tpu.memory_space<vmem>>
      %dma_wait3A_270 = tpu.memref_slice %arg4[%run_scoped3A_185, %add3A_182] : memref<2x320000xi32, #tpu.memory_space<hbm>> -> memref<1x2000xi32, #tpu.memory_space<hbm>>
      %dma_wait3A_271 = tpu.memref_squeeze %dma_wait3A_270 : memref<1x2000xi32, #tpu.memory_space<hbm>> -> memref<2000xi32, #tpu.memory_space<hbm>>
      %dma_wait3A_272 = arith.constant 0 : i32
      %dma_wait3A_273 = tpu.memref_slice %arg15[%run_scoped3A_186, %dma_wait3A_272] : memref<2x2000xi32, #tpu.memory_space<vmem>> -> memref<1x2000xi32, #tpu.memory_space<vmem>>
      %dma_wait3A_274 = tpu.memref_squeeze %dma_wait3A_273 : memref<1x2000xi32, #tpu.memory_space<vmem>> -> memref<2000xi32, #tpu.memory_space<vmem>>
      %dma_wait3A_275 = tpu.memref_slice %arg4[%run_scoped3A_185, %add3A_182] : memref<2x320000xi32, #tpu.memory_space<hbm>> -> memref<1x2000xi32, #tpu.memory_space<hbm>>
      %dma_wait3A_276 = tpu.memref_squeeze %dma_wait3A_275 : memref<1x2000xi32, #tpu.memory_space<hbm>> -> memref<2000xi32, #tpu.memory_space<hbm>>
      tpu.wait_dma2 semaphore(%run_scoped3A_256 : memref<!tpu.dma_semaphore, #tpu.memory_space<semaphore_mem>>) src(%dma_wait3A_276 : memref<2000xi32, #tpu.memory_space<hbm>>) dst(%dma_wait3A_274 : memref<2000xi32, #tpu.memory_space<vmem>>)
      tpu.yield
    }) : () -> ()
    %dma_wait3A_187 = arith.constant 0 : i32
    %dma_wait3A_188 = arith.constant 0 : i32
    %dma_wait3A_189 = arith.constant 0 : i32
    %dma_wait3A_190 = tpu.memref_slice %arg16[%dma_wait3A_188, %dma_wait3A_189] : memref<2x2000xf32, #tpu.memory_space<vmem>> -> memref<1x2000xf32, #tpu.memory_space<vmem>>
    %dma_wait3A_191 = tpu.memref_squeeze %dma_wait3A_190 : memref<1x2000xf32, #tpu.memory_space<vmem>> -> memref<2000xf32, #tpu.memory_space<vmem>>
    %dma_wait3A_192 = arith.constant 0 : i32
    %dma_wait3A_193 = tpu.memref_slice %arg14[%dma_wait3A_187, %dma_wait3A_192] : memref<2x2000xi32, #tpu.memory_space<vmem>> -> memref<1x2000xi32, #tpu.memory_space<vmem>>
    %dma_wait3A_194 = tpu.memref_squeeze %dma_wait3A_193 : memref<1x2000xi32, #tpu.memory_space<vmem>> -> memref<2000xi32, #tpu.memory_space<vmem>>
    %dma_wait3A_195 = arith.constant 0 : i32
    %dma_wait3A_196 = tpu.memref_slice %arg18[%dma_wait3A_195] : memref<10240xf32, #tpu.memory_space<vmem_shared>> -> memref<10240xf32, #tpu.memory_space<vmem_shared>>
    tpu.wait_indirect_dma semaphore(%arg20 : memref<!tpu.dma_semaphore, #tpu.memory_space<semaphore_mem>>) src(%dma_wait3A_196 : memref<10240xf32, #tpu.memory_space<vmem_shared>>) dst(%dma_wait3A_191 : memref<2000xf32, #tpu.memory_space<vmem>>)
    %dma_start3A_197 = arith.constant 1 : i32
    %dma_start3A_198 = arith.constant 1 : i32
    %dma_start3A_199 = arith.constant 0 : i32
    %dma_start3A_200 = tpu.memref_slice %arg16[%dma_start3A_198, %dma_start3A_199] : memref<2x2000xf32, #tpu.memory_space<vmem>> -> memref<1x2000xf32, #tpu.memory_space<vmem>>
    %dma_start3A_201 = tpu.memref_squeeze %dma_start3A_200 : memref<1x2000xf32, #tpu.memory_space<vmem>> -> memref<2000xf32, #tpu.memory_space<vmem>>
    %dma_start3A_202 = arith.constant 0 : i32
    %dma_start3A_203 = tpu.memref_slice %arg14[%dma_start3A_197, %dma_start3A_202] : memref<2x2000xi32, #tpu.memory_space<vmem>> -> memref<1x2000xi32, #tpu.memory_space<vmem>>
    %dma_start3A_204 = tpu.memref_squeeze %dma_start3A_203 : memref<1x2000xi32, #tpu.memory_space<vmem>> -> memref<2000xi32, #tpu.memory_space<vmem>>
    %dma_start3A_205 = arith.constant 0 : i32
    %dma_start3A_206 = tpu.memref_slice %arg18[%dma_start3A_205] : memref<10240xf32, #tpu.memory_space<vmem_shared>> -> memref<10240xf32, #tpu.memory_space<vmem_shared>>
    tpu.enqueue_indirect_dma source(%dma_start3A_206 : memref<10240xf32, #tpu.memory_space<vmem_shared>>) target(%dma_start3A_201 : memref<2000xf32, #tpu.memory_space<vmem>>) offsets(%dma_start3A_204 : memref<2000xi32, #tpu.memory_space<vmem>>) semaphore(%arg21 : memref<!tpu.dma_semaphore, #tpu.memory_space<semaphore_mem>>)
    %run_scoped3A_207 = arith.constant 0 : i32
    %run_scoped3A_208 = arith.constant 0 : i32
    "tpu.region"() ({
      %run_scoped3A_256 = tpu.sem_alloc : memref<!tpu.dma_semaphore, #tpu.memory_space<semaphore_mem>>
      %dma_start3A_257 = arith.constant 0 : i32
      %dma_start3A_258 = tpu.memref_slice %arg16[%run_scoped3A_207, %dma_start3A_257] : memref<2x2000xf32, #tpu.memory_space<vmem>> -> memref<1x2000xf32, #tpu.memory_space<vmem>>
      %dma_start3A_259 = tpu.memref_squeeze %dma_start3A_258 : memref<1x2000xf32, #tpu.memory_space<vmem>> -> memref<2000xf32, #tpu.memory_space<vmem>>
      %dma_start3A_260 = arith.constant 0 : i32
      %dma_start3A_261 = tpu.memref_slice %arg15[%run_scoped3A_208, %dma_start3A_260] : memref<2x2000xi32, #tpu.memory_space<vmem>> -> memref<1x2000xi32, #tpu.memory_space<vmem>>
      %dma_start3A_262 = tpu.memref_squeeze %dma_start3A_261 : memref<1x2000xi32, #tpu.memory_space<vmem>> -> memref<2000xi32, #tpu.memory_space<vmem>>
      %dma_start3A_263 = arith.constant 0 : i32
      %dma_start3A_264 = tpu.memref_slice %arg19[%dma_start3A_263] : memref<10240xf32, #tpu.memory_space<vmem_shared>> -> memref<10240xf32, #tpu.memory_space<vmem_shared>>
      tpu.enqueue_indirect_dma source(%dma_start3A_259 : memref<2000xf32, #tpu.memory_space<vmem>>) target(%dma_start3A_264 : memref<10240xf32, #tpu.memory_space<vmem_shared>>) offsets(%dma_start3A_262 : memref<2000xi32, #tpu.memory_space<vmem>>) semaphore(%run_scoped3A_256 : memref<!tpu.dma_semaphore, #tpu.memory_space<semaphore_mem>>) {add = true}
      %dma_wait3A_265 = arith.constant 0 : i32
      %dma_wait3A_266 = tpu.memref_slice %arg16[%run_scoped3A_207, %dma_wait3A_265] : memref<2x2000xf32, #tpu.memory_space<vmem>> -> memref<1x2000xf32, #tpu.memory_space<vmem>>
      %dma_wait3A_267 = tpu.memref_squeeze %dma_wait3A_266 : memref<1x2000xf32, #tpu.memory_space<vmem>> -> memref<2000xf32, #tpu.memory_space<vmem>>
      %dma_wait3A_268 = arith.constant 0 : i32
      %dma_wait3A_269 = tpu.memref_slice %arg15[%run_scoped3A_208, %dma_wait3A_268] : memref<2x2000xi32, #tpu.memory_space<vmem>> -> memref<1x2000xi32, #tpu.memory_space<vmem>>
      %dma_wait3A_270 = tpu.memref_squeeze %dma_wait3A_269 : memref<1x2000xi32, #tpu.memory_space<vmem>> -> memref<2000xi32, #tpu.memory_space<vmem>>
      %dma_wait3A_271 = arith.constant 0 : i32
      %dma_wait3A_272 = tpu.memref_slice %arg19[%dma_wait3A_271] : memref<10240xf32, #tpu.memory_space<vmem_shared>> -> memref<10240xf32, #tpu.memory_space<vmem_shared>>
      tpu.wait_indirect_dma semaphore(%run_scoped3A_256 : memref<!tpu.dma_semaphore, #tpu.memory_space<semaphore_mem>>) src(%dma_wait3A_267 : memref<2000xf32, #tpu.memory_space<vmem>>) dst(%dma_wait3A_272 : memref<10240xf32, #tpu.memory_space<vmem_shared>>)
      tpu.yield
    }) : () -> ()
    %mul3A_209 = arith.constant 10000 : i32
    %mul3A_210 = arith.muli %add3A, %mul3A_209 : i32
    %add3A_211 = arith.constant 8000 : i32
    %add3A_212 = arith.addi %mul3A_210, %add3A_211 : i32
    %run_scoped3A_213 = arith.constant 0 : i32
    %run_scoped3A_214 = arith.constant 0 : i32
    "tpu.region"() ({
      %run_scoped3A_256 = tpu.sem_alloc : memref<!tpu.dma_semaphore, #tpu.memory_space<semaphore_mem>>
      %dma_start3A_257 = arith.constant 0 : i32
      %dma_start3A_258 = tpu.memref_slice %arg14[%run_scoped3A_214, %dma_start3A_257] : memref<2x2000xi32, #tpu.memory_space<vmem>> -> memref<1x2000xi32, #tpu.memory_space<vmem>>
      %dma_start3A_259 = tpu.memref_squeeze %dma_start3A_258 : memref<1x2000xi32, #tpu.memory_space<vmem>> -> memref<2000xi32, #tpu.memory_space<vmem>>
      %dma_start3A_260 = tpu.memref_slice %arg4[%run_scoped3A_213, %add3A_212] : memref<2x320000xi32, #tpu.memory_space<hbm>> -> memref<1x2000xi32, #tpu.memory_space<hbm>>
      %dma_start3A_261 = tpu.memref_squeeze %dma_start3A_260 : memref<1x2000xi32, #tpu.memory_space<hbm>> -> memref<2000xi32, #tpu.memory_space<hbm>>
      %dma_start3A_262 = arith.constant 0 : i32
      %dma_start3A_263 = tpu.memref_slice %arg14[%run_scoped3A_214, %dma_start3A_262] : memref<2x2000xi32, #tpu.memory_space<vmem>> -> memref<1x2000xi32, #tpu.memory_space<vmem>>
      %dma_start3A_264 = tpu.memref_squeeze %dma_start3A_263 : memref<1x2000xi32, #tpu.memory_space<vmem>> -> memref<2000xi32, #tpu.memory_space<vmem>>
      %dma_start3A_265 = tpu.memref_slice %arg4[%run_scoped3A_213, %add3A_212] : memref<2x320000xi32, #tpu.memory_space<hbm>> -> memref<1x2000xi32, #tpu.memory_space<hbm>>
      %dma_start3A_266 = tpu.memref_squeeze %dma_start3A_265 : memref<1x2000xi32, #tpu.memory_space<hbm>> -> memref<2000xi32, #tpu.memory_space<hbm>>
      tpu.enqueue_dma source(%dma_start3A_266 : memref<2000xi32, #tpu.memory_space<hbm>>) target(%dma_start3A_264 : memref<2000xi32, #tpu.memory_space<vmem>>) target_semaphore(%run_scoped3A_256 : memref<!tpu.dma_semaphore, #tpu.memory_space<semaphore_mem>>)
      %dma_wait3A_267 = arith.constant 0 : i32
      %dma_wait3A_268 = tpu.memref_slice %arg14[%run_scoped3A_214, %dma_wait3A_267] : memref<2x2000xi32, #tpu.memory_space<vmem>> -> memref<1x2000xi32, #tpu.memory_space<vmem>>
      %dma_wait3A_269 = tpu.memref_squeeze %dma_wait3A_268 : memref<1x2000xi32, #tpu.memory_space<vmem>> -> memref<2000xi32, #tpu.memory_space<vmem>>
      %dma_wait3A_270 = tpu.memref_slice %arg4[%run_scoped3A_213, %add3A_212] : memref<2x320000xi32, #tpu.memory_space<hbm>> -> memref<1x2000xi32, #tpu.memory_space<hbm>>
      %dma_wait3A_271 = tpu.memref_squeeze %dma_wait3A_270 : memref<1x2000xi32, #tpu.memory_space<hbm>> -> memref<2000xi32, #tpu.memory_space<hbm>>
      %dma_wait3A_272 = arith.constant 0 : i32
      %dma_wait3A_273 = tpu.memref_slice %arg14[%run_scoped3A_214, %dma_wait3A_272] : memref<2x2000xi32, #tpu.memory_space<vmem>> -> memref<1x2000xi32, #tpu.memory_space<vmem>>
      %dma_wait3A_274 = tpu.memref_squeeze %dma_wait3A_273 : memref<1x2000xi32, #tpu.memory_space<vmem>> -> memref<2000xi32, #tpu.memory_space<vmem>>
      %dma_wait3A_275 = tpu.memref_slice %arg4[%run_scoped3A_213, %add3A_212] : memref<2x320000xi32, #tpu.memory_space<hbm>> -> memref<1x2000xi32, #tpu.memory_space<hbm>>
      %dma_wait3A_276 = tpu.memref_squeeze %dma_wait3A_275 : memref<1x2000xi32, #tpu.memory_space<hbm>> -> memref<2000xi32, #tpu.memory_space<hbm>>
      tpu.wait_dma2 semaphore(%run_scoped3A_256 : memref<!tpu.dma_semaphore, #tpu.memory_space<semaphore_mem>>) src(%dma_wait3A_276 : memref<2000xi32, #tpu.memory_space<hbm>>) dst(%dma_wait3A_274 : memref<2000xi32, #tpu.memory_space<vmem>>)
      tpu.yield
    }) : () -> ()
    %run_scoped3A_215 = arith.constant 1 : i32
    %run_scoped3A_216 = arith.constant 0 : i32
    "tpu.region"() ({
      %run_scoped3A_256 = tpu.sem_alloc : memref<!tpu.dma_semaphore, #tpu.memory_space<semaphore_mem>>
      %dma_start3A_257 = arith.constant 0 : i32
      %dma_start3A_258 = tpu.memref_slice %arg15[%run_scoped3A_216, %dma_start3A_257] : memref<2x2000xi32, #tpu.memory_space<vmem>> -> memref<1x2000xi32, #tpu.memory_space<vmem>>
      %dma_start3A_259 = tpu.memref_squeeze %dma_start3A_258 : memref<1x2000xi32, #tpu.memory_space<vmem>> -> memref<2000xi32, #tpu.memory_space<vmem>>
      %dma_start3A_260 = tpu.memref_slice %arg4[%run_scoped3A_215, %add3A_212] : memref<2x320000xi32, #tpu.memory_space<hbm>> -> memref<1x2000xi32, #tpu.memory_space<hbm>>
      %dma_start3A_261 = tpu.memref_squeeze %dma_start3A_260 : memref<1x2000xi32, #tpu.memory_space<hbm>> -> memref<2000xi32, #tpu.memory_space<hbm>>
      %dma_start3A_262 = arith.constant 0 : i32
      %dma_start3A_263 = tpu.memref_slice %arg15[%run_scoped3A_216, %dma_start3A_262] : memref<2x2000xi32, #tpu.memory_space<vmem>> -> memref<1x2000xi32, #tpu.memory_space<vmem>>
      %dma_start3A_264 = tpu.memref_squeeze %dma_start3A_263 : memref<1x2000xi32, #tpu.memory_space<vmem>> -> memref<2000xi32, #tpu.memory_space<vmem>>
      %dma_start3A_265 = tpu.memref_slice %arg4[%run_scoped3A_215, %add3A_212] : memref<2x320000xi32, #tpu.memory_space<hbm>> -> memref<1x2000xi32, #tpu.memory_space<hbm>>
      %dma_start3A_266 = tpu.memref_squeeze %dma_start3A_265 : memref<1x2000xi32, #tpu.memory_space<hbm>> -> memref<2000xi32, #tpu.memory_space<hbm>>
      tpu.enqueue_dma source(%dma_start3A_266 : memref<2000xi32, #tpu.memory_space<hbm>>) target(%dma_start3A_264 : memref<2000xi32, #tpu.memory_space<vmem>>) target_semaphore(%run_scoped3A_256 : memref<!tpu.dma_semaphore, #tpu.memory_space<semaphore_mem>>)
      %dma_wait3A_267 = arith.constant 0 : i32
      %dma_wait3A_268 = tpu.memref_slice %arg15[%run_scoped3A_216, %dma_wait3A_267] : memref<2x2000xi32, #tpu.memory_space<vmem>> -> memref<1x2000xi32, #tpu.memory_space<vmem>>
      %dma_wait3A_269 = tpu.memref_squeeze %dma_wait3A_268 : memref<1x2000xi32, #tpu.memory_space<vmem>> -> memref<2000xi32, #tpu.memory_space<vmem>>
      %dma_wait3A_270 = tpu.memref_slice %arg4[%run_scoped3A_215, %add3A_212] : memref<2x320000xi32, #tpu.memory_space<hbm>> -> memref<1x2000xi32, #tpu.memory_space<hbm>>
      %dma_wait3A_271 = tpu.memref_squeeze %dma_wait3A_270 : memref<1x2000xi32, #tpu.memory_space<hbm>> -> memref<2000xi32, #tpu.memory_space<hbm>>
      %dma_wait3A_272 = arith.constant 0 : i32
      %dma_wait3A_273 = tpu.memref_slice %arg15[%run_scoped3A_216, %dma_wait3A_272] : memref<2x2000xi32, #tpu.memory_space<vmem>> -> memref<1x2000xi32, #tpu.memory_space<vmem>>
      %dma_wait3A_274 = tpu.memref_squeeze %dma_wait3A_273 : memref<1x2000xi32, #tpu.memory_space<vmem>> -> memref<2000xi32, #tpu.memory_space<vmem>>
      %dma_wait3A_275 = tpu.memref_slice %arg4[%run_scoped3A_215, %add3A_212] : memref<2x320000xi32, #tpu.memory_space<hbm>> -> memref<1x2000xi32, #tpu.memory_space<hbm>>
      %dma_wait3A_276 = tpu.memref_squeeze %dma_wait3A_275 : memref<1x2000xi32, #tpu.memory_space<hbm>> -> memref<2000xi32, #tpu.memory_space<hbm>>
      tpu.wait_dma2 semaphore(%run_scoped3A_256 : memref<!tpu.dma_semaphore, #tpu.memory_space<semaphore_mem>>) src(%dma_wait3A_276 : memref<2000xi32, #tpu.memory_space<hbm>>) dst(%dma_wait3A_274 : memref<2000xi32, #tpu.memory_space<vmem>>)
      tpu.yield
    }) : () -> ()
    %dma_wait3A_217 = arith.constant 1 : i32
    %dma_wait3A_218 = arith.constant 1 : i32
    %dma_wait3A_219 = arith.constant 0 : i32
    %dma_wait3A_220 = tpu.memref_slice %arg16[%dma_wait3A_218, %dma_wait3A_219] : memref<2x2000xf32, #tpu.memory_space<vmem>> -> memref<1x2000xf32, #tpu.memory_space<vmem>>
    %dma_wait3A_221 = tpu.memref_squeeze %dma_wait3A_220 : memref<1x2000xf32, #tpu.memory_space<vmem>> -> memref<2000xf32, #tpu.memory_space<vmem>>
    %dma_wait3A_222 = arith.constant 0 : i32
    %dma_wait3A_223 = tpu.memref_slice %arg14[%dma_wait3A_217, %dma_wait3A_222] : memref<2x2000xi32, #tpu.memory_space<vmem>> -> memref<1x2000xi32, #tpu.memory_space<vmem>>
    %dma_wait3A_224 = tpu.memref_squeeze %dma_wait3A_223 : memref<1x2000xi32, #tpu.memory_space<vmem>> -> memref<2000xi32, #tpu.memory_space<vmem>>
    %dma_wait3A_225 = arith.constant 0 : i32
    %dma_wait3A_226 = tpu.memref_slice %arg18[%dma_wait3A_225] : memref<10240xf32, #tpu.memory_space<vmem_shared>> -> memref<10240xf32, #tpu.memory_space<vmem_shared>>
    tpu.wait_indirect_dma semaphore(%arg21 : memref<!tpu.dma_semaphore, #tpu.memory_space<semaphore_mem>>) src(%dma_wait3A_226 : memref<10240xf32, #tpu.memory_space<vmem_shared>>) dst(%dma_wait3A_221 : memref<2000xf32, #tpu.memory_space<vmem>>)
    %dma_start3A_227 = arith.constant 0 : i32
    %dma_start3A_228 = arith.constant 0 : i32
    %dma_start3A_229 = arith.constant 0 : i32
    %dma_start3A_230 = tpu.memref_slice %arg16[%dma_start3A_228, %dma_start3A_229] : memref<2x2000xf32, #tpu.memory_space<vmem>> -> memref<1x2000xf32, #tpu.memory_space<vmem>>
    %dma_start3A_231 = tpu.memref_squeeze %dma_start3A_230 : memref<1x2000xf32, #tpu.memory_space<vmem>> -> memref<2000xf32, #tpu.memory_space<vmem>>
    %dma_start3A_232 = arith.constant 0 : i32
    %dma_start3A_233 = tpu.memref_slice %arg14[%dma_start3A_227, %dma_start3A_232] : memref<2x2000xi32, #tpu.memory_space<vmem>> -> memref<1x2000xi32, #tpu.memory_space<vmem>>
    %dma_start3A_234 = tpu.memref_squeeze %dma_start3A_233 : memref<1x2000xi32, #tpu.memory_space<vmem>> -> memref<2000xi32, #tpu.memory_space<vmem>>
    %dma_start3A_235 = arith.constant 0 : i32
    %dma_start3A_236 = tpu.memref_slice %arg18[%dma_start3A_235] : memref<10240xf32, #tpu.memory_space<vmem_shared>> -> memref<10240xf32, #tpu.memory_space<vmem_shared>>
    tpu.enqueue_indirect_dma source(%dma_start3A_236 : memref<10240xf32, #tpu.memory_space<vmem_shared>>) target(%dma_start3A_231 : memref<2000xf32, #tpu.memory_space<vmem>>) offsets(%dma_start3A_234 : memref<2000xi32, #tpu.memory_space<vmem>>) semaphore(%arg20 : memref<!tpu.dma_semaphore, #tpu.memory_space<semaphore_mem>>)
    %run_scoped3A_237 = arith.constant 1 : i32
    %run_scoped3A_238 = arith.constant 1 : i32
    "tpu.region"() ({
      %run_scoped3A_256 = tpu.sem_alloc : memref<!tpu.dma_semaphore, #tpu.memory_space<semaphore_mem>>
      %dma_start3A_257 = arith.constant 0 : i32
      %dma_start3A_258 = tpu.memref_slice %arg16[%run_scoped3A_237, %dma_start3A_257] : memref<2x2000xf32, #tpu.memory_space<vmem>> -> memref<1x2000xf32, #tpu.memory_space<vmem>>
      %dma_start3A_259 = tpu.memref_squeeze %dma_start3A_258 : memref<1x2000xf32, #tpu.memory_space<vmem>> -> memref<2000xf32, #tpu.memory_space<vmem>>
      %dma_start3A_260 = arith.constant 0 : i32
      %dma_start3A_261 = tpu.memref_slice %arg15[%run_scoped3A_238, %dma_start3A_260] : memref<2x2000xi32, #tpu.memory_space<vmem>> -> memref<1x2000xi32, #tpu.memory_space<vmem>>
      %dma_start3A_262 = tpu.memref_squeeze %dma_start3A_261 : memref<1x2000xi32, #tpu.memory_space<vmem>> -> memref<2000xi32, #tpu.memory_space<vmem>>
      %dma_start3A_263 = arith.constant 0 : i32
      %dma_start3A_264 = tpu.memref_slice %arg19[%dma_start3A_263] : memref<10240xf32, #tpu.memory_space<vmem_shared>> -> memref<10240xf32, #tpu.memory_space<vmem_shared>>
      tpu.enqueue_indirect_dma source(%dma_start3A_259 : memref<2000xf32, #tpu.memory_space<vmem>>) target(%dma_start3A_264 : memref<10240xf32, #tpu.memory_space<vmem_shared>>) offsets(%dma_start3A_262 : memref<2000xi32, #tpu.memory_space<vmem>>) semaphore(%run_scoped3A_256 : memref<!tpu.dma_semaphore, #tpu.memory_space<semaphore_mem>>) {add = true}
      %dma_wait3A_265 = arith.constant 0 : i32
      %dma_wait3A_266 = tpu.memref_slice %arg16[%run_scoped3A_237, %dma_wait3A_265] : memref<2x2000xf32, #tpu.memory_space<vmem>> -> memref<1x2000xf32, #tpu.memory_space<vmem>>
      %dma_wait3A_267 = tpu.memref_squeeze %dma_wait3A_266 : memref<1x2000xf32, #tpu.memory_space<vmem>> -> memref<2000xf32, #tpu.memory_space<vmem>>
      %dma_wait3A_268 = arith.constant 0 : i32
      %dma_wait3A_269 = tpu.memref_slice %arg15[%run_scoped3A_238, %dma_wait3A_268] : memref<2x2000xi32, #tpu.memory_space<vmem>> -> memref<1x2000xi32, #tpu.memory_space<vmem>>
      %dma_wait3A_270 = tpu.memref_squeeze %dma_wait3A_269 : memref<1x2000xi32, #tpu.memory_space<vmem>> -> memref<2000xi32, #tpu.memory_space<vmem>>
      %dma_wait3A_271 = arith.constant 0 : i32
      %dma_wait3A_272 = tpu.memref_slice %arg19[%dma_wait3A_271] : memref<10240xf32, #tpu.memory_space<vmem_shared>> -> memref<10240xf32, #tpu.memory_space<vmem_shared>>
      tpu.wait_indirect_dma semaphore(%run_scoped3A_256 : memref<!tpu.dma_semaphore, #tpu.memory_space<semaphore_mem>>) src(%dma_wait3A_267 : memref<2000xf32, #tpu.memory_space<vmem>>) dst(%dma_wait3A_272 : memref<10240xf32, #tpu.memory_space<vmem_shared>>)
      tpu.yield
    }) : () -> ()
    %dma_wait3A_239 = arith.constant 0 : i32
    %dma_wait3A_240 = arith.constant 0 : i32
    %dma_wait3A_241 = arith.constant 0 : i32
    %dma_wait3A_242 = tpu.memref_slice %arg16[%dma_wait3A_240, %dma_wait3A_241] : memref<2x2000xf32, #tpu.memory_space<vmem>> -> memref<1x2000xf32, #tpu.memory_space<vmem>>
    %dma_wait3A_243 = tpu.memref_squeeze %dma_wait3A_242 : memref<1x2000xf32, #tpu.memory_space<vmem>> -> memref<2000xf32, #tpu.memory_space<vmem>>
    %dma_wait3A_244 = arith.constant 0 : i32
    %dma_wait3A_245 = tpu.memref_slice %arg14[%dma_wait3A_239, %dma_wait3A_244] : memref<2x2000xi32, #tpu.memory_space<vmem>> -> memref<1x2000xi32, #tpu.memory_space<vmem>>
    %dma_wait3A_246 = tpu.memref_squeeze %dma_wait3A_245 : memref<1x2000xi32, #tpu.memory_space<vmem>> -> memref<2000xi32, #tpu.memory_space<vmem>>
    %dma_wait3A_247 = arith.constant 0 : i32
    %dma_wait3A_248 = tpu.memref_slice %arg18[%dma_wait3A_247] : memref<10240xf32, #tpu.memory_space<vmem_shared>> -> memref<10240xf32, #tpu.memory_space<vmem_shared>>
    tpu.wait_indirect_dma semaphore(%arg20 : memref<!tpu.dma_semaphore, #tpu.memory_space<semaphore_mem>>) src(%dma_wait3A_248 : memref<10240xf32, #tpu.memory_space<vmem_shared>>) dst(%dma_wait3A_243 : memref<2000xf32, #tpu.memory_space<vmem>>)
    %run_scoped3A_249 = arith.constant 0 : i32
    %run_scoped3A_250 = arith.constant 0 : i32
    "tpu.region"() ({
      %run_scoped3A_256 = tpu.sem_alloc : memref<!tpu.dma_semaphore, #tpu.memory_space<semaphore_mem>>
      %dma_start3A_257 = arith.constant 0 : i32
      %dma_start3A_258 = tpu.memref_slice %arg16[%run_scoped3A_249, %dma_start3A_257] : memref<2x2000xf32, #tpu.memory_space<vmem>> -> memref<1x2000xf32, #tpu.memory_space<vmem>>
      %dma_start3A_259 = tpu.memref_squeeze %dma_start3A_258 : memref<1x2000xf32, #tpu.memory_space<vmem>> -> memref<2000xf32, #tpu.memory_space<vmem>>
      %dma_start3A_260 = arith.constant 0 : i32
      %dma_start3A_261 = tpu.memref_slice %arg15[%run_scoped3A_250, %dma_start3A_260] : memref<2x2000xi32, #tpu.memory_space<vmem>> -> memref<1x2000xi32, #tpu.memory_space<vmem>>
      %dma_start3A_262 = tpu.memref_squeeze %dma_start3A_261 : memref<1x2000xi32, #tpu.memory_space<vmem>> -> memref<2000xi32, #tpu.memory_space<vmem>>
      %dma_start3A_263 = arith.constant 0 : i32
      %dma_start3A_264 = tpu.memref_slice %arg19[%dma_start3A_263] : memref<10240xf32, #tpu.memory_space<vmem_shared>> -> memref<10240xf32, #tpu.memory_space<vmem_shared>>
      tpu.enqueue_indirect_dma source(%dma_start3A_259 : memref<2000xf32, #tpu.memory_space<vmem>>) target(%dma_start3A_264 : memref<10240xf32, #tpu.memory_space<vmem_shared>>) offsets(%dma_start3A_262 : memref<2000xi32, #tpu.memory_space<vmem>>) semaphore(%run_scoped3A_256 : memref<!tpu.dma_semaphore, #tpu.memory_space<semaphore_mem>>) {add = true}
      %dma_wait3A_265 = arith.constant 0 : i32
      %dma_wait3A_266 = tpu.memref_slice %arg16[%run_scoped3A_249, %dma_wait3A_265] : memref<2x2000xf32, #tpu.memory_space<vmem>> -> memref<1x2000xf32, #tpu.memory_space<vmem>>
      %dma_wait3A_267 = tpu.memref_squeeze %dma_wait3A_266 : memref<1x2000xf32, #tpu.memory_space<vmem>> -> memref<2000xf32, #tpu.memory_space<vmem>>
      %dma_wait3A_268 = arith.constant 0 : i32
      %dma_wait3A_269 = tpu.memref_slice %arg15[%run_scoped3A_250, %dma_wait3A_268] : memref<2x2000xi32, #tpu.memory_space<vmem>> -> memref<1x2000xi32, #tpu.memory_space<vmem>>
      %dma_wait3A_270 = tpu.memref_squeeze %dma_wait3A_269 : memref<1x2000xi32, #tpu.memory_space<vmem>> -> memref<2000xi32, #tpu.memory_space<vmem>>
      %dma_wait3A_271 = arith.constant 0 : i32
      %dma_wait3A_272 = tpu.memref_slice %arg19[%dma_wait3A_271] : memref<10240xf32, #tpu.memory_space<vmem_shared>> -> memref<10240xf32, #tpu.memory_space<vmem_shared>>
      tpu.wait_indirect_dma semaphore(%run_scoped3A_256 : memref<!tpu.dma_semaphore, #tpu.memory_space<semaphore_mem>>) src(%dma_wait3A_267 : memref<2000xf32, #tpu.memory_space<vmem>>) dst(%dma_wait3A_272 : memref<10240xf32, #tpu.memory_space<vmem_shared>>)
      tpu.yield
    }) : () -> ()
    %barrier3A_251 = arith.constant 0 : index
    tpu.barrier barrier_id(%barrier3A_251)
    %mul3A_252 = arith.constant 640 : i32
    %mul3A_253 = arith.muli %arg1, %mul3A_252 : i32
    "tpu.region"() ({
      %run_scoped3A_256 = tpu.sem_alloc : memref<!tpu.dma_semaphore, #tpu.memory_space<semaphore_mem>>
      %dma_start3A_257 = tpu.memref_slice %arg19[%mul3A_253] : memref<10240xf32, #tpu.memory_space<vmem_shared>> -> memref<640xf32, #tpu.memory_space<vmem_shared>>
      %dma_start3A_258 = tpu.memref_slice %arg19[%mul3A_253] : memref<10240xf32, #tpu.memory_space<vmem_shared>> -> memref<640xf32, #tpu.memory_space<vmem_shared>>
      tpu.enqueue_dma source(%dma_start3A_258 : memref<640xf32, #tpu.memory_space<vmem_shared>>) target(%arg13 : memref<640xf32, #tpu.memory_space<vmem>>) target_semaphore(%run_scoped3A_256 : memref<!tpu.dma_semaphore, #tpu.memory_space<semaphore_mem>>)
      %dma_wait3A_259 = tpu.memref_slice %arg19[%mul3A_253] : memref<10240xf32, #tpu.memory_space<vmem_shared>> -> memref<640xf32, #tpu.memory_space<vmem_shared>>
      %dma_wait3A_260 = tpu.memref_slice %arg19[%mul3A_253] : memref<10240xf32, #tpu.memory_space<vmem_shared>> -> memref<640xf32, #tpu.memory_space<vmem_shared>>
      tpu.wait_dma2 semaphore(%run_scoped3A_256 : memref<!tpu.dma_semaphore, #tpu.memory_space<semaphore_mem>>) src(%dma_wait3A_260 : memref<640xf32, #tpu.memory_space<vmem_shared>>) dst(%arg13 : memref<640xf32, #tpu.memory_space<vmem>>)
      tpu.yield
    }) : () -> ()
    %mul3A_254 = arith.constant 640 : i32
    %mul3A_255 = arith.muli %arg1, %mul3A_254 : i32
    "tpu.region"() ({
      %run_scoped3A_256 = tpu.sem_alloc : memref<!tpu.dma_semaphore, #tpu.memory_space<semaphore_mem>>
      %dma_start3A_257 = tpu.memref_slice %arg5[%arg0, %mul3A_255] : memref<2x10240xf32, #tpu.memory_space<hbm>> -> memref<1x640xf32, #tpu.memory_space<hbm>>
      %dma_start3A_258 = tpu.memref_squeeze %dma_start3A_257 : memref<1x640xf32, #tpu.memory_space<hbm>> -> memref<640xf32, #tpu.memory_space<hbm>>
      %dma_start3A_259 = tpu.memref_slice %arg5[%arg0, %mul3A_255] : memref<2x10240xf32, #tpu.memory_space<hbm>> -> memref<1x640xf32, #tpu.memory_space<hbm>>
      %dma_start3A_260 = tpu.memref_squeeze %dma_start3A_259 : memref<1x640xf32, #tpu.memory_space<hbm>> -> memref<640xf32, #tpu.memory_space<hbm>>
      tpu.enqueue_dma source(%arg13 : memref<640xf32, #tpu.memory_space<vmem>>) target(%dma_start3A_260 : memref<640xf32, #tpu.memory_space<hbm>>) target_semaphore(%run_scoped3A_256 : memref<!tpu.dma_semaphore, #tpu.memory_space<semaphore_mem>>)
      %dma_wait3A_261 = tpu.memref_slice %arg5[%arg0, %mul3A_255] : memref<2x10240xf32, #tpu.memory_space<hbm>> -> memref<1x640xf32, #tpu.memory_space<hbm>>
      %dma_wait3A_262 = tpu.memref_squeeze %dma_wait3A_261 : memref<1x640xf32, #tpu.memory_space<hbm>> -> memref<640xf32, #tpu.memory_space<hbm>>
      %dma_wait3A_263 = tpu.memref_slice %arg5[%arg0, %mul3A_255] : memref<2x10240xf32, #tpu.memory_space<hbm>> -> memref<1x640xf32, #tpu.memory_space<hbm>>
      %dma_wait3A_264 = tpu.memref_squeeze %dma_wait3A_263 : memref<1x640xf32, #tpu.memory_space<hbm>> -> memref<640xf32, #tpu.memory_space<hbm>>
      tpu.wait_dma2 semaphore(%run_scoped3A_256 : memref<!tpu.dma_semaphore, #tpu.memory_space<semaphore_mem>>) src(%arg13 : memref<640xf32, #tpu.memory_space<vmem>>) dst(%dma_wait3A_264 : memref<640xf32, #tpu.memory_space<hbm>>)
      tpu.yield
    }) : () -> ()
    return
  }
}

#map = affine_map<(d0, d1) -> (0, 0)>
#map1 = affine_map<(d0, d1) -> (0, 0, 0)>
module attributes {stable_mosaic.version = 14 : i64} {
  func.func @scatter16(%arg0: i32, %arg1: i32, %arg2: memref<10000x16xf32, #tpu.memory_space<hbm>>, %arg3: memref<2x320000xi32, #tpu.memory_space<hbm>>, %arg4: memref<2x10240x16xf32, #tpu.memory_space<hbm>>, %arg5: memref<2x2000xi32, #tpu.memory_space<vmem>>, %arg6: memref<2x2000xi32, #tpu.memory_space<vmem>>, %arg7: memref<2x2000x16xf32, #tpu.memory_space<vmem>>, %arg8: memref<640x16xf32, #tpu.memory_space<vmem>>, %arg9: memref<10240x16xf32, #tpu.memory_space<vmem_shared>>, %arg10: memref<!tpu.dma_semaphore, #tpu.memory_space<semaphore_mem>>, %arg11: memref<!tpu.dma_semaphore, #tpu.memory_space<semaphore_mem>>) attributes {dimension_semantics = [#tpu.dimension_semantics<core_parallel>, #tpu.dimension_semantics<subcore_parallel>], iteration_bounds = array<i64: 2, 16>, scalar_prefetch = 0 : i64, scratch_operands = 7 : i64, tpu.core_type = #tpu.core_type<sc_vector_subcore>, window_params = [{transform_indices = #map}, {transform_indices = #map}, {transform_indices = #map1}]} {
    %mul3A = arith.constant 2 : i32
    %mul3A_0 = arith.muli %arg1, %mul3A : i32
    %add3A = arith.addi %mul3A_0, %arg0 : i32
    %mul3A_1 = arith.constant 10000 : i32
    %mul3A_2 = arith.muli %add3A, %mul3A_1 : i32
    %run_scoped3A = arith.constant 0 : i32
    %run_scoped3A_3 = arith.constant 0 : i32
    "tpu.region"() ({
      %run_scoped3A_190 = tpu.sem_alloc : memref<!tpu.dma_semaphore, #tpu.memory_space<semaphore_mem>>
      %dma_start3A_191 = arith.constant 0 : i32
      %dma_start3A_192 = tpu.memref_slice %arg5[%run_scoped3A_3, %dma_start3A_191] : memref<2x2000xi32, #tpu.memory_space<vmem>> -> memref<1x2000xi32, #tpu.memory_space<vmem>>
      %dma_start3A_193 = tpu.memref_squeeze %dma_start3A_192 : memref<1x2000xi32, #tpu.memory_space<vmem>> -> memref<2000xi32, #tpu.memory_space<vmem>>
      %dma_start3A_194 = tpu.memref_slice %arg3[%run_scoped3A, %mul3A_2] : memref<2x320000xi32, #tpu.memory_space<hbm>> -> memref<1x2000xi32, #tpu.memory_space<hbm>>
      %dma_start3A_195 = tpu.memref_squeeze %dma_start3A_194 : memref<1x2000xi32, #tpu.memory_space<hbm>> -> memref<2000xi32, #tpu.memory_space<hbm>>
      %dma_start3A_196 = arith.constant 0 : i32
      %dma_start3A_197 = tpu.memref_slice %arg5[%run_scoped3A_3, %dma_start3A_196] : memref<2x2000xi32, #tpu.memory_space<vmem>> -> memref<1x2000xi32, #tpu.memory_space<vmem>>
      %dma_start3A_198 = tpu.memref_squeeze %dma_start3A_197 : memref<1x2000xi32, #tpu.memory_space<vmem>> -> memref<2000xi32, #tpu.memory_space<vmem>>
      %dma_start3A_199 = tpu.memref_slice %arg3[%run_scoped3A, %mul3A_2] : memref<2x320000xi32, #tpu.memory_space<hbm>> -> memref<1x2000xi32, #tpu.memory_space<hbm>>
      %dma_start3A_200 = tpu.memref_squeeze %dma_start3A_199 : memref<1x2000xi32, #tpu.memory_space<hbm>> -> memref<2000xi32, #tpu.memory_space<hbm>>
      tpu.enqueue_dma source(%dma_start3A_200 : memref<2000xi32, #tpu.memory_space<hbm>>) target(%dma_start3A_198 : memref<2000xi32, #tpu.memory_space<vmem>>) target_semaphore(%run_scoped3A_190 : memref<!tpu.dma_semaphore, #tpu.memory_space<semaphore_mem>>)
      %dma_wait3A_201 = arith.constant 0 : i32
      %dma_wait3A_202 = tpu.memref_slice %arg5[%run_scoped3A_3, %dma_wait3A_201] : memref<2x2000xi32, #tpu.memory_space<vmem>> -> memref<1x2000xi32, #tpu.memory_space<vmem>>
      %dma_wait3A_203 = tpu.memref_squeeze %dma_wait3A_202 : memref<1x2000xi32, #tpu.memory_space<vmem>> -> memref<2000xi32, #tpu.memory_space<vmem>>
      %dma_wait3A_204 = tpu.memref_slice %arg3[%run_scoped3A, %mul3A_2] : memref<2x320000xi32, #tpu.memory_space<hbm>> -> memref<1x2000xi32, #tpu.memory_space<hbm>>
      %dma_wait3A_205 = tpu.memref_squeeze %dma_wait3A_204 : memref<1x2000xi32, #tpu.memory_space<hbm>> -> memref<2000xi32, #tpu.memory_space<hbm>>
      %dma_wait3A_206 = arith.constant 0 : i32
      %dma_wait3A_207 = tpu.memref_slice %arg5[%run_scoped3A_3, %dma_wait3A_206] : memref<2x2000xi32, #tpu.memory_space<vmem>> -> memref<1x2000xi32, #tpu.memory_space<vmem>>
      %dma_wait3A_208 = tpu.memref_squeeze %dma_wait3A_207 : memref<1x2000xi32, #tpu.memory_space<vmem>> -> memref<2000xi32, #tpu.memory_space<vmem>>
      %dma_wait3A_209 = tpu.memref_slice %arg3[%run_scoped3A, %mul3A_2] : memref<2x320000xi32, #tpu.memory_space<hbm>> -> memref<1x2000xi32, #tpu.memory_space<hbm>>
      %dma_wait3A_210 = tpu.memref_squeeze %dma_wait3A_209 : memref<1x2000xi32, #tpu.memory_space<hbm>> -> memref<2000xi32, #tpu.memory_space<hbm>>
      tpu.wait_dma2 semaphore(%run_scoped3A_190 : memref<!tpu.dma_semaphore, #tpu.memory_space<semaphore_mem>>) src(%dma_wait3A_210 : memref<2000xi32, #tpu.memory_space<hbm>>) dst(%dma_wait3A_208 : memref<2000xi32, #tpu.memory_space<vmem>>)
      tpu.yield
    }) : () -> ()
    %run_scoped3A_4 = arith.constant 1 : i32
    %run_scoped3A_5 = arith.constant 0 : i32
    "tpu.region"() ({
      %run_scoped3A_190 = tpu.sem_alloc : memref<!tpu.dma_semaphore, #tpu.memory_space<semaphore_mem>>
      %dma_start3A_191 = arith.constant 0 : i32
      %dma_start3A_192 = tpu.memref_slice %arg6[%run_scoped3A_5, %dma_start3A_191] : memref<2x2000xi32, #tpu.memory_space<vmem>> -> memref<1x2000xi32, #tpu.memory_space<vmem>>
      %dma_start3A_193 = tpu.memref_squeeze %dma_start3A_192 : memref<1x2000xi32, #tpu.memory_space<vmem>> -> memref<2000xi32, #tpu.memory_space<vmem>>
      %dma_start3A_194 = tpu.memref_slice %arg3[%run_scoped3A_4, %mul3A_2] : memref<2x320000xi32, #tpu.memory_space<hbm>> -> memref<1x2000xi32, #tpu.memory_space<hbm>>
      %dma_start3A_195 = tpu.memref_squeeze %dma_start3A_194 : memref<1x2000xi32, #tpu.memory_space<hbm>> -> memref<2000xi32, #tpu.memory_space<hbm>>
      %dma_start3A_196 = arith.constant 0 : i32
      %dma_start3A_197 = tpu.memref_slice %arg6[%run_scoped3A_5, %dma_start3A_196] : memref<2x2000xi32, #tpu.memory_space<vmem>> -> memref<1x2000xi32, #tpu.memory_space<vmem>>
      %dma_start3A_198 = tpu.memref_squeeze %dma_start3A_197 : memref<1x2000xi32, #tpu.memory_space<vmem>> -> memref<2000xi32, #tpu.memory_space<vmem>>
      %dma_start3A_199 = tpu.memref_slice %arg3[%run_scoped3A_4, %mul3A_2] : memref<2x320000xi32, #tpu.memory_space<hbm>> -> memref<1x2000xi32, #tpu.memory_space<hbm>>
      %dma_start3A_200 = tpu.memref_squeeze %dma_start3A_199 : memref<1x2000xi32, #tpu.memory_space<hbm>> -> memref<2000xi32, #tpu.memory_space<hbm>>
      tpu.enqueue_dma source(%dma_start3A_200 : memref<2000xi32, #tpu.memory_space<hbm>>) target(%dma_start3A_198 : memref<2000xi32, #tpu.memory_space<vmem>>) target_semaphore(%run_scoped3A_190 : memref<!tpu.dma_semaphore, #tpu.memory_space<semaphore_mem>>)
      %dma_wait3A_201 = arith.constant 0 : i32
      %dma_wait3A_202 = tpu.memref_slice %arg6[%run_scoped3A_5, %dma_wait3A_201] : memref<2x2000xi32, #tpu.memory_space<vmem>> -> memref<1x2000xi32, #tpu.memory_space<vmem>>
      %dma_wait3A_203 = tpu.memref_squeeze %dma_wait3A_202 : memref<1x2000xi32, #tpu.memory_space<vmem>> -> memref<2000xi32, #tpu.memory_space<vmem>>
      %dma_wait3A_204 = tpu.memref_slice %arg3[%run_scoped3A_4, %mul3A_2] : memref<2x320000xi32, #tpu.memory_space<hbm>> -> memref<1x2000xi32, #tpu.memory_space<hbm>>
      %dma_wait3A_205 = tpu.memref_squeeze %dma_wait3A_204 : memref<1x2000xi32, #tpu.memory_space<hbm>> -> memref<2000xi32, #tpu.memory_space<hbm>>
      %dma_wait3A_206 = arith.constant 0 : i32
      %dma_wait3A_207 = tpu.memref_slice %arg6[%run_scoped3A_5, %dma_wait3A_206] : memref<2x2000xi32, #tpu.memory_space<vmem>> -> memref<1x2000xi32, #tpu.memory_space<vmem>>
      %dma_wait3A_208 = tpu.memref_squeeze %dma_wait3A_207 : memref<1x2000xi32, #tpu.memory_space<vmem>> -> memref<2000xi32, #tpu.memory_space<vmem>>
      %dma_wait3A_209 = tpu.memref_slice %arg3[%run_scoped3A_4, %mul3A_2] : memref<2x320000xi32, #tpu.memory_space<hbm>> -> memref<1x2000xi32, #tpu.memory_space<hbm>>
      %dma_wait3A_210 = tpu.memref_squeeze %dma_wait3A_209 : memref<1x2000xi32, #tpu.memory_space<hbm>> -> memref<2000xi32, #tpu.memory_space<hbm>>
      tpu.wait_dma2 semaphore(%run_scoped3A_190 : memref<!tpu.dma_semaphore, #tpu.memory_space<semaphore_mem>>) src(%dma_wait3A_210 : memref<2000xi32, #tpu.memory_space<hbm>>) dst(%dma_wait3A_208 : memref<2000xi32, #tpu.memory_space<vmem>>)
      tpu.yield
    }) : () -> ()
    %dma_start3A = arith.constant 0 : i32
    %dma_start3A_6 = arith.constant 0 : i32
    %dma_start3A_7 = arith.constant 0 : i32
    %dma_start3A_8 = arith.constant 0 : i32
    %dma_start3A_9 = tpu.memref_slice %arg7[%dma_start3A_6, %dma_start3A_7, %dma_start3A_8] : memref<2x2000x16xf32, #tpu.memory_space<vmem>> -> memref<1x2000x16xf32, #tpu.memory_space<vmem>>
    %dma_start3A_10 = tpu.memref_squeeze %dma_start3A_9 : memref<1x2000x16xf32, #tpu.memory_space<vmem>> -> memref<2000x16xf32, #tpu.memory_space<vmem>>
    %dma_start3A_11 = arith.constant 0 : i32
    %dma_start3A_12 = tpu.memref_slice %arg5[%dma_start3A, %dma_start3A_11] : memref<2x2000xi32, #tpu.memory_space<vmem>> -> memref<1x2000xi32, #tpu.memory_space<vmem>>
    %dma_start3A_13 = tpu.memref_squeeze %dma_start3A_12 : memref<1x2000xi32, #tpu.memory_space<vmem>> -> memref<2000xi32, #tpu.memory_space<vmem>>
    %dma_start3A_14 = arith.constant 0 : i32
    %dma_start3A_15 = arith.constant 0 : i32
    %dma_start3A_16 = tpu.memref_slice %arg2[%dma_start3A_14, %dma_start3A_15] : memref<10000x16xf32, #tpu.memory_space<hbm>> -> memref<10000x16xf32, #tpu.memory_space<hbm>>
    tpu.enqueue_indirect_dma source(%dma_start3A_16 : memref<10000x16xf32, #tpu.memory_space<hbm>>) target(%dma_start3A_10 : memref<2000x16xf32, #tpu.memory_space<vmem>>) offsets(%dma_start3A_13 : memref<2000xi32, #tpu.memory_space<vmem>>) semaphore(%arg10 : memref<!tpu.dma_semaphore, #tpu.memory_space<semaphore_mem>>)
    %scan3A = arith.constant 0 : i32
    %scan3A_17 = arith.constant 0 : i32
    %scan3A_18 = arith.constant 640 : i32
    %scan3A_19 = arith.addi %scan3A_17, %scan3A_18 : i32
    %scan3A_20 = arith.constant 1 : i32
    %scan3A_21 = scf.for %scan3A_190 = %scan3A_17 to %scan3A_19 step %scan3A_20 iter_args(%scan3A_191 = %scan3A) -> (i32)  : i32 {
      %broadcast_in_dim3A = arith.constant 0.000000e+00 : f32
      %broadcast_in_dim3A_192 = vector.broadcast %broadcast_in_dim3A : f32 to vector<16xf32>
      %swap3A = arith.index_cast %scan3A_190 : i32 to index
      %swap3A_193 = arith.constant 0 : index
      %swap3A_194 = tpu.vector_load %arg8[%swap3A, %swap3A_193] {strides = array<i32>} : memref<640x16xf32, #tpu.memory_space<vmem>>, vector<1x16xf32>,
      %swap3A_195 = vector.shape_cast %swap3A_194 : vector<1x16xf32> to vector<16xf32>
      %swap3A_196 = vector.shape_cast %broadcast_in_dim3A_192 : vector<16xf32> to vector<1x16xf32>
      tpu.vector_store %arg8[%swap3A, %swap3A_193], %swap3A_196 {strides = array<i32>} : memref<640x16xf32, #tpu.memory_space<vmem>>, vector<1x16xf32>,
      %scan3A_197 = arith.constant 0 : i32
      scf.yield %scan3A_197 : i32
    }
    %scan3A_22 = arith.constant 640 : i32
    %eq3A = arith.constant 0 : i32
    %eq3A_23 = arith.cmpi eq, %arg0, %eq3A : i32
    %lt3A = arith.constant 15 : i32
    %lt3A_24 = arith.cmpi slt, %arg1, %lt3A : i32
    %and3A = arith.andi %eq3A_23, %lt3A_24 : i1
    %convert_element_type3A = arith.extui %and3A : i1 to i32
    %cond3A = arith.constant 0 : i32
    %cond3A_25 = arith.cmpi ne, %convert_element_type3A, %cond3A : i32
    scf.if %cond3A_25 {
      %mul3A_190 = arith.constant 640 : i32
      %mul3A_191 = arith.muli %arg1, %mul3A_190 : i32
      "tpu.region"() ({
        %run_scoped3A_192 = tpu.sem_alloc : memref<!tpu.dma_semaphore, #tpu.memory_space<semaphore_mem>>
        %dma_start3A_193 = arith.constant 0 : i32
        %dma_start3A_194 = tpu.memref_slice %arg2[%mul3A_191, %dma_start3A_193] : memref<10000x16xf32, #tpu.memory_space<hbm>> -> memref<640x16xf32, #tpu.memory_space<hbm>>
        %dma_start3A_195 = arith.constant 0 : i32
        %dma_start3A_196 = tpu.memref_slice %arg2[%mul3A_191, %dma_start3A_195] : memref<10000x16xf32, #tpu.memory_space<hbm>> -> memref<640x16xf32, #tpu.memory_space<hbm>>
        tpu.enqueue_dma source(%dma_start3A_196 : memref<640x16xf32, #tpu.memory_space<hbm>>) target(%arg8 : memref<640x16xf32, #tpu.memory_space<vmem>>) target_semaphore(%run_scoped3A_192 : memref<!tpu.dma_semaphore, #tpu.memory_space<semaphore_mem>>)
        %dma_wait3A_197 = arith.constant 0 : i32
        %dma_wait3A_198 = tpu.memref_slice %arg2[%mul3A_191, %dma_wait3A_197] : memref<10000x16xf32, #tpu.memory_space<hbm>> -> memref<640x16xf32, #tpu.memory_space<hbm>>
        %dma_wait3A_199 = arith.constant 0 : i32
        %dma_wait3A_200 = tpu.memref_slice %arg2[%mul3A_191, %dma_wait3A_199] : memref<10000x16xf32, #tpu.memory_space<hbm>> -> memref<640x16xf32, #tpu.memory_space<hbm>>
        tpu.wait_dma2 semaphore(%run_scoped3A_192 : memref<!tpu.dma_semaphore, #tpu.memory_space<semaphore_mem>>) src(%dma_wait3A_200 : memref<640x16xf32, #tpu.memory_space<hbm>>) dst(%arg8 : memref<640x16xf32, #tpu.memory_space<vmem>>)
        tpu.yield
      }) : () -> ()
    } else {
    }
    %eq3A_26 = arith.constant 0 : i32
    %eq3A_27 = arith.cmpi eq, %arg0, %eq3A_26 : i32
    %eq3A_28 = arith.constant 15 : i32
    %eq3A_29 = arith.cmpi eq, %arg1, %eq3A_28 : i32
    %and3A_30 = arith.andi %eq3A_27, %eq3A_29 : i1
    %convert_element_type3A_31 = arith.extui %and3A_30 : i1 to i32
    %cond3A_32 = arith.constant 0 : i32
    %cond3A_33 = arith.cmpi ne, %convert_element_type3A_31, %cond3A_32 : i32
    scf.if %cond3A_33 {
      "tpu.region"() ({
        %run_scoped3A_190 = tpu.sem_alloc : memref<!tpu.dma_semaphore, #tpu.memory_space<semaphore_mem>>
        %dma_start3A_191 = arith.constant 0 : i32
        %dma_start3A_192 = arith.constant 0 : i32
        %dma_start3A_193 = tpu.memref_slice %arg8[%dma_start3A_191, %dma_start3A_192] : memref<640x16xf32, #tpu.memory_space<vmem>> -> memref<400x16xf32, #tpu.memory_space<vmem>>
        %dma_start3A_194 = arith.constant 9600 : i32
        %dma_start3A_195 = arith.constant 0 : i32
        %dma_start3A_196 = tpu.memref_slice %arg2[%dma_start3A_194, %dma_start3A_195] : memref<10000x16xf32, #tpu.memory_space<hbm>> -> memref<400x16xf32, #tpu.memory_space<hbm>>
        %dma_start3A_197 = arith.constant 0 : i32
        %dma_start3A_198 = arith.constant 0 : i32
        %dma_start3A_199 = tpu.memref_slice %arg8[%dma_start3A_197, %dma_start3A_198] : memref<640x16xf32, #tpu.memory_space<vmem>> -> memref<400x16xf32, #tpu.memory_space<vmem>>
        %dma_start3A_200 = arith.constant 9600 : i32
        %dma_start3A_201 = arith.constant 0 : i32
        %dma_start3A_202 = tpu.memref_slice %arg2[%dma_start3A_200, %dma_start3A_201] : memref<10000x16xf32, #tpu.memory_space<hbm>> -> memref<400x16xf32, #tpu.memory_space<hbm>>
        tpu.enqueue_dma source(%dma_start3A_202 : memref<400x16xf32, #tpu.memory_space<hbm>>) target(%dma_start3A_199 : memref<400x16xf32, #tpu.memory_space<vmem>>) target_semaphore(%run_scoped3A_190 : memref<!tpu.dma_semaphore, #tpu.memory_space<semaphore_mem>>)
        %dma_wait3A_203 = arith.constant 0 : i32
        %dma_wait3A_204 = arith.constant 0 : i32
        %dma_wait3A_205 = tpu.memref_slice %arg8[%dma_wait3A_203, %dma_wait3A_204] : memref<640x16xf32, #tpu.memory_space<vmem>> -> memref<400x16xf32, #tpu.memory_space<vmem>>
        %dma_wait3A_206 = arith.constant 9600 : i32
        %dma_wait3A_207 = arith.constant 0 : i32
        %dma_wait3A_208 = tpu.memref_slice %arg2[%dma_wait3A_206, %dma_wait3A_207] : memref<10000x16xf32, #tpu.memory_space<hbm>> -> memref<400x16xf32, #tpu.memory_space<hbm>>
        %dma_wait3A_209 = arith.constant 0 : i32
        %dma_wait3A_210 = arith.constant 0 : i32
        %dma_wait3A_211 = tpu.memref_slice %arg8[%dma_wait3A_209, %dma_wait3A_210] : memref<640x16xf32, #tpu.memory_space<vmem>> -> memref<400x16xf32, #tpu.memory_space<vmem>>
        %dma_wait3A_212 = arith.constant 9600 : i32
        %dma_wait3A_213 = arith.constant 0 : i32
        %dma_wait3A_214 = tpu.memref_slice %arg2[%dma_wait3A_212, %dma_wait3A_213] : memref<10000x16xf32, #tpu.memory_space<hbm>> -> memref<400x16xf32, #tpu.memory_space<hbm>>
        tpu.wait_dma2 semaphore(%run_scoped3A_190 : memref<!tpu.dma_semaphore, #tpu.memory_space<semaphore_mem>>) src(%dma_wait3A_214 : memref<400x16xf32, #tpu.memory_space<hbm>>) dst(%dma_wait3A_211 : memref<400x16xf32, #tpu.memory_space<vmem>>)
        tpu.yield
      }) : () -> ()
    } else {
    }
    %mul3A_34 = arith.constant 640 : i32
    %mul3A_35 = arith.muli %arg1, %mul3A_34 : i32
    "tpu.region"() ({
      %run_scoped3A_190 = tpu.sem_alloc : memref<!tpu.dma_semaphore, #tpu.memory_space<semaphore_mem>>
      %dma_start3A_191 = arith.constant 0 : i32
      %dma_start3A_192 = tpu.memref_slice %arg9[%mul3A_35, %dma_start3A_191] : memref<10240x16xf32, #tpu.memory_space<vmem_shared>> -> memref<640x16xf32, #tpu.memory_space<vmem_shared>>
      %dma_start3A_193 = arith.constant 0 : i32
      %dma_start3A_194 = tpu.memref_slice %arg9[%mul3A_35, %dma_start3A_193] : memref<10240x16xf32, #tpu.memory_space<vmem_shared>> -> memref<640x16xf32, #tpu.memory_space<vmem_shared>>
      tpu.enqueue_dma source(%arg8 : memref<640x16xf32, #tpu.memory_space<vmem>>) target(%dma_start3A_194 : memref<640x16xf32, #tpu.memory_space<vmem_shared>>) target_semaphore(%run_scoped3A_190 : memref<!tpu.dma_semaphore, #tpu.memory_space<semaphore_mem>>)
      %dma_wait3A_195 = arith.constant 0 : i32
      %dma_wait3A_196 = tpu.memref_slice %arg9[%mul3A_35, %dma_wait3A_195] : memref<10240x16xf32, #tpu.memory_space<vmem_shared>> -> memref<640x16xf32, #tpu.memory_space<vmem_shared>>
      %dma_wait3A_197 = arith.constant 0 : i32
      %dma_wait3A_198 = tpu.memref_slice %arg9[%mul3A_35, %dma_wait3A_197] : memref<10240x16xf32, #tpu.memory_space<vmem_shared>> -> memref<640x16xf32, #tpu.memory_space<vmem_shared>>
      tpu.wait_dma2 semaphore(%run_scoped3A_190 : memref<!tpu.dma_semaphore, #tpu.memory_space<semaphore_mem>>) src(%arg8 : memref<640x16xf32, #tpu.memory_space<vmem>>) dst(%dma_wait3A_198 : memref<640x16xf32, #tpu.memory_space<vmem_shared>>)
      tpu.yield
    }) : () -> ()
    %barrier3A = arith.constant 0 : index
    tpu.barrier barrier_id(%barrier3A)
    %mul3A_36 = arith.constant 10000 : i32
    %mul3A_37 = arith.muli %add3A, %mul3A_36 : i32
    %add3A_38 = arith.constant 2000 : i32
    %add3A_39 = arith.addi %mul3A_37, %add3A_38 : i32
    %run_scoped3A_40 = arith.constant 0 : i32
    %run_scoped3A_41 = arith.constant 1 : i32
    "tpu.region"() ({
      %run_scoped3A_190 = tpu.sem_alloc : memref<!tpu.dma_semaphore, #tpu.memory_space<semaphore_mem>>
      %dma_start3A_191 = arith.constant 0 : i32
      %dma_start3A_192 = tpu.memref_slice %arg5[%run_scoped3A_41, %dma_start3A_191] : memref<2x2000xi32, #tpu.memory_space<vmem>> -> memref<1x2000xi32, #tpu.memory_space<vmem>>
      %dma_start3A_193 = tpu.memref_squeeze %dma_start3A_192 : memref<1x2000xi32, #tpu.memory_space<vmem>> -> memref<2000xi32, #tpu.memory_space<vmem>>
      %dma_start3A_194 = tpu.memref_slice %arg3[%run_scoped3A_40, %add3A_39] : memref<2x320000xi32, #tpu.memory_space<hbm>> -> memref<1x2000xi32, #tpu.memory_space<hbm>>
      %dma_start3A_195 = tpu.memref_squeeze %dma_start3A_194 : memref<1x2000xi32, #tpu.memory_space<hbm>> -> memref<2000xi32, #tpu.memory_space<hbm>>
      %dma_start3A_196 = arith.constant 0 : i32
      %dma_start3A_197 = tpu.memref_slice %arg5[%run_scoped3A_41, %dma_start3A_196] : memref<2x2000xi32, #tpu.memory_space<vmem>> -> memref<1x2000xi32, #tpu.memory_space<vmem>>
      %dma_start3A_198 = tpu.memref_squeeze %dma_start3A_197 : memref<1x2000xi32, #tpu.memory_space<vmem>> -> memref<2000xi32, #tpu.memory_space<vmem>>
      %dma_start3A_199 = tpu.memref_slice %arg3[%run_scoped3A_40, %add3A_39] : memref<2x320000xi32, #tpu.memory_space<hbm>> -> memref<1x2000xi32, #tpu.memory_space<hbm>>
      %dma_start3A_200 = tpu.memref_squeeze %dma_start3A_199 : memref<1x2000xi32, #tpu.memory_space<hbm>> -> memref<2000xi32, #tpu.memory_space<hbm>>
      tpu.enqueue_dma source(%dma_start3A_200 : memref<2000xi32, #tpu.memory_space<hbm>>) target(%dma_start3A_198 : memref<2000xi32, #tpu.memory_space<vmem>>) target_semaphore(%run_scoped3A_190 : memref<!tpu.dma_semaphore, #tpu.memory_space<semaphore_mem>>)
      %dma_wait3A_201 = arith.constant 0 : i32
      %dma_wait3A_202 = tpu.memref_slice %arg5[%run_scoped3A_41, %dma_wait3A_201] : memref<2x2000xi32, #tpu.memory_space<vmem>> -> memref<1x2000xi32, #tpu.memory_space<vmem>>
      %dma_wait3A_203 = tpu.memref_squeeze %dma_wait3A_202 : memref<1x2000xi32, #tpu.memory_space<vmem>> -> memref<2000xi32, #tpu.memory_space<vmem>>
      %dma_wait3A_204 = tpu.memref_slice %arg3[%run_scoped3A_40, %add3A_39] : memref<2x320000xi32, #tpu.memory_space<hbm>> -> memref<1x2000xi32, #tpu.memory_space<hbm>>
      %dma_wait3A_205 = tpu.memref_squeeze %dma_wait3A_204 : memref<1x2000xi32, #tpu.memory_space<hbm>> -> memref<2000xi32, #tpu.memory_space<hbm>>
      %dma_wait3A_206 = arith.constant 0 : i32
      %dma_wait3A_207 = tpu.memref_slice %arg5[%run_scoped3A_41, %dma_wait3A_206] : memref<2x2000xi32, #tpu.memory_space<vmem>> -> memref<1x2000xi32, #tpu.memory_space<vmem>>
      %dma_wait3A_208 = tpu.memref_squeeze %dma_wait3A_207 : memref<1x2000xi32, #tpu.memory_space<vmem>> -> memref<2000xi32, #tpu.memory_space<vmem>>
      %dma_wait3A_209 = tpu.memref_slice %arg3[%run_scoped3A_40, %add3A_39] : memref<2x320000xi32, #tpu.memory_space<hbm>> -> memref<1x2000xi32, #tpu.memory_space<hbm>>
      %dma_wait3A_210 = tpu.memref_squeeze %dma_wait3A_209 : memref<1x2000xi32, #tpu.memory_space<hbm>> -> memref<2000xi32, #tpu.memory_space<hbm>>
      tpu.wait_dma2 semaphore(%run_scoped3A_190 : memref<!tpu.dma_semaphore, #tpu.memory_space<semaphore_mem>>) src(%dma_wait3A_210 : memref<2000xi32, #tpu.memory_space<hbm>>) dst(%dma_wait3A_208 : memref<2000xi32, #tpu.memory_space<vmem>>)
      tpu.yield
    }) : () -> ()
    %run_scoped3A_42 = arith.constant 1 : i32
    %run_scoped3A_43 = arith.constant 1 : i32
    "tpu.region"() ({
      %run_scoped3A_190 = tpu.sem_alloc : memref<!tpu.dma_semaphore, #tpu.memory_space<semaphore_mem>>
      %dma_start3A_191 = arith.constant 0 : i32
      %dma_start3A_192 = tpu.memref_slice %arg6[%run_scoped3A_43, %dma_start3A_191] : memref<2x2000xi32, #tpu.memory_space<vmem>> -> memref<1x2000xi32, #tpu.memory_space<vmem>>
      %dma_start3A_193 = tpu.memref_squeeze %dma_start3A_192 : memref<1x2000xi32, #tpu.memory_space<vmem>> -> memref<2000xi32, #tpu.memory_space<vmem>>
      %dma_start3A_194 = tpu.memref_slice %arg3[%run_scoped3A_42, %add3A_39] : memref<2x320000xi32, #tpu.memory_space<hbm>> -> memref<1x2000xi32, #tpu.memory_space<hbm>>
      %dma_start3A_195 = tpu.memref_squeeze %dma_start3A_194 : memref<1x2000xi32, #tpu.memory_space<hbm>> -> memref<2000xi32, #tpu.memory_space<hbm>>
      %dma_start3A_196 = arith.constant 0 : i32
      %dma_start3A_197 = tpu.memref_slice %arg6[%run_scoped3A_43, %dma_start3A_196] : memref<2x2000xi32, #tpu.memory_space<vmem>> -> memref<1x2000xi32, #tpu.memory_space<vmem>>
      %dma_start3A_198 = tpu.memref_squeeze %dma_start3A_197 : memref<1x2000xi32, #tpu.memory_space<vmem>> -> memref<2000xi32, #tpu.memory_space<vmem>>
      %dma_start3A_199 = tpu.memref_slice %arg3[%run_scoped3A_42, %add3A_39] : memref<2x320000xi32, #tpu.memory_space<hbm>> -> memref<1x2000xi32, #tpu.memory_space<hbm>>
      %dma_start3A_200 = tpu.memref_squeeze %dma_start3A_199 : memref<1x2000xi32, #tpu.memory_space<hbm>> -> memref<2000xi32, #tpu.memory_space<hbm>>
      tpu.enqueue_dma source(%dma_start3A_200 : memref<2000xi32, #tpu.memory_space<hbm>>) target(%dma_start3A_198 : memref<2000xi32, #tpu.memory_space<vmem>>) target_semaphore(%run_scoped3A_190 : memref<!tpu.dma_semaphore, #tpu.memory_space<semaphore_mem>>)
      %dma_wait3A_201 = arith.constant 0 : i32
      %dma_wait3A_202 = tpu.memref_slice %arg6[%run_scoped3A_43, %dma_wait3A_201] : memref<2x2000xi32, #tpu.memory_space<vmem>> -> memref<1x2000xi32, #tpu.memory_space<vmem>>
      %dma_wait3A_203 = tpu.memref_squeeze %dma_wait3A_202 : memref<1x2000xi32, #tpu.memory_space<vmem>> -> memref<2000xi32, #tpu.memory_space<vmem>>
      %dma_wait3A_204 = tpu.memref_slice %arg3[%run_scoped3A_42, %add3A_39] : memref<2x320000xi32, #tpu.memory_space<hbm>> -> memref<1x2000xi32, #tpu.memory_space<hbm>>
      %dma_wait3A_205 = tpu.memref_squeeze %dma_wait3A_204 : memref<1x2000xi32, #tpu.memory_space<hbm>> -> memref<2000xi32, #tpu.memory_space<hbm>>
      %dma_wait3A_206 = arith.constant 0 : i32
      %dma_wait3A_207 = tpu.memref_slice %arg6[%run_scoped3A_43, %dma_wait3A_206] : memref<2x2000xi32, #tpu.memory_space<vmem>> -> memref<1x2000xi32, #tpu.memory_space<vmem>>
      %dma_wait3A_208 = tpu.memref_squeeze %dma_wait3A_207 : memref<1x2000xi32, #tpu.memory_space<vmem>> -> memref<2000xi32, #tpu.memory_space<vmem>>
      %dma_wait3A_209 = tpu.memref_slice %arg3[%run_scoped3A_42, %add3A_39] : memref<2x320000xi32, #tpu.memory_space<hbm>> -> memref<1x2000xi32, #tpu.memory_space<hbm>>
      %dma_wait3A_210 = tpu.memref_squeeze %dma_wait3A_209 : memref<1x2000xi32, #tpu.memory_space<hbm>> -> memref<2000xi32, #tpu.memory_space<hbm>>
      tpu.wait_dma2 semaphore(%run_scoped3A_190 : memref<!tpu.dma_semaphore, #tpu.memory_space<semaphore_mem>>) src(%dma_wait3A_210 : memref<2000xi32, #tpu.memory_space<hbm>>) dst(%dma_wait3A_208 : memref<2000xi32, #tpu.memory_space<vmem>>)
      tpu.yield
    }) : () -> ()
    %dma_wait3A = arith.constant 0 : i32
    %dma_wait3A_44 = arith.constant 0 : i32
    %dma_wait3A_45 = arith.constant 0 : i32
    %dma_wait3A_46 = arith.constant 0 : i32
    %dma_wait3A_47 = tpu.memref_slice %arg7[%dma_wait3A_44, %dma_wait3A_45, %dma_wait3A_46] : memref<2x2000x16xf32, #tpu.memory_space<vmem>> -> memref<1x2000x16xf32, #tpu.memory_space<vmem>>
    %dma_wait3A_48 = tpu.memref_squeeze %dma_wait3A_47 : memref<1x2000x16xf32, #tpu.memory_space<vmem>> -> memref<2000x16xf32, #tpu.memory_space<vmem>>
    %dma_wait3A_49 = arith.constant 0 : i32
    %dma_wait3A_50 = tpu.memref_slice %arg5[%dma_wait3A, %dma_wait3A_49] : memref<2x2000xi32, #tpu.memory_space<vmem>> -> memref<1x2000xi32, #tpu.memory_space<vmem>>
    %dma_wait3A_51 = tpu.memref_squeeze %dma_wait3A_50 : memref<1x2000xi32, #tpu.memory_space<vmem>> -> memref<2000xi32, #tpu.memory_space<vmem>>
    %dma_wait3A_52 = arith.constant 0 : i32
    %dma_wait3A_53 = arith.constant 0 : i32
    %dma_wait3A_54 = tpu.memref_slice %arg2[%dma_wait3A_52, %dma_wait3A_53] : memref<10000x16xf32, #tpu.memory_space<hbm>> -> memref<10000x16xf32, #tpu.memory_space<hbm>>
    tpu.wait_indirect_dma semaphore(%arg10 : memref<!tpu.dma_semaphore, #tpu.memory_space<semaphore_mem>>) src(%dma_wait3A_54 : memref<10000x16xf32, #tpu.memory_space<hbm>>) dst(%dma_wait3A_48 : memref<2000x16xf32, #tpu.memory_space<vmem>>)
    %dma_start3A_55 = arith.constant 1 : i32
    %dma_start3A_56 = arith.constant 1 : i32
    %dma_start3A_57 = arith.constant 0 : i32
    %dma_start3A_58 = arith.constant 0 : i32
    %dma_start3A_59 = tpu.memref_slice %arg7[%dma_start3A_56, %dma_start3A_57, %dma_start3A_58] : memref<2x2000x16xf32, #tpu.memory_space<vmem>> -> memref<1x2000x16xf32, #tpu.memory_space<vmem>>
    %dma_start3A_60 = tpu.memref_squeeze %dma_start3A_59 : memref<1x2000x16xf32, #tpu.memory_space<vmem>> -> memref<2000x16xf32, #tpu.memory_space<vmem>>
    %dma_start3A_61 = arith.constant 0 : i32
    %dma_start3A_62 = tpu.memref_slice %arg5[%dma_start3A_55, %dma_start3A_61] : memref<2x2000xi32, #tpu.memory_space<vmem>> -> memref<1x2000xi32, #tpu.memory_space<vmem>>
    %dma_start3A_63 = tpu.memref_squeeze %dma_start3A_62 : memref<1x2000xi32, #tpu.memory_space<vmem>> -> memref<2000xi32, #tpu.memory_space<vmem>>
    %dma_start3A_64 = arith.constant 0 : i32
    %dma_start3A_65 = arith.constant 0 : i32
    %dma_start3A_66 = tpu.memref_slice %arg2[%dma_start3A_64, %dma_start3A_65] : memref<10000x16xf32, #tpu.memory_space<hbm>> -> memref<10000x16xf32, #tpu.memory_space<hbm>>
    tpu.enqueue_indirect_dma source(%dma_start3A_66 : memref<10000x16xf32, #tpu.memory_space<hbm>>) target(%dma_start3A_60 : memref<2000x16xf32, #tpu.memory_space<vmem>>) offsets(%dma_start3A_63 : memref<2000xi32, #tpu.memory_space<vmem>>) semaphore(%arg11 : memref<!tpu.dma_semaphore, #tpu.memory_space<semaphore_mem>>)
    %run_scoped3A_67 = arith.constant 0 : i32
    %run_scoped3A_68 = arith.constant 0 : i32
    "tpu.region"() ({
      %run_scoped3A_190 = tpu.sem_alloc : memref<!tpu.dma_semaphore, #tpu.memory_space<semaphore_mem>>
      %dma_start3A_191 = arith.constant 0 : i32
      %dma_start3A_192 = arith.constant 0 : i32
      %dma_start3A_193 = tpu.memref_slice %arg7[%run_scoped3A_67, %dma_start3A_191, %dma_start3A_192] : memref<2x2000x16xf32, #tpu.memory_space<vmem>> -> memref<1x2000x16xf32, #tpu.memory_space<vmem>>
      %dma_start3A_194 = tpu.memref_squeeze %dma_start3A_193 : memref<1x2000x16xf32, #tpu.memory_space<vmem>> -> memref<2000x16xf32, #tpu.memory_space<vmem>>
      %dma_start3A_195 = arith.constant 0 : i32
      %dma_start3A_196 = tpu.memref_slice %arg6[%run_scoped3A_68, %dma_start3A_195] : memref<2x2000xi32, #tpu.memory_space<vmem>> -> memref<1x2000xi32, #tpu.memory_space<vmem>>
      %dma_start3A_197 = tpu.memref_squeeze %dma_start3A_196 : memref<1x2000xi32, #tpu.memory_space<vmem>> -> memref<2000xi32, #tpu.memory_space<vmem>>
      %dma_start3A_198 = arith.constant 0 : i32
      %dma_start3A_199 = arith.constant 0 : i32
      %dma_start3A_200 = tpu.memref_slice %arg9[%dma_start3A_198, %dma_start3A_199] : memref<10240x16xf32, #tpu.memory_space<vmem_shared>> -> memref<10240x16xf32, #tpu.memory_space<vmem_shared>>
      tpu.enqueue_indirect_dma source(%dma_start3A_194 : memref<2000x16xf32, #tpu.memory_space<vmem>>) target(%dma_start3A_200 : memref<10240x16xf32, #tpu.memory_space<vmem_shared>>) offsets(%dma_start3A_197 : memref<2000xi32, #tpu.memory_space<vmem>>) semaphore(%run_scoped3A_190 : memref<!tpu.dma_semaphore, #tpu.memory_space<semaphore_mem>>) {add = true}
      %dma_wait3A_201 = arith.constant 0 : i32
      %dma_wait3A_202 = arith.constant 0 : i32
      %dma_wait3A_203 = tpu.memref_slice %arg7[%run_scoped3A_67, %dma_wait3A_201, %dma_wait3A_202] : memref<2x2000x16xf32, #tpu.memory_space<vmem>> -> memref<1x2000x16xf32, #tpu.memory_space<vmem>>
      %dma_wait3A_204 = tpu.memref_squeeze %dma_wait3A_203 : memref<1x2000x16xf32, #tpu.memory_space<vmem>> -> memref<2000x16xf32, #tpu.memory_space<vmem>>
      %dma_wait3A_205 = arith.constant 0 : i32
      %dma_wait3A_206 = tpu.memref_slice %arg6[%run_scoped3A_68, %dma_wait3A_205] : memref<2x2000xi32, #tpu.memory_space<vmem>> -> memref<1x2000xi32, #tpu.memory_space<vmem>>
      %dma_wait3A_207 = tpu.memref_squeeze %dma_wait3A_206 : memref<1x2000xi32, #tpu.memory_space<vmem>> -> memref<2000xi32, #tpu.memory_space<vmem>>
      %dma_wait3A_208 = arith.constant 0 : i32
      %dma_wait3A_209 = arith.constant 0 : i32
      %dma_wait3A_210 = tpu.memref_slice %arg9[%dma_wait3A_208, %dma_wait3A_209] : memref<10240x16xf32, #tpu.memory_space<vmem_shared>> -> memref<10240x16xf32, #tpu.memory_space<vmem_shared>>
      tpu.wait_indirect_dma semaphore(%run_scoped3A_190 : memref<!tpu.dma_semaphore, #tpu.memory_space<semaphore_mem>>) src(%dma_wait3A_204 : memref<2000x16xf32, #tpu.memory_space<vmem>>) dst(%dma_wait3A_210 : memref<10240x16xf32, #tpu.memory_space<vmem_shared>>)
      tpu.yield
    }) : () -> ()
    %mul3A_69 = arith.constant 10000 : i32
    %mul3A_70 = arith.muli %add3A, %mul3A_69 : i32
    %add3A_71 = arith.constant 4000 : i32
    %add3A_72 = arith.addi %mul3A_70, %add3A_71 : i32
    %run_scoped3A_73 = arith.constant 0 : i32
    %run_scoped3A_74 = arith.constant 0 : i32
    "tpu.region"() ({
      %run_scoped3A_190 = tpu.sem_alloc : memref<!tpu.dma_semaphore, #tpu.memory_space<semaphore_mem>>
      %dma_start3A_191 = arith.constant 0 : i32
      %dma_start3A_192 = tpu.memref_slice %arg5[%run_scoped3A_74, %dma_start3A_191] : memref<2x2000xi32, #tpu.memory_space<vmem>> -> memref<1x2000xi32, #tpu.memory_space<vmem>>
      %dma_start3A_193 = tpu.memref_squeeze %dma_start3A_192 : memref<1x2000xi32, #tpu.memory_space<vmem>> -> memref<2000xi32, #tpu.memory_space<vmem>>
      %dma_start3A_194 = tpu.memref_slice %arg3[%run_scoped3A_73, %add3A_72] : memref<2x320000xi32, #tpu.memory_space<hbm>> -> memref<1x2000xi32, #tpu.memory_space<hbm>>
      %dma_start3A_195 = tpu.memref_squeeze %dma_start3A_194 : memref<1x2000xi32, #tpu.memory_space<hbm>> -> memref<2000xi32, #tpu.memory_space<hbm>>
      %dma_start3A_196 = arith.constant 0 : i32
      %dma_start3A_197 = tpu.memref_slice %arg5[%run_scoped3A_74, %dma_start3A_196] : memref<2x2000xi32, #tpu.memory_space<vmem>> -> memref<1x2000xi32, #tpu.memory_space<vmem>>
      %dma_start3A_198 = tpu.memref_squeeze %dma_start3A_197 : memref<1x2000xi32, #tpu.memory_space<vmem>> -> memref<2000xi32, #tpu.memory_space<vmem>>
      %dma_start3A_199 = tpu.memref_slice %arg3[%run_scoped3A_73, %add3A_72] : memref<2x320000xi32, #tpu.memory_space<hbm>> -> memref<1x2000xi32, #tpu.memory_space<hbm>>
      %dma_start3A_200 = tpu.memref_squeeze %dma_start3A_199 : memref<1x2000xi32, #tpu.memory_space<hbm>> -> memref<2000xi32, #tpu.memory_space<hbm>>
      tpu.enqueue_dma source(%dma_start3A_200 : memref<2000xi32, #tpu.memory_space<hbm>>) target(%dma_start3A_198 : memref<2000xi32, #tpu.memory_space<vmem>>) target_semaphore(%run_scoped3A_190 : memref<!tpu.dma_semaphore, #tpu.memory_space<semaphore_mem>>)
      %dma_wait3A_201 = arith.constant 0 : i32
      %dma_wait3A_202 = tpu.memref_slice %arg5[%run_scoped3A_74, %dma_wait3A_201] : memref<2x2000xi32, #tpu.memory_space<vmem>> -> memref<1x2000xi32, #tpu.memory_space<vmem>>
      %dma_wait3A_203 = tpu.memref_squeeze %dma_wait3A_202 : memref<1x2000xi32, #tpu.memory_space<vmem>> -> memref<2000xi32, #tpu.memory_space<vmem>>
      %dma_wait3A_204 = tpu.memref_slice %arg3[%run_scoped3A_73, %add3A_72] : memref<2x320000xi32, #tpu.memory_space<hbm>> -> memref<1x2000xi32, #tpu.memory_space<hbm>>
      %dma_wait3A_205 = tpu.memref_squeeze %dma_wait3A_204 : memref<1x2000xi32, #tpu.memory_space<hbm>> -> memref<2000xi32, #tpu.memory_space<hbm>>
      %dma_wait3A_206 = arith.constant 0 : i32
      %dma_wait3A_207 = tpu.memref_slice %arg5[%run_scoped3A_74, %dma_wait3A_206] : memref<2x2000xi32, #tpu.memory_space<vmem>> -> memref<1x2000xi32, #tpu.memory_space<vmem>>
      %dma_wait3A_208 = tpu.memref_squeeze %dma_wait3A_207 : memref<1x2000xi32, #tpu.memory_space<vmem>> -> memref<2000xi32, #tpu.memory_space<vmem>>
      %dma_wait3A_209 = tpu.memref_slice %arg3[%run_scoped3A_73, %add3A_72] : memref<2x320000xi32, #tpu.memory_space<hbm>> -> memref<1x2000xi32, #tpu.memory_space<hbm>>
      %dma_wait3A_210 = tpu.memref_squeeze %dma_wait3A_209 : memref<1x2000xi32, #tpu.memory_space<hbm>> -> memref<2000xi32, #tpu.memory_space<hbm>>
      tpu.wait_dma2 semaphore(%run_scoped3A_190 : memref<!tpu.dma_semaphore, #tpu.memory_space<semaphore_mem>>) src(%dma_wait3A_210 : memref<2000xi32, #tpu.memory_space<hbm>>) dst(%dma_wait3A_208 : memref<2000xi32, #tpu.memory_space<vmem>>)
      tpu.yield
    }) : () -> ()
    %run_scoped3A_75 = arith.constant 1 : i32
    %run_scoped3A_76 = arith.constant 0 : i32
    "tpu.region"() ({
      %run_scoped3A_190 = tpu.sem_alloc : memref<!tpu.dma_semaphore, #tpu.memory_space<semaphore_mem>>
      %dma_start3A_191 = arith.constant 0 : i32
      %dma_start3A_192 = tpu.memref_slice %arg6[%run_scoped3A_76, %dma_start3A_191] : memref<2x2000xi32, #tpu.memory_space<vmem>> -> memref<1x2000xi32, #tpu.memory_space<vmem>>
      %dma_start3A_193 = tpu.memref_squeeze %dma_start3A_192 : memref<1x2000xi32, #tpu.memory_space<vmem>> -> memref<2000xi32, #tpu.memory_space<vmem>>
      %dma_start3A_194 = tpu.memref_slice %arg3[%run_scoped3A_75, %add3A_72] : memref<2x320000xi32, #tpu.memory_space<hbm>> -> memref<1x2000xi32, #tpu.memory_space<hbm>>
      %dma_start3A_195 = tpu.memref_squeeze %dma_start3A_194 : memref<1x2000xi32, #tpu.memory_space<hbm>> -> memref<2000xi32, #tpu.memory_space<hbm>>
      %dma_start3A_196 = arith.constant 0 : i32
      %dma_start3A_197 = tpu.memref_slice %arg6[%run_scoped3A_76, %dma_start3A_196] : memref<2x2000xi32, #tpu.memory_space<vmem>> -> memref<1x2000xi32, #tpu.memory_space<vmem>>
      %dma_start3A_198 = tpu.memref_squeeze %dma_start3A_197 : memref<1x2000xi32, #tpu.memory_space<vmem>> -> memref<2000xi32, #tpu.memory_space<vmem>>
      %dma_start3A_199 = tpu.memref_slice %arg3[%run_scoped3A_75, %add3A_72] : memref<2x320000xi32, #tpu.memory_space<hbm>> -> memref<1x2000xi32, #tpu.memory_space<hbm>>
      %dma_start3A_200 = tpu.memref_squeeze %dma_start3A_199 : memref<1x2000xi32, #tpu.memory_space<hbm>> -> memref<2000xi32, #tpu.memory_space<hbm>>
      tpu.enqueue_dma source(%dma_start3A_200 : memref<2000xi32, #tpu.memory_space<hbm>>) target(%dma_start3A_198 : memref<2000xi32, #tpu.memory_space<vmem>>) target_semaphore(%run_scoped3A_190 : memref<!tpu.dma_semaphore, #tpu.memory_space<semaphore_mem>>)
      %dma_wait3A_201 = arith.constant 0 : i32
      %dma_wait3A_202 = tpu.memref_slice %arg6[%run_scoped3A_76, %dma_wait3A_201] : memref<2x2000xi32, #tpu.memory_space<vmem>> -> memref<1x2000xi32, #tpu.memory_space<vmem>>
      %dma_wait3A_203 = tpu.memref_squeeze %dma_wait3A_202 : memref<1x2000xi32, #tpu.memory_space<vmem>> -> memref<2000xi32, #tpu.memory_space<vmem>>
      %dma_wait3A_204 = tpu.memref_slice %arg3[%run_scoped3A_75, %add3A_72] : memref<2x320000xi32, #tpu.memory_space<hbm>> -> memref<1x2000xi32, #tpu.memory_space<hbm>>
      %dma_wait3A_205 = tpu.memref_squeeze %dma_wait3A_204 : memref<1x2000xi32, #tpu.memory_space<hbm>> -> memref<2000xi32, #tpu.memory_space<hbm>>
      %dma_wait3A_206 = arith.constant 0 : i32
      %dma_wait3A_207 = tpu.memref_slice %arg6[%run_scoped3A_76, %dma_wait3A_206] : memref<2x2000xi32, #tpu.memory_space<vmem>> -> memref<1x2000xi32, #tpu.memory_space<vmem>>
      %dma_wait3A_208 = tpu.memref_squeeze %dma_wait3A_207 : memref<1x2000xi32, #tpu.memory_space<vmem>> -> memref<2000xi32, #tpu.memory_space<vmem>>
      %dma_wait3A_209 = tpu.memref_slice %arg3[%run_scoped3A_75, %add3A_72] : memref<2x320000xi32, #tpu.memory_space<hbm>> -> memref<1x2000xi32, #tpu.memory_space<hbm>>
      %dma_wait3A_210 = tpu.memref_squeeze %dma_wait3A_209 : memref<1x2000xi32, #tpu.memory_space<hbm>> -> memref<2000xi32, #tpu.memory_space<hbm>>
      tpu.wait_dma2 semaphore(%run_scoped3A_190 : memref<!tpu.dma_semaphore, #tpu.memory_space<semaphore_mem>>) src(%dma_wait3A_210 : memref<2000xi32, #tpu.memory_space<hbm>>) dst(%dma_wait3A_208 : memref<2000xi32, #tpu.memory_space<vmem>>)
      tpu.yield
    }) : () -> ()
    %dma_wait3A_77 = arith.constant 1 : i32
    %dma_wait3A_78 = arith.constant 1 : i32
    %dma_wait3A_79 = arith.constant 0 : i32
    %dma_wait3A_80 = arith.constant 0 : i32
    %dma_wait3A_81 = tpu.memref_slice %arg7[%dma_wait3A_78, %dma_wait3A_79, %dma_wait3A_80] : memref<2x2000x16xf32, #tpu.memory_space<vmem>> -> memref<1x2000x16xf32, #tpu.memory_space<vmem>>
    %dma_wait3A_82 = tpu.memref_squeeze %dma_wait3A_81 : memref<1x2000x16xf32, #tpu.memory_space<vmem>> -> memref<2000x16xf32, #tpu.memory_space<vmem>>
    %dma_wait3A_83 = arith.constant 0 : i32
    %dma_wait3A_84 = tpu.memref_slice %arg5[%dma_wait3A_77, %dma_wait3A_83] : memref<2x2000xi32, #tpu.memory_space<vmem>> -> memref<1x2000xi32, #tpu.memory_space<vmem>>
    %dma_wait3A_85 = tpu.memref_squeeze %dma_wait3A_84 : memref<1x2000xi32, #tpu.memory_space<vmem>> -> memref<2000xi32, #tpu.memory_space<vmem>>
    %dma_wait3A_86 = arith.constant 0 : i32
    %dma_wait3A_87 = arith.constant 0 : i32
    %dma_wait3A_88 = tpu.memref_slice %arg2[%dma_wait3A_86, %dma_wait3A_87] : memref<10000x16xf32, #tpu.memory_space<hbm>> -> memref<10000x16xf32, #tpu.memory_space<hbm>>
    tpu.wait_indirect_dma semaphore(%arg11 : memref<!tpu.dma_semaphore, #tpu.memory_space<semaphore_mem>>) src(%dma_wait3A_88 : memref<10000x16xf32, #tpu.memory_space<hbm>>) dst(%dma_wait3A_82 : memref<2000x16xf32, #tpu.memory_space<vmem>>)
    %dma_start3A_89 = arith.constant 0 : i32
    %dma_start3A_90 = arith.constant 0 : i32
    %dma_start3A_91 = arith.constant 0 : i32
    %dma_start3A_92 = arith.constant 0 : i32
    %dma_start3A_93 = tpu.memref_slice %arg7[%dma_start3A_90, %dma_start3A_91, %dma_start3A_92] : memref<2x2000x16xf32, #tpu.memory_space<vmem>> -> memref<1x2000x16xf32, #tpu.memory_space<vmem>>
    %dma_start3A_94 = tpu.memref_squeeze %dma_start3A_93 : memref<1x2000x16xf32, #tpu.memory_space<vmem>> -> memref<2000x16xf32, #tpu.memory_space<vmem>>
    %dma_start3A_95 = arith.constant 0 : i32
    %dma_start3A_96 = tpu.memref_slice %arg5[%dma_start3A_89, %dma_start3A_95] : memref<2x2000xi32, #tpu.memory_space<vmem>> -> memref<1x2000xi32, #tpu.memory_space<vmem>>
    %dma_start3A_97 = tpu.memref_squeeze %dma_start3A_96 : memref<1x2000xi32, #tpu.memory_space<vmem>> -> memref<2000xi32, #tpu.memory_space<vmem>>
    %dma_start3A_98 = arith.constant 0 : i32
    %dma_start3A_99 = arith.constant 0 : i32
    %dma_start3A_100 = tpu.memref_slice %arg2[%dma_start3A_98, %dma_start3A_99] : memref<10000x16xf32, #tpu.memory_space<hbm>> -> memref<10000x16xf32, #tpu.memory_space<hbm>>
    tpu.enqueue_indirect_dma source(%dma_start3A_100 : memref<10000x16xf32, #tpu.memory_space<hbm>>) target(%dma_start3A_94 : memref<2000x16xf32, #tpu.memory_space<vmem>>) offsets(%dma_start3A_97 : memref<2000xi32, #tpu.memory_space<vmem>>) semaphore(%arg10 : memref<!tpu.dma_semaphore, #tpu.memory_space<semaphore_mem>>)
    %run_scoped3A_101 = arith.constant 1 : i32
    %run_scoped3A_102 = arith.constant 1 : i32
    "tpu.region"() ({
      %run_scoped3A_190 = tpu.sem_alloc : memref<!tpu.dma_semaphore, #tpu.memory_space<semaphore_mem>>
      %dma_start3A_191 = arith.constant 0 : i32
      %dma_start3A_192 = arith.constant 0 : i32
      %dma_start3A_193 = tpu.memref_slice %arg7[%run_scoped3A_101, %dma_start3A_191, %dma_start3A_192] : memref<2x2000x16xf32, #tpu.memory_space<vmem>> -> memref<1x2000x16xf32, #tpu.memory_space<vmem>>
      %dma_start3A_194 = tpu.memref_squeeze %dma_start3A_193 : memref<1x2000x16xf32, #tpu.memory_space<vmem>> -> memref<2000x16xf32, #tpu.memory_space<vmem>>
      %dma_start3A_195 = arith.constant 0 : i32
      %dma_start3A_196 = tpu.memref_slice %arg6[%run_scoped3A_102, %dma_start3A_195] : memref<2x2000xi32, #tpu.memory_space<vmem>> -> memref<1x2000xi32, #tpu.memory_space<vmem>>
      %dma_start3A_197 = tpu.memref_squeeze %dma_start3A_196 : memref<1x2000xi32, #tpu.memory_space<vmem>> -> memref<2000xi32, #tpu.memory_space<vmem>>
      %dma_start3A_198 = arith.constant 0 : i32
      %dma_start3A_199 = arith.constant 0 : i32
      %dma_start3A_200 = tpu.memref_slice %arg9[%dma_start3A_198, %dma_start3A_199] : memref<10240x16xf32, #tpu.memory_space<vmem_shared>> -> memref<10240x16xf32, #tpu.memory_space<vmem_shared>>
      tpu.enqueue_indirect_dma source(%dma_start3A_194 : memref<2000x16xf32, #tpu.memory_space<vmem>>) target(%dma_start3A_200 : memref<10240x16xf32, #tpu.memory_space<vmem_shared>>) offsets(%dma_start3A_197 : memref<2000xi32, #tpu.memory_space<vmem>>) semaphore(%run_scoped3A_190 : memref<!tpu.dma_semaphore, #tpu.memory_space<semaphore_mem>>) {add = true}
      %dma_wait3A_201 = arith.constant 0 : i32
      %dma_wait3A_202 = arith.constant 0 : i32
      %dma_wait3A_203 = tpu.memref_slice %arg7[%run_scoped3A_101, %dma_wait3A_201, %dma_wait3A_202] : memref<2x2000x16xf32, #tpu.memory_space<vmem>> -> memref<1x2000x16xf32, #tpu.memory_space<vmem>>
      %dma_wait3A_204 = tpu.memref_squeeze %dma_wait3A_203 : memref<1x2000x16xf32, #tpu.memory_space<vmem>> -> memref<2000x16xf32, #tpu.memory_space<vmem>>
      %dma_wait3A_205 = arith.constant 0 : i32
      %dma_wait3A_206 = tpu.memref_slice %arg6[%run_scoped3A_102, %dma_wait3A_205] : memref<2x2000xi32, #tpu.memory_space<vmem>> -> memref<1x2000xi32, #tpu.memory_space<vmem>>
      %dma_wait3A_207 = tpu.memref_squeeze %dma_wait3A_206 : memref<1x2000xi32, #tpu.memory_space<vmem>> -> memref<2000xi32, #tpu.memory_space<vmem>>
      %dma_wait3A_208 = arith.constant 0 : i32
      %dma_wait3A_209 = arith.constant 0 : i32
      %dma_wait3A_210 = tpu.memref_slice %arg9[%dma_wait3A_208, %dma_wait3A_209] : memref<10240x16xf32, #tpu.memory_space<vmem_shared>> -> memref<10240x16xf32, #tpu.memory_space<vmem_shared>>
      tpu.wait_indirect_dma semaphore(%run_scoped3A_190 : memref<!tpu.dma_semaphore, #tpu.memory_space<semaphore_mem>>) src(%dma_wait3A_204 : memref<2000x16xf32, #tpu.memory_space<vmem>>) dst(%dma_wait3A_210 : memref<10240x16xf32, #tpu.memory_space<vmem_shared>>)
      tpu.yield
    }) : () -> ()
    %mul3A_103 = arith.constant 10000 : i32
    %mul3A_104 = arith.muli %add3A, %mul3A_103 : i32
    %add3A_105 = arith.constant 6000 : i32
    %add3A_106 = arith.addi %mul3A_104, %add3A_105 : i32
    %run_scoped3A_107 = arith.constant 0 : i32
    %run_scoped3A_108 = arith.constant 1 : i32
    "tpu.region"() ({
      %run_scoped3A_190 = tpu.sem_alloc : memref<!tpu.dma_semaphore, #tpu.memory_space<semaphore_mem>>
      %dma_start3A_191 = arith.constant 0 : i32
      %dma_start3A_192 = tpu.memref_slice %arg5[%run_scoped3A_108, %dma_start3A_191] : memref<2x2000xi32, #tpu.memory_space<vmem>> -> memref<1x2000xi32, #tpu.memory_space<vmem>>
      %dma_start3A_193 = tpu.memref_squeeze %dma_start3A_192 : memref<1x2000xi32, #tpu.memory_space<vmem>> -> memref<2000xi32, #tpu.memory_space<vmem>>
      %dma_start3A_194 = tpu.memref_slice %arg3[%run_scoped3A_107, %add3A_106] : memref<2x320000xi32, #tpu.memory_space<hbm>> -> memref<1x2000xi32, #tpu.memory_space<hbm>>
      %dma_start3A_195 = tpu.memref_squeeze %dma_start3A_194 : memref<1x2000xi32, #tpu.memory_space<hbm>> -> memref<2000xi32, #tpu.memory_space<hbm>>
      %dma_start3A_196 = arith.constant 0 : i32
      %dma_start3A_197 = tpu.memref_slice %arg5[%run_scoped3A_108, %dma_start3A_196] : memref<2x2000xi32, #tpu.memory_space<vmem>> -> memref<1x2000xi32, #tpu.memory_space<vmem>>
      %dma_start3A_198 = tpu.memref_squeeze %dma_start3A_197 : memref<1x2000xi32, #tpu.memory_space<vmem>> -> memref<2000xi32, #tpu.memory_space<vmem>>
      %dma_start3A_199 = tpu.memref_slice %arg3[%run_scoped3A_107, %add3A_106] : memref<2x320000xi32, #tpu.memory_space<hbm>> -> memref<1x2000xi32, #tpu.memory_space<hbm>>
      %dma_start3A_200 = tpu.memref_squeeze %dma_start3A_199 : memref<1x2000xi32, #tpu.memory_space<hbm>> -> memref<2000xi32, #tpu.memory_space<hbm>>
      tpu.enqueue_dma source(%dma_start3A_200 : memref<2000xi32, #tpu.memory_space<hbm>>) target(%dma_start3A_198 : memref<2000xi32, #tpu.memory_space<vmem>>) target_semaphore(%run_scoped3A_190 : memref<!tpu.dma_semaphore, #tpu.memory_space<semaphore_mem>>)
      %dma_wait3A_201 = arith.constant 0 : i32
      %dma_wait3A_202 = tpu.memref_slice %arg5[%run_scoped3A_108, %dma_wait3A_201] : memref<2x2000xi32, #tpu.memory_space<vmem>> -> memref<1x2000xi32, #tpu.memory_space<vmem>>
      %dma_wait3A_203 = tpu.memref_squeeze %dma_wait3A_202 : memref<1x2000xi32, #tpu.memory_space<vmem>> -> memref<2000xi32, #tpu.memory_space<vmem>>
      %dma_wait3A_204 = tpu.memref_slice %arg3[%run_scoped3A_107, %add3A_106] : memref<2x320000xi32, #tpu.memory_space<hbm>> -> memref<1x2000xi32, #tpu.memory_space<hbm>>
      %dma_wait3A_205 = tpu.memref_squeeze %dma_wait3A_204 : memref<1x2000xi32, #tpu.memory_space<hbm>> -> memref<2000xi32, #tpu.memory_space<hbm>>
      %dma_wait3A_206 = arith.constant 0 : i32
      %dma_wait3A_207 = tpu.memref_slice %arg5[%run_scoped3A_108, %dma_wait3A_206] : memref<2x2000xi32, #tpu.memory_space<vmem>> -> memref<1x2000xi32, #tpu.memory_space<vmem>>
      %dma_wait3A_208 = tpu.memref_squeeze %dma_wait3A_207 : memref<1x2000xi32, #tpu.memory_space<vmem>> -> memref<2000xi32, #tpu.memory_space<vmem>>
      %dma_wait3A_209 = tpu.memref_slice %arg3[%run_scoped3A_107, %add3A_106] : memref<2x320000xi32, #tpu.memory_space<hbm>> -> memref<1x2000xi32, #tpu.memory_space<hbm>>
      %dma_wait3A_210 = tpu.memref_squeeze %dma_wait3A_209 : memref<1x2000xi32, #tpu.memory_space<hbm>> -> memref<2000xi32, #tpu.memory_space<hbm>>
      tpu.wait_dma2 semaphore(%run_scoped3A_190 : memref<!tpu.dma_semaphore, #tpu.memory_space<semaphore_mem>>) src(%dma_wait3A_210 : memref<2000xi32, #tpu.memory_space<hbm>>) dst(%dma_wait3A_208 : memref<2000xi32, #tpu.memory_space<vmem>>)
      tpu.yield
    }) : () -> ()
    %run_scoped3A_109 = arith.constant 1 : i32
    %run_scoped3A_110 = arith.constant 1 : i32
    "tpu.region"() ({
      %run_scoped3A_190 = tpu.sem_alloc : memref<!tpu.dma_semaphore, #tpu.memory_space<semaphore_mem>>
      %dma_start3A_191 = arith.constant 0 : i32
      %dma_start3A_192 = tpu.memref_slice %arg6[%run_scoped3A_110, %dma_start3A_191] : memref<2x2000xi32, #tpu.memory_space<vmem>> -> memref<1x2000xi32, #tpu.memory_space<vmem>>
      %dma_start3A_193 = tpu.memref_squeeze %dma_start3A_192 : memref<1x2000xi32, #tpu.memory_space<vmem>> -> memref<2000xi32, #tpu.memory_space<vmem>>
      %dma_start3A_194 = tpu.memref_slice %arg3[%run_scoped3A_109, %add3A_106] : memref<2x320000xi32, #tpu.memory_space<hbm>> -> memref<1x2000xi32, #tpu.memory_space<hbm>>
      %dma_start3A_195 = tpu.memref_squeeze %dma_start3A_194 : memref<1x2000xi32, #tpu.memory_space<hbm>> -> memref<2000xi32, #tpu.memory_space<hbm>>
      %dma_start3A_196 = arith.constant 0 : i32
      %dma_start3A_197 = tpu.memref_slice %arg6[%run_scoped3A_110, %dma_start3A_196] : memref<2x2000xi32, #tpu.memory_space<vmem>> -> memref<1x2000xi32, #tpu.memory_space<vmem>>
      %dma_start3A_198 = tpu.memref_squeeze %dma_start3A_197 : memref<1x2000xi32, #tpu.memory_space<vmem>> -> memref<2000xi32, #tpu.memory_space<vmem>>
      %dma_start3A_199 = tpu.memref_slice %arg3[%run_scoped3A_109, %add3A_106] : memref<2x320000xi32, #tpu.memory_space<hbm>> -> memref<1x2000xi32, #tpu.memory_space<hbm>>
      %dma_start3A_200 = tpu.memref_squeeze %dma_start3A_199 : memref<1x2000xi32, #tpu.memory_space<hbm>> -> memref<2000xi32, #tpu.memory_space<hbm>>
      tpu.enqueue_dma source(%dma_start3A_200 : memref<2000xi32, #tpu.memory_space<hbm>>) target(%dma_start3A_198 : memref<2000xi32, #tpu.memory_space<vmem>>) target_semaphore(%run_scoped3A_190 : memref<!tpu.dma_semaphore, #tpu.memory_space<semaphore_mem>>)
      %dma_wait3A_201 = arith.constant 0 : i32
      %dma_wait3A_202 = tpu.memref_slice %arg6[%run_scoped3A_110, %dma_wait3A_201] : memref<2x2000xi32, #tpu.memory_space<vmem>> -> memref<1x2000xi32, #tpu.memory_space<vmem>>
      %dma_wait3A_203 = tpu.memref_squeeze %dma_wait3A_202 : memref<1x2000xi32, #tpu.memory_space<vmem>> -> memref<2000xi32, #tpu.memory_space<vmem>>
      %dma_wait3A_204 = tpu.memref_slice %arg3[%run_scoped3A_109, %add3A_106] : memref<2x320000xi32, #tpu.memory_space<hbm>> -> memref<1x2000xi32, #tpu.memory_space<hbm>>
      %dma_wait3A_205 = tpu.memref_squeeze %dma_wait3A_204 : memref<1x2000xi32, #tpu.memory_space<hbm>> -> memref<2000xi32, #tpu.memory_space<hbm>>
      %dma_wait3A_206 = arith.constant 0 : i32
      %dma_wait3A_207 = tpu.memref_slice %arg6[%run_scoped3A_110, %dma_wait3A_206] : memref<2x2000xi32, #tpu.memory_space<vmem>> -> memref<1x2000xi32, #tpu.memory_space<vmem>>
      %dma_wait3A_208 = tpu.memref_squeeze %dma_wait3A_207 : memref<1x2000xi32, #tpu.memory_space<vmem>> -> memref<2000xi32, #tpu.memory_space<vmem>>
      %dma_wait3A_209 = tpu.memref_slice %arg3[%run_scoped3A_109, %add3A_106] : memref<2x320000xi32, #tpu.memory_space<hbm>> -> memref<1x2000xi32, #tpu.memory_space<hbm>>
      %dma_wait3A_210 = tpu.memref_squeeze %dma_wait3A_209 : memref<1x2000xi32, #tpu.memory_space<hbm>> -> memref<2000xi32, #tpu.memory_space<hbm>>
      tpu.wait_dma2 semaphore(%run_scoped3A_190 : memref<!tpu.dma_semaphore, #tpu.memory_space<semaphore_mem>>) src(%dma_wait3A_210 : memref<2000xi32, #tpu.memory_space<hbm>>) dst(%dma_wait3A_208 : memref<2000xi32, #tpu.memory_space<vmem>>)
      tpu.yield
    }) : () -> ()
    %dma_wait3A_111 = arith.constant 0 : i32
    %dma_wait3A_112 = arith.constant 0 : i32
    %dma_wait3A_113 = arith.constant 0 : i32
    %dma_wait3A_114 = arith.constant 0 : i32
    %dma_wait3A_115 = tpu.memref_slice %arg7[%dma_wait3A_112, %dma_wait3A_113, %dma_wait3A_114] : memref<2x2000x16xf32, #tpu.memory_space<vmem>> -> memref<1x2000x16xf32, #tpu.memory_space<vmem>>
    %dma_wait3A_116 = tpu.memref_squeeze %dma_wait3A_115 : memref<1x2000x16xf32, #tpu.memory_space<vmem>> -> memref<2000x16xf32, #tpu.memory_space<vmem>>
    %dma_wait3A_117 = arith.constant 0 : i32
    %dma_wait3A_118 = tpu.memref_slice %arg5[%dma_wait3A_111, %dma_wait3A_117] : memref<2x2000xi32, #tpu.memory_space<vmem>> -> memref<1x2000xi32, #tpu.memory_space<vmem>>
    %dma_wait3A_119 = tpu.memref_squeeze %dma_wait3A_118 : memref<1x2000xi32, #tpu.memory_space<vmem>> -> memref<2000xi32, #tpu.memory_space<vmem>>
    %dma_wait3A_120 = arith.constant 0 : i32
    %dma_wait3A_121 = arith.constant 0 : i32
    %dma_wait3A_122 = tpu.memref_slice %arg2[%dma_wait3A_120, %dma_wait3A_121] : memref<10000x16xf32, #tpu.memory_space<hbm>> -> memref<10000x16xf32, #tpu.memory_space<hbm>>
    tpu.wait_indirect_dma semaphore(%arg10 : memref<!tpu.dma_semaphore, #tpu.memory_space<semaphore_mem>>) src(%dma_wait3A_122 : memref<10000x16xf32, #tpu.memory_space<hbm>>) dst(%dma_wait3A_116 : memref<2000x16xf32, #tpu.memory_space<vmem>>)
    %dma_start3A_123 = arith.constant 1 : i32
    %dma_start3A_124 = arith.constant 1 : i32
    %dma_start3A_125 = arith.constant 0 : i32
    %dma_start3A_126 = arith.constant 0 : i32
    %dma_start3A_127 = tpu.memref_slice %arg7[%dma_start3A_124, %dma_start3A_125, %dma_start3A_126] : memref<2x2000x16xf32, #tpu.memory_space<vmem>> -> memref<1x2000x16xf32, #tpu.memory_space<vmem>>
    %dma_start3A_128 = tpu.memref_squeeze %dma_start3A_127 : memref<1x2000x16xf32, #tpu.memory_space<vmem>> -> memref<2000x16xf32, #tpu.memory_space<vmem>>
    %dma_start3A_129 = arith.constant 0 : i32
    %dma_start3A_130 = tpu.memref_slice %arg5[%dma_start3A_123, %dma_start3A_129] : memref<2x2000xi32, #tpu.memory_space<vmem>> -> memref<1x2000xi32, #tpu.memory_space<vmem>>
    %dma_start3A_131 = tpu.memref_squeeze %dma_start3A_130 : memref<1x2000xi32, #tpu.memory_space<vmem>> -> memref<2000xi32, #tpu.memory_space<vmem>>
    %dma_start3A_132 = arith.constant 0 : i32
    %dma_start3A_133 = arith.constant 0 : i32
    %dma_start3A_134 = tpu.memref_slice %arg2[%dma_start3A_132, %dma_start3A_133] : memref<10000x16xf32, #tpu.memory_space<hbm>> -> memref<10000x16xf32, #tpu.memory_space<hbm>>
    tpu.enqueue_indirect_dma source(%dma_start3A_134 : memref<10000x16xf32, #tpu.memory_space<hbm>>) target(%dma_start3A_128 : memref<2000x16xf32, #tpu.memory_space<vmem>>) offsets(%dma_start3A_131 : memref<2000xi32, #tpu.memory_space<vmem>>) semaphore(%arg11 : memref<!tpu.dma_semaphore, #tpu.memory_space<semaphore_mem>>)
    %run_scoped3A_135 = arith.constant 0 : i32
    %run_scoped3A_136 = arith.constant 0 : i32
    "tpu.region"() ({
      %run_scoped3A_190 = tpu.sem_alloc : memref<!tpu.dma_semaphore, #tpu.memory_space<semaphore_mem>>
      %dma_start3A_191 = arith.constant 0 : i32
      %dma_start3A_192 = arith.constant 0 : i32
      %dma_start3A_193 = tpu.memref_slice %arg7[%run_scoped3A_135, %dma_start3A_191, %dma_start3A_192] : memref<2x2000x16xf32, #tpu.memory_space<vmem>> -> memref<1x2000x16xf32, #tpu.memory_space<vmem>>
      %dma_start3A_194 = tpu.memref_squeeze %dma_start3A_193 : memref<1x2000x16xf32, #tpu.memory_space<vmem>> -> memref<2000x16xf32, #tpu.memory_space<vmem>>
      %dma_start3A_195 = arith.constant 0 : i32
      %dma_start3A_196 = tpu.memref_slice %arg6[%run_scoped3A_136, %dma_start3A_195] : memref<2x2000xi32, #tpu.memory_space<vmem>> -> memref<1x2000xi32, #tpu.memory_space<vmem>>
      %dma_start3A_197 = tpu.memref_squeeze %dma_start3A_196 : memref<1x2000xi32, #tpu.memory_space<vmem>> -> memref<2000xi32, #tpu.memory_space<vmem>>
      %dma_start3A_198 = arith.constant 0 : i32
      %dma_start3A_199 = arith.constant 0 : i32
      %dma_start3A_200 = tpu.memref_slice %arg9[%dma_start3A_198, %dma_start3A_199] : memref<10240x16xf32, #tpu.memory_space<vmem_shared>> -> memref<10240x16xf32, #tpu.memory_space<vmem_shared>>
      tpu.enqueue_indirect_dma source(%dma_start3A_194 : memref<2000x16xf32, #tpu.memory_space<vmem>>) target(%dma_start3A_200 : memref<10240x16xf32, #tpu.memory_space<vmem_shared>>) offsets(%dma_start3A_197 : memref<2000xi32, #tpu.memory_space<vmem>>) semaphore(%run_scoped3A_190 : memref<!tpu.dma_semaphore, #tpu.memory_space<semaphore_mem>>) {add = true}
      %dma_wait3A_201 = arith.constant 0 : i32
      %dma_wait3A_202 = arith.constant 0 : i32
      %dma_wait3A_203 = tpu.memref_slice %arg7[%run_scoped3A_135, %dma_wait3A_201, %dma_wait3A_202] : memref<2x2000x16xf32, #tpu.memory_space<vmem>> -> memref<1x2000x16xf32, #tpu.memory_space<vmem>>
      %dma_wait3A_204 = tpu.memref_squeeze %dma_wait3A_203 : memref<1x2000x16xf32, #tpu.memory_space<vmem>> -> memref<2000x16xf32, #tpu.memory_space<vmem>>
      %dma_wait3A_205 = arith.constant 0 : i32
      %dma_wait3A_206 = tpu.memref_slice %arg6[%run_scoped3A_136, %dma_wait3A_205] : memref<2x2000xi32, #tpu.memory_space<vmem>> -> memref<1x2000xi32, #tpu.memory_space<vmem>>
      %dma_wait3A_207 = tpu.memref_squeeze %dma_wait3A_206 : memref<1x2000xi32, #tpu.memory_space<vmem>> -> memref<2000xi32, #tpu.memory_space<vmem>>
      %dma_wait3A_208 = arith.constant 0 : i32
      %dma_wait3A_209 = arith.constant 0 : i32
      %dma_wait3A_210 = tpu.memref_slice %arg9[%dma_wait3A_208, %dma_wait3A_209] : memref<10240x16xf32, #tpu.memory_space<vmem_shared>> -> memref<10240x16xf32, #tpu.memory_space<vmem_shared>>
      tpu.wait_indirect_dma semaphore(%run_scoped3A_190 : memref<!tpu.dma_semaphore, #tpu.memory_space<semaphore_mem>>) src(%dma_wait3A_204 : memref<2000x16xf32, #tpu.memory_space<vmem>>) dst(%dma_wait3A_210 : memref<10240x16xf32, #tpu.memory_space<vmem_shared>>)
      tpu.yield
    }) : () -> ()
    %mul3A_137 = arith.constant 10000 : i32
    %mul3A_138 = arith.muli %add3A, %mul3A_137 : i32
    %add3A_139 = arith.constant 8000 : i32
    %add3A_140 = arith.addi %mul3A_138, %add3A_139 : i32
    %run_scoped3A_141 = arith.constant 0 : i32
    %run_scoped3A_142 = arith.constant 0 : i32
    "tpu.region"() ({
      %run_scoped3A_190 = tpu.sem_alloc : memref<!tpu.dma_semaphore, #tpu.memory_space<semaphore_mem>>
      %dma_start3A_191 = arith.constant 0 : i32
      %dma_start3A_192 = tpu.memref_slice %arg5[%run_scoped3A_142, %dma_start3A_191] : memref<2x2000xi32, #tpu.memory_space<vmem>> -> memref<1x2000xi32, #tpu.memory_space<vmem>>
      %dma_start3A_193 = tpu.memref_squeeze %dma_start3A_192 : memref<1x2000xi32, #tpu.memory_space<vmem>> -> memref<2000xi32, #tpu.memory_space<vmem>>
      %dma_start3A_194 = tpu.memref_slice %arg3[%run_scoped3A_141, %add3A_140] : memref<2x320000xi32, #tpu.memory_space<hbm>> -> memref<1x2000xi32, #tpu.memory_space<hbm>>
      %dma_start3A_195 = tpu.memref_squeeze %dma_start3A_194 : memref<1x2000xi32, #tpu.memory_space<hbm>> -> memref<2000xi32, #tpu.memory_space<hbm>>
      %dma_start3A_196 = arith.constant 0 : i32
      %dma_start3A_197 = tpu.memref_slice %arg5[%run_scoped3A_142, %dma_start3A_196] : memref<2x2000xi32, #tpu.memory_space<vmem>> -> memref<1x2000xi32, #tpu.memory_space<vmem>>
      %dma_start3A_198 = tpu.memref_squeeze %dma_start3A_197 : memref<1x2000xi32, #tpu.memory_space<vmem>> -> memref<2000xi32, #tpu.memory_space<vmem>>
      %dma_start3A_199 = tpu.memref_slice %arg3[%run_scoped3A_141, %add3A_140] : memref<2x320000xi32, #tpu.memory_space<hbm>> -> memref<1x2000xi32, #tpu.memory_space<hbm>>
      %dma_start3A_200 = tpu.memref_squeeze %dma_start3A_199 : memref<1x2000xi32, #tpu.memory_space<hbm>> -> memref<2000xi32, #tpu.memory_space<hbm>>
      tpu.enqueue_dma source(%dma_start3A_200 : memref<2000xi32, #tpu.memory_space<hbm>>) target(%dma_start3A_198 : memref<2000xi32, #tpu.memory_space<vmem>>) target_semaphore(%run_scoped3A_190 : memref<!tpu.dma_semaphore, #tpu.memory_space<semaphore_mem>>)
      %dma_wait3A_201 = arith.constant 0 : i32
      %dma_wait3A_202 = tpu.memref_slice %arg5[%run_scoped3A_142, %dma_wait3A_201] : memref<2x2000xi32, #tpu.memory_space<vmem>> -> memref<1x2000xi32, #tpu.memory_space<vmem>>
      %dma_wait3A_203 = tpu.memref_squeeze %dma_wait3A_202 : memref<1x2000xi32, #tpu.memory_space<vmem>> -> memref<2000xi32, #tpu.memory_space<vmem>>
      %dma_wait3A_204 = tpu.memref_slice %arg3[%run_scoped3A_141, %add3A_140] : memref<2x320000xi32, #tpu.memory_space<hbm>> -> memref<1x2000xi32, #tpu.memory_space<hbm>>
      %dma_wait3A_205 = tpu.memref_squeeze %dma_wait3A_204 : memref<1x2000xi32, #tpu.memory_space<hbm>> -> memref<2000xi32, #tpu.memory_space<hbm>>
      %dma_wait3A_206 = arith.constant 0 : i32
      %dma_wait3A_207 = tpu.memref_slice %arg5[%run_scoped3A_142, %dma_wait3A_206] : memref<2x2000xi32, #tpu.memory_space<vmem>> -> memref<1x2000xi32, #tpu.memory_space<vmem>>
      %dma_wait3A_208 = tpu.memref_squeeze %dma_wait3A_207 : memref<1x2000xi32, #tpu.memory_space<vmem>> -> memref<2000xi32, #tpu.memory_space<vmem>>
      %dma_wait3A_209 = tpu.memref_slice %arg3[%run_scoped3A_141, %add3A_140] : memref<2x320000xi32, #tpu.memory_space<hbm>> -> memref<1x2000xi32, #tpu.memory_space<hbm>>
      %dma_wait3A_210 = tpu.memref_squeeze %dma_wait3A_209 : memref<1x2000xi32, #tpu.memory_space<hbm>> -> memref<2000xi32, #tpu.memory_space<hbm>>
      tpu.wait_dma2 semaphore(%run_scoped3A_190 : memref<!tpu.dma_semaphore, #tpu.memory_space<semaphore_mem>>) src(%dma_wait3A_210 : memref<2000xi32, #tpu.memory_space<hbm>>) dst(%dma_wait3A_208 : memref<2000xi32, #tpu.memory_space<vmem>>)
      tpu.yield
    }) : () -> ()
    %run_scoped3A_143 = arith.constant 1 : i32
    %run_scoped3A_144 = arith.constant 0 : i32
    "tpu.region"() ({
      %run_scoped3A_190 = tpu.sem_alloc : memref<!tpu.dma_semaphore, #tpu.memory_space<semaphore_mem>>
      %dma_start3A_191 = arith.constant 0 : i32
      %dma_start3A_192 = tpu.memref_slice %arg6[%run_scoped3A_144, %dma_start3A_191] : memref<2x2000xi32, #tpu.memory_space<vmem>> -> memref<1x2000xi32, #tpu.memory_space<vmem>>
      %dma_start3A_193 = tpu.memref_squeeze %dma_start3A_192 : memref<1x2000xi32, #tpu.memory_space<vmem>> -> memref<2000xi32, #tpu.memory_space<vmem>>
      %dma_start3A_194 = tpu.memref_slice %arg3[%run_scoped3A_143, %add3A_140] : memref<2x320000xi32, #tpu.memory_space<hbm>> -> memref<1x2000xi32, #tpu.memory_space<hbm>>
      %dma_start3A_195 = tpu.memref_squeeze %dma_start3A_194 : memref<1x2000xi32, #tpu.memory_space<hbm>> -> memref<2000xi32, #tpu.memory_space<hbm>>
      %dma_start3A_196 = arith.constant 0 : i32
      %dma_start3A_197 = tpu.memref_slice %arg6[%run_scoped3A_144, %dma_start3A_196] : memref<2x2000xi32, #tpu.memory_space<vmem>> -> memref<1x2000xi32, #tpu.memory_space<vmem>>
      %dma_start3A_198 = tpu.memref_squeeze %dma_start3A_197 : memref<1x2000xi32, #tpu.memory_space<vmem>> -> memref<2000xi32, #tpu.memory_space<vmem>>
      %dma_start3A_199 = tpu.memref_slice %arg3[%run_scoped3A_143, %add3A_140] : memref<2x320000xi32, #tpu.memory_space<hbm>> -> memref<1x2000xi32, #tpu.memory_space<hbm>>
      %dma_start3A_200 = tpu.memref_squeeze %dma_start3A_199 : memref<1x2000xi32, #tpu.memory_space<hbm>> -> memref<2000xi32, #tpu.memory_space<hbm>>
      tpu.enqueue_dma source(%dma_start3A_200 : memref<2000xi32, #tpu.memory_space<hbm>>) target(%dma_start3A_198 : memref<2000xi32, #tpu.memory_space<vmem>>) target_semaphore(%run_scoped3A_190 : memref<!tpu.dma_semaphore, #tpu.memory_space<semaphore_mem>>)
      %dma_wait3A_201 = arith.constant 0 : i32
      %dma_wait3A_202 = tpu.memref_slice %arg6[%run_scoped3A_144, %dma_wait3A_201] : memref<2x2000xi32, #tpu.memory_space<vmem>> -> memref<1x2000xi32, #tpu.memory_space<vmem>>
      %dma_wait3A_203 = tpu.memref_squeeze %dma_wait3A_202 : memref<1x2000xi32, #tpu.memory_space<vmem>> -> memref<2000xi32, #tpu.memory_space<vmem>>
      %dma_wait3A_204 = tpu.memref_slice %arg3[%run_scoped3A_143, %add3A_140] : memref<2x320000xi32, #tpu.memory_space<hbm>> -> memref<1x2000xi32, #tpu.memory_space<hbm>>
      %dma_wait3A_205 = tpu.memref_squeeze %dma_wait3A_204 : memref<1x2000xi32, #tpu.memory_space<hbm>> -> memref<2000xi32, #tpu.memory_space<hbm>>
      %dma_wait3A_206 = arith.constant 0 : i32
      %dma_wait3A_207 = tpu.memref_slice %arg6[%run_scoped3A_144, %dma_wait3A_206] : memref<2x2000xi32, #tpu.memory_space<vmem>> -> memref<1x2000xi32, #tpu.memory_space<vmem>>
      %dma_wait3A_208 = tpu.memref_squeeze %dma_wait3A_207 : memref<1x2000xi32, #tpu.memory_space<vmem>> -> memref<2000xi32, #tpu.memory_space<vmem>>
      %dma_wait3A_209 = tpu.memref_slice %arg3[%run_scoped3A_143, %add3A_140] : memref<2x320000xi32, #tpu.memory_space<hbm>> -> memref<1x2000xi32, #tpu.memory_space<hbm>>
      %dma_wait3A_210 = tpu.memref_squeeze %dma_wait3A_209 : memref<1x2000xi32, #tpu.memory_space<hbm>> -> memref<2000xi32, #tpu.memory_space<hbm>>
      tpu.wait_dma2 semaphore(%run_scoped3A_190 : memref<!tpu.dma_semaphore, #tpu.memory_space<semaphore_mem>>) src(%dma_wait3A_210 : memref<2000xi32, #tpu.memory_space<hbm>>) dst(%dma_wait3A_208 : memref<2000xi32, #tpu.memory_space<vmem>>)
      tpu.yield
    }) : () -> ()
    %dma_wait3A_145 = arith.constant 1 : i32
    %dma_wait3A_146 = arith.constant 1 : i32
    %dma_wait3A_147 = arith.constant 0 : i32
    %dma_wait3A_148 = arith.constant 0 : i32
    %dma_wait3A_149 = tpu.memref_slice %arg7[%dma_wait3A_146, %dma_wait3A_147, %dma_wait3A_148] : memref<2x2000x16xf32, #tpu.memory_space<vmem>> -> memref<1x2000x16xf32, #tpu.memory_space<vmem>>
    %dma_wait3A_150 = tpu.memref_squeeze %dma_wait3A_149 : memref<1x2000x16xf32, #tpu.memory_space<vmem>> -> memref<2000x16xf32, #tpu.memory_space<vmem>>
    %dma_wait3A_151 = arith.constant 0 : i32
    %dma_wait3A_152 = tpu.memref_slice %arg5[%dma_wait3A_145, %dma_wait3A_151] : memref<2x2000xi32, #tpu.memory_space<vmem>> -> memref<1x2000xi32, #tpu.memory_space<vmem>>
    %dma_wait3A_153 = tpu.memref_squeeze %dma_wait3A_152 : memref<1x2000xi32, #tpu.memory_space<vmem>> -> memref<2000xi32, #tpu.memory_space<vmem>>
    %dma_wait3A_154 = arith.constant 0 : i32
    %dma_wait3A_155 = arith.constant 0 : i32
    %dma_wait3A_156 = tpu.memref_slice %arg2[%dma_wait3A_154, %dma_wait3A_155] : memref<10000x16xf32, #tpu.memory_space<hbm>> -> memref<10000x16xf32, #tpu.memory_space<hbm>>
    tpu.wait_indirect_dma semaphore(%arg11 : memref<!tpu.dma_semaphore, #tpu.memory_space<semaphore_mem>>) src(%dma_wait3A_156 : memref<10000x16xf32, #tpu.memory_space<hbm>>) dst(%dma_wait3A_150 : memref<2000x16xf32, #tpu.memory_space<vmem>>)
    %dma_start3A_157 = arith.constant 0 : i32
    %dma_start3A_158 = arith.constant 0 : i32
    %dma_start3A_159 = arith.constant 0 : i32
    %dma_start3A_160 = arith.constant 0 : i32
    %dma_start3A_161 = tpu.memref_slice %arg7[%dma_start3A_158, %dma_start3A_159, %dma_start3A_160] : memref<2x2000x16xf32, #tpu.memory_space<vmem>> -> memref<1x2000x16xf32, #tpu.memory_space<vmem>>
    %dma_start3A_162 = tpu.memref_squeeze %dma_start3A_161 : memref<1x2000x16xf32, #tpu.memory_space<vmem>> -> memref<2000x16xf32, #tpu.memory_space<vmem>>
    %dma_start3A_163 = arith.constant 0 : i32
    %dma_start3A_164 = tpu.memref_slice %arg5[%dma_start3A_157, %dma_start3A_163] : memref<2x2000xi32, #tpu.memory_space<vmem>> -> memref<1x2000xi32, #tpu.memory_space<vmem>>
    %dma_start3A_165 = tpu.memref_squeeze %dma_start3A_164 : memref<1x2000xi32, #tpu.memory_space<vmem>> -> memref<2000xi32, #tpu.memory_space<vmem>>
    %dma_start3A_166 = arith.constant 0 : i32
    %dma_start3A_167 = arith.constant 0 : i32
    %dma_start3A_168 = tpu.memref_slice %arg2[%dma_start3A_166, %dma_start3A_167] : memref<10000x16xf32, #tpu.memory_space<hbm>> -> memref<10000x16xf32, #tpu.memory_space<hbm>>
    tpu.enqueue_indirect_dma source(%dma_start3A_168 : memref<10000x16xf32, #tpu.memory_space<hbm>>) target(%dma_start3A_162 : memref<2000x16xf32, #tpu.memory_space<vmem>>) offsets(%dma_start3A_165 : memref<2000xi32, #tpu.memory_space<vmem>>) semaphore(%arg10 : memref<!tpu.dma_semaphore, #tpu.memory_space<semaphore_mem>>)
    %run_scoped3A_169 = arith.constant 1 : i32
    %run_scoped3A_170 = arith.constant 1 : i32
    "tpu.region"() ({
      %run_scoped3A_190 = tpu.sem_alloc : memref<!tpu.dma_semaphore, #tpu.memory_space<semaphore_mem>>
      %dma_start3A_191 = arith.constant 0 : i32
      %dma_start3A_192 = arith.constant 0 : i32
      %dma_start3A_193 = tpu.memref_slice %arg7[%run_scoped3A_169, %dma_start3A_191, %dma_start3A_192] : memref<2x2000x16xf32, #tpu.memory_space<vmem>> -> memref<1x2000x16xf32, #tpu.memory_space<vmem>>
      %dma_start3A_194 = tpu.memref_squeeze %dma_start3A_193 : memref<1x2000x16xf32, #tpu.memory_space<vmem>> -> memref<2000x16xf32, #tpu.memory_space<vmem>>
      %dma_start3A_195 = arith.constant 0 : i32
      %dma_start3A_196 = tpu.memref_slice %arg6[%run_scoped3A_170, %dma_start3A_195] : memref<2x2000xi32, #tpu.memory_space<vmem>> -> memref<1x2000xi32, #tpu.memory_space<vmem>>
      %dma_start3A_197 = tpu.memref_squeeze %dma_start3A_196 : memref<1x2000xi32, #tpu.memory_space<vmem>> -> memref<2000xi32, #tpu.memory_space<vmem>>
      %dma_start3A_198 = arith.constant 0 : i32
      %dma_start3A_199 = arith.constant 0 : i32
      %dma_start3A_200 = tpu.memref_slice %arg9[%dma_start3A_198, %dma_start3A_199] : memref<10240x16xf32, #tpu.memory_space<vmem_shared>> -> memref<10240x16xf32, #tpu.memory_space<vmem_shared>>
      tpu.enqueue_indirect_dma source(%dma_start3A_194 : memref<2000x16xf32, #tpu.memory_space<vmem>>) target(%dma_start3A_200 : memref<10240x16xf32, #tpu.memory_space<vmem_shared>>) offsets(%dma_start3A_197 : memref<2000xi32, #tpu.memory_space<vmem>>) semaphore(%run_scoped3A_190 : memref<!tpu.dma_semaphore, #tpu.memory_space<semaphore_mem>>) {add = true}
      %dma_wait3A_201 = arith.constant 0 : i32
      %dma_wait3A_202 = arith.constant 0 : i32
      %dma_wait3A_203 = tpu.memref_slice %arg7[%run_scoped3A_169, %dma_wait3A_201, %dma_wait3A_202] : memref<2x2000x16xf32, #tpu.memory_space<vmem>> -> memref<1x2000x16xf32, #tpu.memory_space<vmem>>
      %dma_wait3A_204 = tpu.memref_squeeze %dma_wait3A_203 : memref<1x2000x16xf32, #tpu.memory_space<vmem>> -> memref<2000x16xf32, #tpu.memory_space<vmem>>
      %dma_wait3A_205 = arith.constant 0 : i32
      %dma_wait3A_206 = tpu.memref_slice %arg6[%run_scoped3A_170, %dma_wait3A_205] : memref<2x2000xi32, #tpu.memory_space<vmem>> -> memref<1x2000xi32, #tpu.memory_space<vmem>>
      %dma_wait3A_207 = tpu.memref_squeeze %dma_wait3A_206 : memref<1x2000xi32, #tpu.memory_space<vmem>> -> memref<2000xi32, #tpu.memory_space<vmem>>
      %dma_wait3A_208 = arith.constant 0 : i32
      %dma_wait3A_209 = arith.constant 0 : i32
      %dma_wait3A_210 = tpu.memref_slice %arg9[%dma_wait3A_208, %dma_wait3A_209] : memref<10240x16xf32, #tpu.memory_space<vmem_shared>> -> memref<10240x16xf32, #tpu.memory_space<vmem_shared>>
      tpu.wait_indirect_dma semaphore(%run_scoped3A_190 : memref<!tpu.dma_semaphore, #tpu.memory_space<semaphore_mem>>) src(%dma_wait3A_204 : memref<2000x16xf32, #tpu.memory_space<vmem>>) dst(%dma_wait3A_210 : memref<10240x16xf32, #tpu.memory_space<vmem_shared>>)
      tpu.yield
    }) : () -> ()
    %dma_wait3A_171 = arith.constant 0 : i32
    %dma_wait3A_172 = arith.constant 0 : i32
    %dma_wait3A_173 = arith.constant 0 : i32
    %dma_wait3A_174 = arith.constant 0 : i32
    %dma_wait3A_175 = tpu.memref_slice %arg7[%dma_wait3A_172, %dma_wait3A_173, %dma_wait3A_174] : memref<2x2000x16xf32, #tpu.memory_space<vmem>> -> memref<1x2000x16xf32, #tpu.memory_space<vmem>>
    %dma_wait3A_176 = tpu.memref_squeeze %dma_wait3A_175 : memref<1x2000x16xf32, #tpu.memory_space<vmem>> -> memref<2000x16xf32, #tpu.memory_space<vmem>>
    %dma_wait3A_177 = arith.constant 0 : i32
    %dma_wait3A_178 = tpu.memref_slice %arg5[%dma_wait3A_171, %dma_wait3A_177] : memref<2x2000xi32, #tpu.memory_space<vmem>> -> memref<1x2000xi32, #tpu.memory_space<vmem>>
    %dma_wait3A_179 = tpu.memref_squeeze %dma_wait3A_178 : memref<1x2000xi32, #tpu.memory_space<vmem>> -> memref<2000xi32, #tpu.memory_space<vmem>>
    %dma_wait3A_180 = arith.constant 0 : i32
    %dma_wait3A_181 = arith.constant 0 : i32
    %dma_wait3A_182 = tpu.memref_slice %arg2[%dma_wait3A_180, %dma_wait3A_181] : memref<10000x16xf32, #tpu.memory_space<hbm>> -> memref<10000x16xf32, #tpu.memory_space<hbm>>
    tpu.wait_indirect_dma semaphore(%arg10 : memref<!tpu.dma_semaphore, #tpu.memory_space<semaphore_mem>>) src(%dma_wait3A_182 : memref<10000x16xf32, #tpu.memory_space<hbm>>) dst(%dma_wait3A_176 : memref<2000x16xf32, #tpu.memory_space<vmem>>)
    %run_scoped3A_183 = arith.constant 0 : i32
    %run_scoped3A_184 = arith.constant 0 : i32
    "tpu.region"() ({
      %run_scoped3A_190 = tpu.sem_alloc : memref<!tpu.dma_semaphore, #tpu.memory_space<semaphore_mem>>
      %dma_start3A_191 = arith.constant 0 : i32
      %dma_start3A_192 = arith.constant 0 : i32
      %dma_start3A_193 = tpu.memref_slice %arg7[%run_scoped3A_183, %dma_start3A_191, %dma_start3A_192] : memref<2x2000x16xf32, #tpu.memory_space<vmem>> -> memref<1x2000x16xf32, #tpu.memory_space<vmem>>
      %dma_start3A_194 = tpu.memref_squeeze %dma_start3A_193 : memref<1x2000x16xf32, #tpu.memory_space<vmem>> -> memref<2000x16xf32, #tpu.memory_space<vmem>>
      %dma_start3A_195 = arith.constant 0 : i32
      %dma_start3A_196 = tpu.memref_slice %arg6[%run_scoped3A_184, %dma_start3A_195] : memref<2x2000xi32, #tpu.memory_space<vmem>> -> memref<1x2000xi32, #tpu.memory_space<vmem>>
      %dma_start3A_197 = tpu.memref_squeeze %dma_start3A_196 : memref<1x2000xi32, #tpu.memory_space<vmem>> -> memref<2000xi32, #tpu.memory_space<vmem>>
      %dma_start3A_198 = arith.constant 0 : i32
      %dma_start3A_199 = arith.constant 0 : i32
      %dma_start3A_200 = tpu.memref_slice %arg9[%dma_start3A_198, %dma_start3A_199] : memref<10240x16xf32, #tpu.memory_space<vmem_shared>> -> memref<10240x16xf32, #tpu.memory_space<vmem_shared>>
      tpu.enqueue_indirect_dma source(%dma_start3A_194 : memref<2000x16xf32, #tpu.memory_space<vmem>>) target(%dma_start3A_200 : memref<10240x16xf32, #tpu.memory_space<vmem_shared>>) offsets(%dma_start3A_197 : memref<2000xi32, #tpu.memory_space<vmem>>) semaphore(%run_scoped3A_190 : memref<!tpu.dma_semaphore, #tpu.memory_space<semaphore_mem>>) {add = true}
      %dma_wait3A_201 = arith.constant 0 : i32
      %dma_wait3A_202 = arith.constant 0 : i32
      %dma_wait3A_203 = tpu.memref_slice %arg7[%run_scoped3A_183, %dma_wait3A_201, %dma_wait3A_202] : memref<2x2000x16xf32, #tpu.memory_space<vmem>> -> memref<1x2000x16xf32, #tpu.memory_space<vmem>>
      %dma_wait3A_204 = tpu.memref_squeeze %dma_wait3A_203 : memref<1x2000x16xf32, #tpu.memory_space<vmem>> -> memref<2000x16xf32, #tpu.memory_space<vmem>>
      %dma_wait3A_205 = arith.constant 0 : i32
      %dma_wait3A_206 = tpu.memref_slice %arg6[%run_scoped3A_184, %dma_wait3A_205] : memref<2x2000xi32, #tpu.memory_space<vmem>> -> memref<1x2000xi32, #tpu.memory_space<vmem>>
      %dma_wait3A_207 = tpu.memref_squeeze %dma_wait3A_206 : memref<1x2000xi32, #tpu.memory_space<vmem>> -> memref<2000xi32, #tpu.memory_space<vmem>>
      %dma_wait3A_208 = arith.constant 0 : i32
      %dma_wait3A_209 = arith.constant 0 : i32
      %dma_wait3A_210 = tpu.memref_slice %arg9[%dma_wait3A_208, %dma_wait3A_209] : memref<10240x16xf32, #tpu.memory_space<vmem_shared>> -> memref<10240x16xf32, #tpu.memory_space<vmem_shared>>
      tpu.wait_indirect_dma semaphore(%run_scoped3A_190 : memref<!tpu.dma_semaphore, #tpu.memory_space<semaphore_mem>>) src(%dma_wait3A_204 : memref<2000x16xf32, #tpu.memory_space<vmem>>) dst(%dma_wait3A_210 : memref<10240x16xf32, #tpu.memory_space<vmem_shared>>)
      tpu.yield
    }) : () -> ()
    %barrier3A_185 = arith.constant 0 : index
    tpu.barrier barrier_id(%barrier3A_185)
    %mul3A_186 = arith.constant 640 : i32
    %mul3A_187 = arith.muli %arg1, %mul3A_186 : i32
    "tpu.region"() ({
      %run_scoped3A_190 = tpu.sem_alloc : memref<!tpu.dma_semaphore, #tpu.memory_space<semaphore_mem>>
      %dma_start3A_191 = arith.constant 0 : i32
      %dma_start3A_192 = tpu.memref_slice %arg9[%mul3A_187, %dma_start3A_191] : memref<10240x16xf32, #tpu.memory_space<vmem_shared>> -> memref<640x16xf32, #tpu.memory_space<vmem_shared>>
      %dma_start3A_193 = arith.constant 0 : i32
      %dma_start3A_194 = tpu.memref_slice %arg9[%mul3A_187, %dma_start3A_193] : memref<10240x16xf32, #tpu.memory_space<vmem_shared>> -> memref<640x16xf32, #tpu.memory_space<vmem_shared>>
      tpu.enqueue_dma source(%dma_start3A_194 : memref<640x16xf32, #tpu.memory_space<vmem_shared>>) target(%arg8 : memref<640x16xf32, #tpu.memory_space<vmem>>) target_semaphore(%run_scoped3A_190 : memref<!tpu.dma_semaphore, #tpu.memory_space<semaphore_mem>>)
      %dma_wait3A_195 = arith.constant 0 : i32
      %dma_wait3A_196 = tpu.memref_slice %arg9[%mul3A_187, %dma_wait3A_195] : memref<10240x16xf32, #tpu.memory_space<vmem_shared>> -> memref<640x16xf32, #tpu.memory_space<vmem_shared>>
      %dma_wait3A_197 = arith.constant 0 : i32
      %dma_wait3A_198 = tpu.memref_slice %arg9[%mul3A_187, %dma_wait3A_197] : memref<10240x16xf32, #tpu.memory_space<vmem_shared>> -> memref<640x16xf32, #tpu.memory_space<vmem_shared>>
      tpu.wait_dma2 semaphore(%run_scoped3A_190 : memref<!tpu.dma_semaphore, #tpu.memory_space<semaphore_mem>>) src(%dma_wait3A_198 : memref<640x16xf32, #tpu.memory_space<vmem_shared>>) dst(%arg8 : memref<640x16xf32, #tpu.memory_space<vmem>>)
      tpu.yield
    }) : () -> ()
    %mul3A_188 = arith.constant 640 : i32
    %mul3A_189 = arith.muli %arg1, %mul3A_188 : i32
    "tpu.region"() ({
      %run_scoped3A_190 = tpu.sem_alloc : memref<!tpu.dma_semaphore, #tpu.memory_space<semaphore_mem>>
      %dma_start3A_191 = arith.constant 0 : i32
      %dma_start3A_192 = tpu.memref_slice %arg4[%arg0, %mul3A_189, %dma_start3A_191] : memref<2x10240x16xf32, #tpu.memory_space<hbm>> -> memref<1x640x16xf32, #tpu.memory_space<hbm>>
      %dma_start3A_193 = tpu.memref_squeeze %dma_start3A_192 : memref<1x640x16xf32, #tpu.memory_space<hbm>> -> memref<640x16xf32, #tpu.memory_space<hbm>>
      %dma_start3A_194 = arith.constant 0 : i32
      %dma_start3A_195 = tpu.memref_slice %arg4[%arg0, %mul3A_189, %dma_start3A_194] : memref<2x10240x16xf32, #tpu.memory_space<hbm>> -> memref<1x640x16xf32, #tpu.memory_space<hbm>>
      %dma_start3A_196 = tpu.memref_squeeze %dma_start3A_195 : memref<1x640x16xf32, #tpu.memory_space<hbm>> -> memref<640x16xf32, #tpu.memory_space<hbm>>
      tpu.enqueue_dma source(%arg8 : memref<640x16xf32, #tpu.memory_space<vmem>>) target(%dma_start3A_196 : memref<640x16xf32, #tpu.memory_space<hbm>>) target_semaphore(%run_scoped3A_190 : memref<!tpu.dma_semaphore, #tpu.memory_space<semaphore_mem>>)
      %dma_wait3A_197 = arith.constant 0 : i32
      %dma_wait3A_198 = tpu.memref_slice %arg4[%arg0, %mul3A_189, %dma_wait3A_197] : memref<2x10240x16xf32, #tpu.memory_space<hbm>> -> memref<1x640x16xf32, #tpu.memory_space<hbm>>
      %dma_wait3A_199 = tpu.memref_squeeze %dma_wait3A_198 : memref<1x640x16xf32, #tpu.memory_space<hbm>> -> memref<640x16xf32, #tpu.memory_space<hbm>>
      %dma_wait3A_200 = arith.constant 0 : i32
      %dma_wait3A_201 = tpu.memref_slice %arg4[%arg0, %mul3A_189, %dma_wait3A_200] : memref<2x10240x16xf32, #tpu.memory_space<hbm>> -> memref<1x640x16xf32, #tpu.memory_space<hbm>>
      %dma_wait3A_202 = tpu.memref_squeeze %dma_wait3A_201 : memref<1x640x16xf32, #tpu.memory_space<hbm>> -> memref<640x16xf32, #tpu.memory_space<hbm>>
      tpu.wait_dma2 semaphore(%run_scoped3A_190 : memref<!tpu.dma_semaphore, #tpu.memory_space<semaphore_mem>>) src(%arg8 : memref<640x16xf32, #tpu.memory_space<vmem>>) dst(%dma_wait3A_202 : memref<640x16xf32, #tpu.memory_space<hbm>>)
      tpu.yield
    }) : () -> ()
    return
  }
}

module attributes {stable_mosaic.version = 14 : i64} {
  func.func @_proj_body(%arg0: memref<10000x128xf32, #tpu.memory_space<vmem>>, %arg1: memref<128x16xf32, #tpu.memory_space<vmem>>, %arg2: memref<10000x16xf32, #tpu.memory_space<vmem>>) attributes {dimension_semantics = [], scalar_prefetch = 0 : i64, scratch_operands = 0 : i64, tpu.core_type = #tpu.core_type<tc>} {
    %get3A = arith.constant 0 : index
    %get3A_0 = arith.constant 0 : index
    %get3A_1 = vector.load %arg0[%get3A, %get3A_0] : memref<10000x128xf32, #tpu.memory_space<vmem>>, vector<10000x128xf32>
    %get3A_2 = arith.constant 0 : index
    %get3A_3 = arith.constant 0 : index
    %get3A_4 = vector.load %arg1[%get3A_2, %get3A_3] : memref<128x16xf32, #tpu.memory_space<vmem>>, vector<128x16xf32>
    %dot_general3A = arith.constant dense<0.000000e+00> : vector<10000x16xf32>
    %dot_general3A_5 = tpu.matmul %get3A_1, %get3A_4, %dot_general3A {dimension_numbers = #tpu.dot_dimension_numbers<[1], [0], [0], [1], [0, 0, 1, 1], [], []>, transpose_lhs_hint = false} : vector<10000x128xf32>, vector<128x16xf32>, vector<10000x16xf32> -> vector<10000x16xf32>
    %swap3A = arith.constant 0 : index
    %swap3A_6 = arith.constant 0 : index
    %swap3A_7 = vector.load %arg2[%swap3A, %swap3A_6] : memref<10000x16xf32, #tpu.memory_space<vmem>>, vector<10000x16xf32>
    tpu.vector_store %arg2[%swap3A, %swap3A_6], %dot_general3A_5 {strides = array<i32>} : memref<10000x16xf32, #tpu.memory_space<vmem>>, vector<10000x16xf32>,
    return
  }
}

module attributes {stable_mosaic.version = 14 : i64} {
  func.func @_tail_body(%arg0: memref<2x10240xf32, #tpu.memory_space<vmem>>, %arg1: memref<1xf32, #tpu.memory_space<vmem>>, %arg2: memref<10000xf32, #tpu.memory_space<vmem>>) attributes {dimension_semantics = [], scalar_prefetch = 0 : i64, scratch_operands = 0 : i64, tpu.core_type = #tpu.core_type<tc>} {
    %get3A = arith.constant 0 : index
    %get3A_0 = arith.constant 0 : index
    %get3A_1 = vector.load %arg0[%get3A, %get3A_0] : memref<2x10240xf32, #tpu.memory_space<vmem>>, vector<1x10000xf32>
    %get3A_2 = vector.shape_cast %get3A_1 : vector<1x10000xf32> to vector<10000xf32>
    %get3A_3 = arith.constant 1 : index
    %get3A_4 = arith.constant 0 : index
    %get3A_5 = vector.load %arg0[%get3A_3, %get3A_4] : memref<2x10240xf32, #tpu.memory_space<vmem>>, vector<1x10000xf32>
    %get3A_6 = vector.shape_cast %get3A_5 : vector<1x10000xf32> to vector<10000xf32>
    %add3A = arith.addf %get3A_2, %get3A_6 : vector<10000xf32>
    %get3A_7 = arith.constant 0 : index
    %get3A_8 = vector.load %arg1[%get3A_7] : memref<1xf32, #tpu.memory_space<vmem>>, vector<1xf32>
    %get3A_9 = vector.extract %get3A_8[0] : f32 from vector<1xf32>
    %add3A_10 = vector.broadcast %get3A_9 : f32 to vector<10000xf32>
    %add3A_11 = arith.addf %add3A, %add3A_10 : vector<10000xf32>
    %tanh3A = math.tanh %add3A_11 : vector<10000xf32>
    %swap3A = arith.constant 0 : index
    %swap3A_12 = vector.load %arg2[%swap3A] : memref<10000xf32, #tpu.memory_space<vmem>>, vector<10000xf32>
    tpu.vector_store %arg2[%swap3A], %tanh3A {strides = array<i32>} : memref<10000xf32, #tpu.memory_space<vmem>>, vector<10000xf32>,
    return
  }
}

</mosaic_0001>

<sc_bundles>
// kernel: kernel.6.cloned.1.call-start
scs
__scs_entry_jumppad:
0x0: {  	(pc) =	sbr.rel $0x88, $3  }
0x1: {  	(tag) =	ssettag $0x0;
	lr =	simm.s32 $0x1  }
0x2: {  	[smem:$0x3F9A] =	sst lr;
	_ =	strace $0xD0000000  }
0x3: {  	_ = 	snop  }
0x4: {  	_ = 	snop  }
0x5: {  	_ = 	snop  }
0x6: {  	_ = 	snop  }
0x7: {  	_ = 	snop  }
__scs_overlays_trampoline_lowered:
0x8: {  	[smem:$0x3FA9] =	sst s0  }
0x9: {  	[smem:$0x3FAA] =	sst s1  }
0xa: {  	[smem:$0x3FAB] =	sst s2  }
0xb: {  	[smem:$0x3FAC] =	sst s3  }
0xc: {  	[smem:$0x3FAD] =	sst s4  }
0xd: {  	[smem:$0x3FAE] =	sst s5  }
0xe: {  	[smem:$0x3FAF] =	sst s6  }
0xf: {  	[smem:$0x3FB0] =	sst s7  }
0x10: {  	[smem:$0x3FB1] =	sst s8  }
0x11: {  	[smem:$0x3FB2] =	sst s9;
	s0 =	simm.s32 @!p0 $0x0  }
0x12: {  	s1 =	sld [smem:$0x3F98];
	s0 =	simm.s32 @p0 $0x1  }
0x13: {  	[smem:$0x3FB3] =	sst s0;
	s0 =	simm.s32 @!p1 $0x0  }
0x14: {  	s2 =	sld [smem:$0x3F97];
	s0 =	simm.s32 @p1 $0x1  }
0x15: {  	[smem:$0x3FB4] =	sst s0;
	s0 =	simm.s32 @!p2 $0x0  }
0x16: {  	s3 =	sld [smem:$0x3FDB];
	s0 =	simm.s32 @p2 $0x1  }
0x17: {  	s4 =	simm.s32 $0x1BF5;
	[smem:$0x3FB6] =	sst s0  }
0x18: {  	s0 =	sld [smem:$0x3F99];
	_ =	swait.ge [sflag:s4], $0x0  }
0x19: {  	s7 =	sld [smem:$0x3F9A]  }
0x1a: {  	s8 =	sadd.s32 $0xFFFFE003, lr  }
0x1b: {  	s9 =	sadd.s32 $0xFFFFFEF7, lr;
	s5 =	simm.s32 $0xFFFFFFFF;
	p2 =	slt.u32 s8, $0xFFFFF086  }
0x1c: {  	p1 =	slt.u32 s9, $0xF7A;
	s5 =	simm.s32 @!p2 $0x0  }
0x1d: {  	s5 =	simm.s32 @p1 $0x1;
	p0 =	seq.s32 s7, s2  }
0x1e: {  	s7 =	smul.u32 @!p0 $0xF7A, s2;
	p2 =	seq.s32 @!p0 s5, $0x0  }
0x1f: {  	s9 =	smul.u32 $0xF7A, s1;
	s8 =	simm.s32 @!p0 $0x1BF5;
	p2 =	por !p2, p0  }
0x20: {  	[sflag:s8] =	ssyncset.s32 @!p0 $0xFFFFF086;
	s6 =	sadd.s32 @!p0 s3, s7;
	s7 =	simm.s32 @!p0 $0x108  }
0x21: {  	s3 =	sadd.s32 s3, s9;
	s6 =	sadd.s32 @!p0 $0x88, s6;
	s7 =	simm.s32 @p2 $0x1082  }
0x22: {  	[simem:s7], [sflag:s8] =	dma.local @!p0 [hbm:s6], $0xF7A  }
0x23: {  	s9 =	sor.u32 $0xD0000000, s2;
	s6 =	simm.s32 $0x108;
	_ =	swait.ge @!p0 [sflag:s8], $0x0  }
0x24: {  	s3 =	sadd.s32 $0x88, s3;
	s6 =	simm.s32 @!p1 $0x1082;
	[sflag:s4] =	ssyncset.s32 $0xFFFFF086  }
0x25: {  	[simem:s6], [sflag:s4] =	dma.local [hbm:s3], $0xF7A  }
0x26: {  	[smem:$0x3F9A] =	sst s1;
	(tag) =	ssettag s2;
	_ =	strace s9  }
0x27: {  	s1 =	sld [smem:$0x3FAA]  }
0x28: {  	s2 =	sld [smem:$0x3FAB]  }
0x29: {  	s4 =	sld [smem:$0x3FAD]  }
0x2a: {  	p0 =	seq.s32 s5, $0x0;
	s5 =	sld [smem:$0x3FAE]  }
0x2b: {  	s6 =	sld [smem:$0x3FAF]  }
0x2c: {  	s7 =	sld [smem:$0x3FB0]  }
0x2d: {  	s3 =	simm.s32 $0x108;
	s8 =	sld [smem:$0x3FB1]  }
0x2e: {  	s3 =	simm.s32 @!p0 $0x1082;
	s9 =	sld [smem:$0x3FB2]  }
0x2f: {  	lr =	sadd.s32 s0, s3;
	s0 =	sld [smem:$0x3FA9]  }
0x30: {  	s3 =	sld [smem:$0x3FAC]  }
0x31: {  	[smem:$0x3FB5] =	sst s10  }
0x32: {  	s10 =	sld [smem:$0x3FB3];
	_ =	sdelay $0x3  }
0x33: {  	p0 =	seq.s32 s10, $0x1;
	s10 =	sld [smem:$0x3FB5];
	_ =	sdelay $0x3  }
0x34: {  	[smem:$0x3FB5] =	sst s10  }
0x35: {  	s10 =	sld [smem:$0x3FB4];
	_ =	sdelay $0x3  }
0x36: {  	p1 =	seq.s32 s10, $0x1;
	s10 =	sld [smem:$0x3FB5];
	_ =	sdelay $0x3  }
0x37: {  	[smem:$0x3FB5] =	sst s10  }
0x38: {  	s10 =	sld [smem:$0x3FB6]  }
0x39: {  	_ = 	snop;
	(pc) =	sbr.ind lr, $3  }
0x3a: {  	_ = 	snop  }
0x3b: {  	_ = 	snop  }
0x3c: {  	p2 =	seq.s32 s10, $0x1;
	s10 =	sld [smem:$0x3FB5]  }
0x3d: {  	_ =	shalt  }
0x3e: {  	_ =	shalt  }
0x3f: {  	_ =	shalt  }
0x40: {  	_ =	shalt  }
0x41: {  	_ =	shalt  }
0x42: {  	_ =	shalt  }
0x43: {  	_ =	shalt  }
0x44: {  	_ =	shalt  }
0x45: {  	_ =	shalt  }
0x46: {  	_ =	shalt  }
0x47: {  	_ =	shalt  }
0x48: {  	_ =	shalt  }
0x49: {  	_ =	shalt  }
0x4a: {  	_ =	shalt  }
0x4b: {  	_ =	shalt  }
0x4c: {  	_ =	shalt  }
0x4d: {  	_ =	shalt  }
0x4e: {  	_ =	shalt  }
0x4f: {  	_ =	shalt  }
0x50: {  	_ =	shalt  }
0x51: {  	_ =	shalt  }
0x52: {  	_ =	shalt  }
0x53: {  	_ =	shalt  }
0x54: {  	_ =	shalt  }
0x55: {  	_ =	shalt  }
0x56: {  	_ =	shalt  }
0x57: {  	_ =	shalt  }
0x58: {  	_ =	shalt  }
0x59: {  	_ =	shalt  }
0x5a: {  	_ =	shalt  }
0x5b: {  	_ =	shalt  }
0x5c: {  	_ =	shalt  }
0x5d: {  	_ =	shalt  }
0x5e: {  	_ =	shalt  }
0x5f: {  	_ =	shalt  }
0x60: {  	_ =	shalt  }
0x61: {  	_ =	shalt  }
0x62: {  	_ =	shalt  }
0x63: {  	_ =	shalt  }
0x64: {  	_ =	shalt  }
0x65: {  	_ =	shalt  }
0x66: {  	_ =	shalt  }
0x67: {  	_ =	shalt  }
0x68: {  	_ =	shalt  }
0x69: {  	_ =	shalt  }
0x6a: {  	_ =	shalt  }
0x6b: {  	_ =	shalt  }
0x6c: {  	_ =	shalt  }
0x6d: {  	_ =	shalt  }
0x6e: {  	_ =	shalt  }
0x6f: {  	_ =	shalt  }
0x70: {  	_ =	shalt  }
0x71: {  	_ =	shalt  }
0x72: {  	_ =	shalt  }
0x73: {  	_ =	shalt  }
0x74: {  	_ =	shalt  }
0x75: {  	_ =	shalt  }
0x76: {  	_ =	shalt  }
0x77: {  	_ =	shalt  }
0x78: {  	_ =	shalt  }
0x79: {  	_ =	shalt  }
0x7a: {  	_ =	shalt  }
0x7b: {  	_ =	shalt  }
0x7c: {  	_ =	shalt  }
0x7d: {  	_ =	shalt  }
0x7e: {  	_ =	shalt  }
0x7f: {  	_ =	shalt  }
0x80: {  	_ =	shalt  }
0x81: {  	_ =	shalt  }
0x82: {  	_ =	shalt  }
0x83: {  	_ =	shalt  }
0x84: {  	_ =	shalt  }
0x85: {  	_ =	shalt  }
0x86: {  	_ =	shalt  }
0x87: {  	_ =	shalt  }
.Lfunc_end0:
.L_simem_size_0:
called_computation_lowered:
.L_overlay_start_0:
0x88: {  	s2 =	sld [smem:$0x3FD9]  }
0x89: {  	s3 =	sld [smem:$0x3FFE];
	_ =	sdelay $0x1  }
0x8a: {  	s1 =	srdreg.scid  }
0x8b: {  	s0 =	sand.u32 $0x1, s1  }
0x8c: {  	s16 =	sshll.u32 s0, $0xA;
	s2 =	sadd.s32 s3, s2  }
0x8d: {  	s2 =	sadd.s32 s2, s16  }
0x8e: {  	[smem:$0x3FC1] =	sst s2  }
0x8f: {  	_ = 	snop  }
0x90: {  	(tm) =	ssettm $0x1  }
0x91: {  	s17 =	sld [smem:$0x3FFB];
	_ =	sdelay $0x3  }
0x92: {  	_ =	strace s17  }
0x93: {  	s2 =	sld [smem:$0x3FFC];
	_ =	sdelay $0x3  }
0x94: {  	_ =	strace s2  }
0x95: {  	s2 =	sld [smem:$0x3FFD];
	_ =	sdelay $0x3  }
0x96: {  	_ =	strace s2  }
0x97: {  	_ =	strace $0x8FFFFFFF  }
0x98: {  	s18 =	sld [smem:$0x3FDB];
	_ =	sdelay $0x1  }
0x99: {  	s19 =	simm.s32 $_scs_section_size  }
0x9a: {  	s4 =	simm.s32 $_size__tile_overlayer_lowered;
	s5 =	simm.s32 $_tile_overlayer_lowered  }
0x9b: {  	s22 =	simm.s32 $0x1BFF;
	s21 =	sshll.u32 s5, $0x1;
	s2 =	sadd.s32 s19, s18  }
0x9c: {  	s6 =	simm.s32 $0x0;
	s20 =	sshll.u32 s4, $0x1;
	s4 =	sadd.s32 s21, s2  }
0x9d: {  	[timem:s6], [sflag:s22] =	dma.local [hbm:s4], s20  }
0x9e: {  	_ =	swait.ge [sflag:s22], s20  }
0x9f: {  	s3 =	ssub.s32 $0x0, s20;
	[sflag:s22] =	ssyncset.done $0x0  }
0xa0: {  	[sflag:s22] =	ssyncadd.s32 s3;
	_ =	sdelay $0x1  }
0xa1: {  	s23 =	simm.s32 $0x1B8B  }
0xa2: {  	_ =	swait.ge [sflag:s23], $0x1  }
0xa3: {  	[sflag:s23] =	ssyncset.done $0x0  }
0xa4: {  	s25 =	simm.s32 $0x1B8E;
	s24 =	sld [smem:$0x3FFE];
	[sflag:s23] =	ssyncadd.s32 $0xFFFFFFFF  }
0xa5: {  	s26 =	simm.s32 $execute0_lowered;
	[smem:$0x3FD2] =	sst s25  }
0xa6: {  	s4 =	sshll.u32 s26, $0x1;
	_ =	strace $0x80000046;
	[dreg:$0x1] =	wrdreg $0xFFFFFFFF  }
0xa7: {  	s28 =	simm.s32 $_size_execute0_lowered;
	s2 =	sadd.s32 s2, s4;
	[dreg:$0x0] =	wrdreg $0x0  }
0xa8: {  	s4 =	sshll.u32 s28, $0x1;
	[dreg:$0x2] =	wrdreg s2  }
0xa9: {  	[dreg:$0x3] =	wrdreg s4  }
0xaa: {  	[dreg:$0x4] =	wrdreg $0xC0  }
0xab: {  	_ =	task [dreg:s6], $0x5FFFF  }
0xac: {  	[dreg:$0x1] =	wrdreg $0xFFFFFFFF  }
0xad: {  	[dreg:$0x0] =	wrdreg $0x60  }
0xae: {  	[dreg:$0x2] =	wrdreg s24  }
0xaf: {  	[dreg:$0x3] =	wrdreg $0x141400  }
0xb0: {  	[dreg:$0x4] =	wrdreg $0x9  }
0xb1: {  	_ =	task.clear_ibuf [dreg:s6], $0x5FFFF;
	_ =	strace $0x90000046  }
0xb2: {  	s29 =	simm.s32 $0x9;
	_ =	strace $0x80000048  }
0xb3: {  	_ =	swait.ge [sflag:s29], $0x1  }
0xb4: {  	[sflag:s29] =	ssyncadd.s32 $0xFFFFFFFF  }
0xb5: {  	_ =	strace $0x90000048  }
0xb6: {  	_ =	sfence  }
0xb7: {  	s30 =	sld [smem:$0x0];
	_ =	sdelay $0x2  }
0xb8: {  	s31 =	sshll.u32 s1, $0xD;
	s1 =	sshrl.u32 s1, $0x2  }
0xb9: {  	s3 =	sand.u32 $0x4000, s31;
	s1 =	sadd.s32 s1, s30  }
0xba: {  	s0 =	sor.u32 s3, s0;
	s1 =	sshll.u32 s1, $0x11  }
0xbb: {  	s0 =	sor.u32 s1, s0  }
0xbc: {  	s0 =	sadd.s32 $0x8F2B, s0  }
0xbd: {  	[sflag:s0] =	ssyncadd.remote.s32 $0x1  }
0xbe: {  	_ =	sfence.sel $0xFFFF  }
0xbf: {  	[dreg:$0x0] =	wrdreg $0xFFFFFFFF;
	(pc) =	sbr.abs _section_cstart, $3  }
0xc0: {  	[dreg:$0x1] =	wrdreg $0xFFFFFFFF  }
0xc1: {  	_ =	task.clear_ibuf [dreg:s6], $0x2FFFF;
	_ =	strace $0x9FFFFFFF  }
0xc2: {  	(tm) =	ssettm $0x7FFFFFFF  }
0xc3: {  	_ =	shalt  }
tec
execute0_lowered:
.L_overlay_start_1:
0x0: {  	(tag) =	ssettag $0x1  }
0x1: {  	s1 =	srdreg.scid;
	s0 =	stileid.u32  }
0x2: {  	s7 =	rddreg [dreg:$0x0];
	s20 =	simm.s32 $0x3;
	s21 =	simm.s32 $0xFA0  }
0x3: {  	s22 =	simm.s32 $0x7D0;
	s23 =	simm.s32 $0x1F40;
	s24 =	simm.s32 $0x11940  }
0x4: {  	s28 =	simm.s32 $0x9C40;
	s29 =	simm.s32 $0x2;
	s30 =	simm.s32 $0x0  }
0x5: {  	s1 =	sand.u32 $0x1, s1;
	s2 =	sshll.u32 s0, $0x1;
	s9 =	smul.u32 $0x2800, s0  }
0x6: {  	s4 =	sadd.s32 $0x1200, s7;
	p1 =	sne.s32 s0, $0xF;
	p2 =	seq.s32 s0, $0xF  }
0x7: {  	s31 =	smul.u32 $0x500, s0;
	s3 =	sor.u32 s1, s2;
	s2 =	rddreg [dreg:$0x1]  }
0x8: {  	s6 =	smul.u32 $0x28000, s1;
	s8 =	ssub.s32 $0x2, s1;
	p0 =	seq.s32 s1, $0x0  }
0x9: {  	s5 =	smul.u32 $0x2710, s3;
	s3 =	simm.s32 $0x0;
	s26 =	sshrl.u32 s8, $0x1  }
0xa: {  	p1 =	por !p0, !p1;
	p2 =	por !p0, !p2;
	[smem:$0x7FF] =	sst s3  }
0xb: {  	s6 =	sadd.s32 s9, s6;
	s19 =	ssub.s32 s8, s26;
	p0 =	por !p1, !p1  }
0xc: {  	p6 =	por !p2, !p2;
	s8 =	sadd.s32 s4, s31;
	s9 =	sadd.s32 s9, s2  }
0xd: {  	s26 =	simm.s32 $0x1;
	_ =	strace $0x80000047;
	s5 =	sshrl.u32 s5, $0x3  }
0xe: {  	s25 =	sshrl.u32 s6, $0x3;
	s19 =	smax.u32 s19, $0x1;
	p1 =	por !p6, p0  }
0xf: {  	s17 =	sadd.s32 s5, s7;
	s18 =	sadd.s32 s25, s7;
	s7 =	sadd.s32 $0x5D00, s7  }
0x10: {  	s25 =	simm.s32 $0x1770;
	s5 =	sadd.s32 $0x6200, s17;
	s6 =	sadd.s32 $0xFE40, s17  }
0x11: {  	s10 =	sadd.s32 $0x62FA, s17;
	s11 =	sadd.s32 $0xFF3A, s17;
	s12 =	sadd.s32 $0x63F4, s17  }
0x12: {  	s13 =	sadd.s32 $0x10034, s17;
	s14 =	sadd.s32 $0x64EE, s17;
	s15 =	sadd.s32 $0x1012E, s17  }
0x13: {  	v0 =	vimm.f32 $0.0e+00;
	s16 =	sadd.s32 $0x65E8, s17;
	s17 =	sadd.s32 $0x10228, s17;
	s18 =	sadd.s32 $0x19C00, s18  }
.LBB2_1:
0x14: {  	[tilespmem:s3], [sflag:$0x3] =	stream.linear.gather [hbm4b:s5+s3], $0x7D0, $0x38;
	[tilespmem:$0x16940] =	vst v63  }
0x15: {  	_ =	swait.ge [sflag:s20], $0x7D0  }
0x16: {  	[sflag:s20] =	ssyncset.done $0x0  }
0x17: {  	[sflag:s20] =	ssyncadd.s32 $0xFFFFF830  }
0x18: {  	[tilespmem:s21], [sflag:$0x3] =	stream.linear.gather [hbm4b:s6+s3], $0x7D0, $0x38;
	[tilespmem:$0x16940] =	vst v63  }
0x19: {  	_ =	swait.ge [sflag:s20], $0x7D0  }
0x1a: {  	[sflag:s20] =	ssyncset.done $0x0  }
0x1b: {  	s31 =	simm.s32 $0x40;
	s1 =	simm.s32 $0x0;
	[sflag:s20] =	ssyncadd.s32 $0xFFFFF830  }
0x1c: {  	[tilespmem:s23], [sflag:$0x1] =	stream.indirect.gather [hbm4b:s4+s22], $0x10, s3, s22, $0xb8;
	[tilespmem:$0x16940] =	vst v63  }
.LBB2_2:
0x1d: {  	p2 =	sne.s32 s31, $0x9FC0;
	[tilespmem:s1+$0x11940] =	vst v0;
	s1 =	smov.u32 s31;
	s31 =	sadd.s32 $0x40, s31  }
.Ltmp0:
0x1e: {  	(pc) =	sbr.rel @p2 .LBB2_2-.Ltmp0, $2  }
0x1f: {  	_ =	sdelay $0x2  }
0x20: {  	s1 =	sshra.s32 s1, $0x2  }
0x21: {  	[tilespmem:s1+$0x11940] =	vst v0;
	s1 =	simm.s32 @!p1 $0x0;
	s31 =	simm.s32 @!p1 $0x11940  }
0x22: {  	[tilespmem:s31], [sflag:$0x3] =	stream.linear.gather @!p1 [hbm4b:s7+s1], $0x1900, $0x38;
	[tilespmem:$0x16940] =	vst v63  }
0x23: {  	s1 =	simm.s32 @!p1 $0x3  }
0x24: {  	_ =	swait.ge @!p1 [sflag:s1], $0x1900  }
0x25: {  	[sflag:s1] =	ssyncset.done @!p1 $0x0  }
0x26: {  	s31 =	simm.s32 @p0 $0x11940;
	[sflag:s1] =	ssyncadd.s32 @!p1 $0xFFFFE700;
	s1 =	simm.s32 @p0 $0x0  }
0x27: {  	[tilespmem:s31], [sflag:$0x3] =	stream.linear.gather @p0 [hbm4b:s8+s1], $0x2800, $0x38;
	[tilespmem:$0x16940] =	vst v63  }
0x28: {  	s1 =	simm.s32 @p0 $0x3  }
0x29: {  	_ =	swait.ge @p0 [sflag:s1], $0x2800  }
0x2a: {  	[sflag:s1] =	ssyncset.done @p0 $0x0  }
0x2b: {  	[sflag:s1] =	ssyncadd.s32 @p0 $0xFFFFD800  }
0x2c: {  	[spmem:s9] =	stream.linear.scatter [tilespmem:s24], [sflag:$0x3], $0x2800, $0x38;
	[tilespmem:$0x16940] =	vst v63  }
0x2d: {  	_ =	swait.ge [sflag:s20], $0x2800  }
0x2e: {  	[sflag:s20] =	ssyncset.done $0x0  }
0x2f: {  	[sflag:s20] =	ssyncadd.s32 $0xFFFFD800  }
0x30: {  	[bflag:$0x0] =	sbarrier.arrive $0xFFFF  }
0x31: {  	[tilespmem:s22], [sflag:$0x3] =	stream.linear.gather [hbm4b:s10+s3], $0x7D0, $0x38;
	[tilespmem:$0x16940] =	vst v63  }
0x32: {  	_ =	swait.ge [sflag:s20], $0x7D0  }
0x33: {  	[sflag:s20] =	ssyncset.done $0x0  }
0x34: {  	[sflag:s20] =	ssyncadd.s32 $0xFFFFF830  }
0x35: {  	[tilespmem:s25], [sflag:$0x3] =	stream.linear.gather [hbm4b:s11+s3], $0x7D0, $0x38;
	[tilespmem:$0x16940] =	vst v63  }
0x36: {  	_ =	swait.ge [sflag:s20], $0x7D0  }
0x37: {  	[sflag:s20] =	ssyncset.done $0x0  }
0x38: {  	[sflag:s20] =	ssyncadd.s32 $0xFFFFF830  }
0x39: {  	_ =	swait.ge [sflag:s26], $0x7D00  }
0x3a: {  	[sflag:s26] =	ssyncset.done $0x0  }
0x3b: {  	[sflag:s26] =	ssyncadd.s32 $0xFFFF8300  }
0x3c: {  	[tilespmem:s28], [sflag:$0x2] =	stream.indirect.gather [hbm4b:s4+s22], $0x10, s22, s22, $0xb8;
	[tilespmem:$0x16940] =	vst v63  }
0x3d: {  	_ = 	snop  }
0x3e: {  	[spmem:s2] =	stream.indirect.scatter.add.f32 [tilespmem:s23], [sflag:$0x3], $0x10, s21, s22, $0xb8;
	[tilespmem:$0x16940] =	vst v63  }
0x3f: {  	_ =	swait.ge [sflag:s20], $0x7D00  }
0x40: {  	[sflag:s20] =	ssyncset.done $0x0  }
0x41: {  	[sflag:s20] =	ssyncadd.s32 $0xFFFF8300  }
0x42: {  	[tilespmem:s3], [sflag:$0x3] =	stream.linear.gather [hbm4b:s12+s3], $0x7D0, $0x38;
	[tilespmem:$0x16940] =	vst v63  }
0x43: {  	_ =	swait.ge [sflag:s20], $0x7D0  }
0x44: {  	[sflag:s20] =	ssyncset.done $0x0  }
0x45: {  	[sflag:s20] =	ssyncadd.s32 $0xFFFFF830  }
0x46: {  	[tilespmem:s21], [sflag:$0x3] =	stream.linear.gather [hbm4b:s13+s3], $0x7D0, $0x38;
	[tilespmem:$0x16940] =	vst v63  }
0x47: {  	_ =	swait.ge [sflag:s20], $0x7D0  }
0x48: {  	[sflag:s20] =	ssyncset.done $0x0  }
0x49: {  	[sflag:s20] =	ssyncadd.s32 $0xFFFFF830  }
0x4a: {  	_ =	swait.ge [sflag:s29], $0x7D00  }
0x4b: {  	[sflag:s29] =	ssyncset.done $0x0  }
0x4c: {  	[sflag:s29] =	ssyncadd.s32 $0xFFFF8300  }
0x4d: {  	[tilespmem:s23], [sflag:$0x1] =	stream.indirect.gather [hbm4b:s4+s22], $0x10, s3, s22, $0xb8;
	[tilespmem:$0x16940] =	vst v63  }
0x4e: {  	_ = 	snop  }
0x4f: {  	[spmem:s2] =	stream.indirect.scatter.add.f32 [tilespmem:s28], [sflag:$0x3], $0x10, s25, s22, $0xb8;
	[tilespmem:$0x16940] =	vst v63  }
0x50: {  	_ =	swait.ge [sflag:s20], $0x7D00  }
0x51: {  	[sflag:s20] =	ssyncset.done $0x0  }
0x52: {  	[sflag:s20] =	ssyncadd.s32 $0xFFFF8300  }
0x53: {  	[tilespmem:s22], [sflag:$0x3] =	stream.linear.gather [hbm4b:s14+s3], $0x7D0, $0x38;
	[tilespmem:$0x16940] =	vst v63  }
0x54: {  	_ =	swait.ge [sflag:s20], $0x7D0  }
0x55: {  	[sflag:s20] =	ssyncset.done $0x0  }
0x56: {  	[sflag:s20] =	ssyncadd.s32 $0xFFFFF830  }
0x57: {  	[tilespmem:s25], [sflag:$0x3] =	stream.linear.gather [hbm4b:s15+s3], $0x7D0, $0x38;
	[tilespmem:$0x16940] =	vst v63  }
0x58: {  	_ =	swait.ge [sflag:s20], $0x7D0  }
0x59: {  	[sflag:s20] =	ssyncset.done $0x0  }
0x5a: {  	[sflag:s20] =	ssyncadd.s32 $0xFFFFF830  }
0x5b: {  	_ =	swait.ge [sflag:s26], $0x7D00  }
0x5c: {  	[sflag:s26] =	ssyncset.done $0x0  }
0x5d: {  	[sflag:s26] =	ssyncadd.s32 $0xFFFF8300  }
0x5e: {  	[tilespmem:s28], [sflag:$0x2] =	stream.indirect.gather [hbm4b:s4+s22], $0x10, s22, s22, $0xb8;
	[tilespmem:$0x16940] =	vst v63  }
0x5f: {  	_ = 	snop  }
0x60: {  	[spmem:s2] =	stream.indirect.scatter.add.f32 [tilespmem:s23], [sflag:$0x3], $0x10, s21, s22, $0xb8;
	[tilespmem:$0x16940] =	vst v63  }
0x61: {  	_ =	swait.ge [sflag:s20], $0x7D00  }
0x62: {  	[sflag:s20] =	ssyncset.done $0x0  }
0x63: {  	[sflag:s20] =	ssyncadd.s32 $0xFFFF8300  }
0x64: {  	[tilespmem:s3], [sflag:$0x3] =	stream.linear.gather [hbm4b:s16+s3], $0x7D0, $0x38;
	[tilespmem:$0x16940] =	vst v63  }
0x65: {  	_ =	swait.ge [sflag:s20], $0x7D0  }
0x66: {  	[sflag:s20] =	ssyncset.done $0x0  }
0x67: {  	[sflag:s20] =	ssyncadd.s32 $0xFFFFF830  }
0x68: {  	[tilespmem:s21], [sflag:$0x3] =	stream.linear.gather [hbm4b:s17+s3], $0x7D0, $0x38;
	[tilespmem:$0x16940] =	vst v63  }
0x69: {  	_ =	swait.ge [sflag:s20], $0x7D0  }
0x6a: {  	[sflag:s20] =	ssyncset.done $0x0  }
0x6b: {  	[sflag:s20] =	ssyncadd.s32 $0xFFFFF830  }
0x6c: {  	_ =	swait.ge [sflag:s29], $0x7D00  }
0x6d: {  	[sflag:s29] =	ssyncset.done $0x0  }
0x6e: {  	[sflag:s29] =	ssyncadd.s32 $0xFFFF8300  }
0x6f: {  	[tilespmem:s23], [sflag:$0x1] =	stream.indirect.gather [hbm4b:s4+s22], $0x10, s3, s22, $0xb8;
	[tilespmem:$0x16940] =	vst v63  }
0x70: {  	_ = 	snop  }
0x71: {  	[spmem:s2] =	stream.indirect.scatter.add.f32 [tilespmem:s28], [sflag:$0x3], $0x10, s25, s22, $0xb8;
	[tilespmem:$0x16940] =	vst v63  }
0x72: {  	_ =	swait.ge [sflag:s20], $0x7D00  }
0x73: {  	[sflag:s20] =	ssyncset.done $0x0  }
0x74: {  	[sflag:s20] =	ssyncadd.s32 $0xFFFF8300  }
0x75: {  	_ =	swait.ge [sflag:s26], $0x7D00  }
0x76: {  	[sflag:s26] =	ssyncset.done $0x0  }
0x77: {  	[sflag:s26] =	ssyncadd.s32 $0xFFFF8300  }
0x78: {  	[spmem:s2] =	stream.indirect.scatter.add.f32 [tilespmem:s23], [sflag:$0x3], $0x10, s21, s22, $0xb8;
	[tilespmem:$0x16940] =	vst v63  }
0x79: {  	_ =	swait.ge [sflag:s20], $0x7D00  }
0x7a: {  	[sflag:s20] =	ssyncset.done $0x0  }
0x7b: {  	[sflag:s20] =	ssyncadd.s32 $0xFFFF8300  }
0x7c: {  	[bflag:$0x0] =	sbarrier.arrive $0xFFFF  }
0x7d: {  	[tilespmem:s24], [sflag:$0x3] =	stream.linear.gather [spmem:s9], $0x2800, $0x38;
	[tilespmem:$0x16940] =	vst v63  }
0x7e: {  	s30 =	sadd.s32 $0x1, s30;
	_ =	swait.ge [sflag:s20], $0x2800  }
0x7f: {  	p2 =	sne.s32 s30, s19;
	[sflag:s20] =	ssyncset.done $0x0  }
.Ltmp1:
0x80: {  	[sflag:s20] =	ssyncadd.s32 $0xFFFFD800;
	(pc) =	sbr.rel @p2 .LBB2_1-.Ltmp1, $4  }
0x81: {  	[hbm4b:s18+s3] =	stream.linear.scatter [tilespmem:s24], [sflag:$0x3], $0x2800, $0x38;
	[tilespmem:$0x16940] =	vst v63  }
0x82: {  	_ =	swait.ge [sflag:s20], $0x2800  }
0x83: {  	[sflag:s20] =	ssyncset.done $0x0  }
0x84: {  	[sflag:s20] =	ssyncadd.s32 $0xFFFFD800  }
0x85: {  	_ =	sfence.sel $0x180000  }
0x86: {  	[bflag:$0x0] =	sbarrier.arrive $0xFFFF  }
0x87: {  	_ =	strace $0x90000047  }
0x88: {  	[bflag:$0x2] =	sbarrier.arrive $0xFFFF  }
0x89: {  	p0 =	sne.s32 s0, $0x0;
	s0 =	rddreg [dreg:$0x2]  }
0x8a: {  	s0 =	sadd.s32 @!p0 $0x100000, s0  }
0x8b: {  	[sflag:s0] =	ssyncadd.tile.s32 @!p0 $0x1;
	_ =	shalt  }
.Lfunc_end2:
_tile_overlayer_lowered:
.L_overlay_start_2:
0x8c: {  	(tag) =	ssettag $0x2  }
0x8d: {  	s0 =	rddreg [dreg:$0x0];
	s2 =	stileid.u32  }
0x8e: {  	s1 =	rddreg [dreg:$0x1];
	p0 =	sne.s32 s2, $0x0  }
0x8f: {  	s3 =	rddreg [dreg:$0x2];
	[bflag:$0x3] =	sbarrier.arrive $0xFFFF;
	s2 =	simm.s32 @!p0 $0x1C03  }
0x90: {  	[timem:s3], [sflag:s2] =	dma.local @!p0 [hbm:s0], s1  }
0x91: {  	s0 =	simm.s32 @!p0 $0x3  }
0x92: {  	_ =	swait.ge @!p0 [sflag:s0], s1  }
0x93: {  	s1 =	ssub.s32 @!p0 $0x0, s1;
	[sflag:s0] =	ssyncset.done @!p0 $0x0  }
0x94: {  	[sflag:s0] =	ssyncadd.s32 @!p0 s1  }
0x95: {  	[bflag:$0x3] =	sbarrier.arrive $0xFFFF  }
0x96: {  	_ =	shalt  }

// kernel: kernel.9.cloned.1.call-start
scs
__scs_entry_jumppad:
0x0: {  	(pc) =	sbr.rel $0x88, $3  }
0x1: {  	(tag) =	ssettag $0x0;
	lr =	simm.s32 $0x1  }
0x2: {  	[smem:$0x3F9A] =	sst lr;
	_ =	strace $0xD0000000  }
0x3: {  	_ = 	snop  }
0x4: {  	_ = 	snop  }
0x5: {  	_ = 	snop  }
0x6: {  	_ = 	snop  }
0x7: {  	_ = 	snop  }
__scs_overlays_trampoline_lowered:
0x8: {  	[smem:$0x3FA9] =	sst s0  }
0x9: {  	[smem:$0x3FAA] =	sst s1  }
0xa: {  	[smem:$0x3FAB] =	sst s2  }
0xb: {  	[smem:$0x3FAC] =	sst s3  }
0xc: {  	[smem:$0x3FAD] =	sst s4  }
0xd: {  	[smem:$0x3FAE] =	sst s5  }
0xe: {  	[smem:$0x3FAF] =	sst s6  }
0xf: {  	[smem:$0x3FB0] =	sst s7  }
0x10: {  	[smem:$0x3FB1] =	sst s8  }
0x11: {  	[smem:$0x3FB2] =	sst s9;
	s0 =	simm.s32 @!p0 $0x0  }
0x12: {  	s1 =	sld [smem:$0x3F98];
	s0 =	simm.s32 @p0 $0x1  }
0x13: {  	[smem:$0x3FB3] =	sst s0;
	s0 =	simm.s32 @!p1 $0x0  }
0x14: {  	s2 =	sld [smem:$0x3F97];
	s0 =	simm.s32 @p1 $0x1  }
0x15: {  	[smem:$0x3FB4] =	sst s0;
	s0 =	simm.s32 @!p2 $0x0  }
0x16: {  	s3 =	sld [smem:$0x3FDB];
	s0 =	simm.s32 @p2 $0x1  }
0x17: {  	s4 =	simm.s32 $0x1BF5;
	[smem:$0x3FB6] =	sst s0  }
0x18: {  	s0 =	sld [smem:$0x3F99];
	_ =	swait.ge [sflag:s4], $0x0  }
0x19: {  	s7 =	sld [smem:$0x3F9A]  }
0x1a: {  	s8 =	sadd.s32 $0xFFFFE003, lr  }
0x1b: {  	s9 =	sadd.s32 $0xFFFFFEF7, lr;
	s5 =	simm.s32 $0xFFFFFFFF;
	p2 =	slt.u32 s8, $0xFFFFF086  }
0x1c: {  	p1 =	slt.u32 s9, $0xF7A;
	s5 =	simm.s32 @!p2 $0x0  }
0x1d: {  	s5 =	simm.s32 @p1 $0x1;
	p0 =	seq.s32 s7, s2  }
0x1e: {  	s7 =	smul.u32 @!p0 $0xF7A, s2;
	p2 =	seq.s32 @!p0 s5, $0x0  }
0x1f: {  	s9 =	smul.u32 $0xF7A, s1;
	s8 =	simm.s32 @!p0 $0x1BF5;
	p2 =	por !p2, p0  }
0x20: {  	[sflag:s8] =	ssyncset.s32 @!p0 $0xFFFFF086;
	s6 =	sadd.s32 @!p0 s3, s7;
	s7 =	simm.s32 @!p0 $0x108  }
0x21: {  	s3 =	sadd.s32 s3, s9;
	s6 =	sadd.s32 @!p0 $0x88, s6;
	s7 =	simm.s32 @p2 $0x1082  }
0x22: {  	[simem:s7], [sflag:s8] =	dma.local @!p0 [hbm:s6], $0xF7A  }
0x23: {  	s9 =	sor.u32 $0xD0000000, s2;
	s6 =	simm.s32 $0x108;
	_ =	swait.ge @!p0 [sflag:s8], $0x0  }
0x24: {  	s3 =	sadd.s32 $0x88, s3;
	s6 =	simm.s32 @!p1 $0x1082;
	[sflag:s4] =	ssyncset.s32 $0xFFFFF086  }
0x25: {  	[simem:s6], [sflag:s4] =	dma.local [hbm:s3], $0xF7A  }
0x26: {  	[smem:$0x3F9A] =	sst s1;
	(tag) =	ssettag s2;
	_ =	strace s9  }
0x27: {  	s1 =	sld [smem:$0x3FAA]  }
0x28: {  	s2 =	sld [smem:$0x3FAB]  }
0x29: {  	s4 =	sld [smem:$0x3FAD]  }
0x2a: {  	p0 =	seq.s32 s5, $0x0;
	s5 =	sld [smem:$0x3FAE]  }
0x2b: {  	s6 =	sld [smem:$0x3FAF]  }
0x2c: {  	s7 =	sld [smem:$0x3FB0]  }
0x2d: {  	s3 =	simm.s32 $0x108;
	s8 =	sld [smem:$0x3FB1]  }
0x2e: {  	s3 =	simm.s32 @!p0 $0x1082;
	s9 =	sld [smem:$0x3FB2]  }
0x2f: {  	lr =	sadd.s32 s0, s3;
	s0 =	sld [smem:$0x3FA9]  }
0x30: {  	s3 =	sld [smem:$0x3FAC]  }
0x31: {  	[smem:$0x3FB5] =	sst s10  }
0x32: {  	s10 =	sld [smem:$0x3FB3];
	_ =	sdelay $0x3  }
0x33: {  	p0 =	seq.s32 s10, $0x1;
	s10 =	sld [smem:$0x3FB5];
	_ =	sdelay $0x3  }
0x34: {  	[smem:$0x3FB5] =	sst s10  }
0x35: {  	s10 =	sld [smem:$0x3FB4];
	_ =	sdelay $0x3  }
0x36: {  	p1 =	seq.s32 s10, $0x1;
	s10 =	sld [smem:$0x3FB5];
	_ =	sdelay $0x3  }
0x37: {  	[smem:$0x3FB5] =	sst s10  }
0x38: {  	s10 =	sld [smem:$0x3FB6]  }
0x39: {  	_ = 	snop;
	(pc) =	sbr.ind lr, $3  }
0x3a: {  	_ = 	snop  }
0x3b: {  	_ = 	snop  }
0x3c: {  	p2 =	seq.s32 s10, $0x1;
	s10 =	sld [smem:$0x3FB5]  }
0x3d: {  	_ =	shalt  }
0x3e: {  	_ =	shalt  }
0x3f: {  	_ =	shalt  }
0x40: {  	_ =	shalt  }
0x41: {  	_ =	shalt  }
0x42: {  	_ =	shalt  }
0x43: {  	_ =	shalt  }
0x44: {  	_ =	shalt  }
0x45: {  	_ =	shalt  }
0x46: {  	_ =	shalt  }
0x47: {  	_ =	shalt  }
0x48: {  	_ =	shalt  }
0x49: {  	_ =	shalt  }
0x4a: {  	_ =	shalt  }
0x4b: {  	_ =	shalt  }
0x4c: {  	_ =	shalt  }
0x4d: {  	_ =	shalt  }
0x4e: {  	_ =	shalt  }
0x4f: {  	_ =	shalt  }
0x50: {  	_ =	shalt  }
0x51: {  	_ =	shalt  }
0x52: {  	_ =	shalt  }
0x53: {  	_ =	shalt  }
0x54: {  	_ =	shalt  }
0x55: {  	_ =	shalt  }
0x56: {  	_ =	shalt  }
0x57: {  	_ =	shalt  }
0x58: {  	_ =	shalt  }
0x59: {  	_ =	shalt  }
0x5a: {  	_ =	shalt  }
0x5b: {  	_ =	shalt  }
0x5c: {  	_ =	shalt  }
0x5d: {  	_ =	shalt  }
0x5e: {  	_ =	shalt  }
0x5f: {  	_ =	shalt  }
0x60: {  	_ =	shalt  }
0x61: {  	_ =	shalt  }
0x62: {  	_ =	shalt  }
0x63: {  	_ =	shalt  }
0x64: {  	_ =	shalt  }
0x65: {  	_ =	shalt  }
0x66: {  	_ =	shalt  }
0x67: {  	_ =	shalt  }
0x68: {  	_ =	shalt  }
0x69: {  	_ =	shalt  }
0x6a: {  	_ =	shalt  }
0x6b: {  	_ =	shalt  }
0x6c: {  	_ =	shalt  }
0x6d: {  	_ =	shalt  }
0x6e: {  	_ =	shalt  }
0x6f: {  	_ =	shalt  }
0x70: {  	_ =	shalt  }
0x71: {  	_ =	shalt  }
0x72: {  	_ =	shalt  }
0x73: {  	_ =	shalt  }
0x74: {  	_ =	shalt  }
0x75: {  	_ =	shalt  }
0x76: {  	_ =	shalt  }
0x77: {  	_ =	shalt  }
0x78: {  	_ =	shalt  }
0x79: {  	_ =	shalt  }
0x7a: {  	_ =	shalt  }
0x7b: {  	_ =	shalt  }
0x7c: {  	_ =	shalt  }
0x7d: {  	_ =	shalt  }
0x7e: {  	_ =	shalt  }
0x7f: {  	_ =	shalt  }
0x80: {  	_ =	shalt  }
0x81: {  	_ =	shalt  }
0x82: {  	_ =	shalt  }
0x83: {  	_ =	shalt  }
0x84: {  	_ =	shalt  }
0x85: {  	_ =	shalt  }
0x86: {  	_ =	shalt  }
0x87: {  	_ =	shalt  }
.Lfunc_end0:
.L_simem_size_0:
called_computation.1_lowered:
.L_overlay_start_0:
0x88: {  	s2 =	sld [smem:$0x3FD9]  }
0x89: {  	s3 =	sld [smem:$0x3FFE];
	_ =	sdelay $0x1  }
0x8a: {  	s1 =	srdreg.scid  }
0x8b: {  	s0 =	sand.u32 $0x1, s1  }
0x8c: {  	s17 =	sshll.u32 s0, $0xA;
	s2 =	sadd.s32 s3, s2  }
0x8d: {  	s2 =	sadd.s32 s2, s17  }
0x8e: {  	[smem:$0x3FC1] =	sst s2  }
0x8f: {  	_ = 	snop  }
0x90: {  	s2 =	sld [smem:$0x3FD0];
	(tm) =	ssettm $0x1  }
0x91: {  	s18 =	sld [smem:$0x3FFB];
	_ =	sdelay $0x3  }
0x92: {  	_ =	strace s18  }
0x93: {  	s3 =	sld [smem:$0x3FFC];
	_ =	sdelay $0x3  }
0x94: {  	_ =	strace s3  }
0x95: {  	s3 =	sld [smem:$0x3FFD];
	_ =	sdelay $0x3  }
0x96: {  	_ =	strace s3  }
0x97: {  	_ =	strace $0x8FFFFFFF  }
0x98: {  	s19 =	sld [smem:$0x3FDB];
	_ =	sdelay $0x1  }
0x99: {  	s4 =	simm.s32 $_scs_section_size  }
0x9a: {  	s5 =	simm.s32 $_size__tile_overlayer_lowered;
	s6 =	simm.s32 $_tile_overlayer_lowered  }
0x9b: {  	s22 =	simm.s32 $0x1BFF;
	s21 =	sshll.u32 s6, $0x1;
	s3 =	sadd.s32 s4, s19  }
0x9c: {  	s7 =	simm.s32 $0x0;
	s20 =	sshll.u32 s5, $0x1;
	s5 =	sadd.s32 s21, s3  }
0x9d: {  	[timem:s7], [sflag:s22] =	dma.local [hbm:s5], s20  }
0x9e: {  	_ =	swait.ge [sflag:s22], s20  }
0x9f: {  	s4 =	ssub.s32 $0x0, s20;
	[sflag:s22] =	ssyncset.done $0x0  }
0xa0: {  	[sflag:s22] =	ssyncadd.s32 s4;
	_ =	sdelay $0x1  }
0xa1: {  	s23 =	simm.s32 $0x1B8B  }
0xa2: {  	_ =	swait.ge [sflag:s23], $0x1  }
0xa3: {  	[sflag:s23] =	ssyncset.done $0x0  }
0xa4: {  	s25 =	simm.s32 $0x1B8E;
	s24 =	sld [smem:$0x3FFE];
	[sflag:s23] =	ssyncadd.s32 $0xFFFFFFFF  }
0xa5: {  	s26 =	simm.s32 $execute0_lowered;
	[smem:$0x3FD2] =	sst s25  }
0xa6: {  	s5 =	sshll.u32 s26, $0x1;
	_ =	strace $0x80000049;
	[dreg:$0x1] =	wrdreg $0xFFFFFFFF  }
0xa7: {  	s28 =	simm.s32 $_size_execute0_lowered;
	s3 =	sadd.s32 s3, s5;
	[dreg:$0x0] =	wrdreg $0x0  }
0xa8: {  	s5 =	sshll.u32 s28, $0x1;
	[dreg:$0x2] =	wrdreg s3  }
0xa9: {  	[dreg:$0x3] =	wrdreg s5  }
0xaa: {  	[dreg:$0x4] =	wrdreg $0xC0  }
0xab: {  	_ =	task [dreg:s7], $0x5FFFF  }
0xac: {  	[dreg:$0x1] =	wrdreg $0xFFFFFFFF  }
0xad: {  	[dreg:$0x0] =	wrdreg $0x60  }
0xae: {  	[dreg:$0x2] =	wrdreg s24  }
0xaf: {  	[dreg:$0x3] =	wrdreg s2  }
0xb0: {  	[dreg:$0x4] =	wrdreg $0x86300  }
0xb1: {  	[dreg:$0x5] =	wrdreg $0x86500  }
0xb2: {  	[dreg:$0x6] =	wrdreg $0x88D00  }
0xb3: {  	[dreg:$0x7] =	wrdreg $0x9  }
0xb4: {  	_ =	task.clear_ibuf [dreg:s7], $0x8FFFF;
	_ =	strace $0x90000049  }
0xb5: {  	s29 =	simm.s32 $0x9;
	_ =	strace $0x8000004B  }
0xb6: {  	_ =	swait.ge [sflag:s29], $0x1  }
0xb7: {  	[sflag:s29] =	ssyncadd.s32 $0xFFFFFFFF  }
0xb8: {  	_ =	strace $0x9000004B  }
0xb9: {  	_ =	sfence  }
0xba: {  	s30 =	sld [smem:$0x0];
	_ =	sdelay $0x2  }
0xbb: {  	s31 =	sshll.u32 s1, $0xD;
	s1 =	sshrl.u32 s1, $0x2  }
0xbc: {  	s3 =	sand.u32 $0x4000, s31;
	s1 =	sadd.s32 s1, s30  }
0xbd: {  	s0 =	sor.u32 s3, s0;
	s1 =	sshll.u32 s1, $0x11  }
0xbe: {  	s0 =	sor.u32 s1, s0  }
0xbf: {  	s0 =	sadd.s32 $0x8F2B, s0  }
0xc0: {  	[sflag:s0] =	ssyncadd.remote.s32 $0x1  }
0xc1: {  	_ =	sfence.sel $0xFFFF  }
0xc2: {  	[dreg:$0x0] =	wrdreg $0xFFFFFFFF;
	(pc) =	sbr.abs _section_cstart, $3  }
0xc3: {  	[dreg:$0x1] =	wrdreg $0xFFFFFFFF  }
0xc4: {  	_ =	task.clear_ibuf [dreg:s7], $0x2FFFF;
	_ =	strace $0x9FFFFFFF  }
0xc5: {  	(tm) =	ssettm $0x7FFFFFFF  }
tec
execute0_lowered:
.L_overlay_start_1:
0x0: {  	(tag) =	ssettag $0x1  }
0x1: {  	s0 =	rddreg [dreg:$0x0]  }
0x2: {  	s11 =	stileid.u32;
	s12 =	rddreg [dreg:$0x2]  }
0x3: {  	s1 =	srdreg.scid;
	s4 =	rddreg [dreg:$0x3]  }
0x4: {  	s5 =	rddreg [dreg:$0x4];
	s6 =	simm.s32 $0x0;
	s28 =	simm.s32 $0x5750  }
0x5: {  	s1 =	sand.u32 $0x1, s1;
	s2 =	sshll.u32 s11, $0x1;
	s3 =	smul.u32 $0x2800, s11  }
0x6: {  	s7 =	smul.u32 $0x280, s11;
	[smem:$0x7FF] =	sst s6;
	s13 =	sshll.u32 s11, $0x5  }
0x7: {  	s2 =	sor.u32 s1, s2;
	s8 =	smul.u32 $0x2800, s1;
	_ =	strace $0x8000004A  }
0x8: {  	s9 =	ssub.s32 $0x2, s1;
	s2 =	smul.u32 $0x2710, s2;
	s3 =	sshrl.u32 s3, $0x3  }
0x9: {  	s10 =	sshrl.u32 s9, $0x1;
	s18 =	sadd.s32 s7, s4;
	s3 =	sadd.s32 s3, s0  }
0xa: {  	s8 =	sadd.s32 s7, s8;
	[dreg:$0xb] =	wrdreg s18;
	s2 =	sshrl.u32 s2, $0x3  }
0xb: {  	s8 =	sshrl.u32 s8, $0x3;
	s16 =	sadd.s32 $0x19C00, s3;
	s3 =	sadd.s32 $0x1EC00, s3  }
0xc: {  	s2 =	sadd.s32 s2, s0;
	s0 =	sadd.s32 s8, s0;
	[dreg:$0x8] =	wrdreg s16  }
0xd: {  	s8 =	ssub.s32 s9, s10;
	[dreg:$0x9] =	wrdreg s3;
	s14 =	sadd.s32 $0x6200, s2  }
0xe: {  	s9 =	sadd.s32 s13, s12;
	s15 =	sadd.s32 $0xFE40, s2;
	[dreg:$0x6] =	wrdreg s14  }
0xf: {  	s29 =	simm.s32 $0x3;
	s17 =	sadd.s32 $0x10, s9;
	[dreg:$0x7] =	wrdreg s15  }
0x10: {  	s30 =	simm.s32 $0x66F0;
	s19 =	sadd.s32 $0x62FA, s2;
	[dreg:$0xa] =	wrdreg s17  }
0x11: {  	s31 =	simm.s32 $0x7690;
	s20 =	sadd.s32 $0xFF3A, s2;
	[dreg:$0xc] =	wrdreg s19  }
0x12: {  	p0 =	seq.s32 s1, $0x0;
	s21 =	sadd.s32 $0x63F4, s2;
	[dreg:$0xd] =	wrdreg s20  }
0x13: {  	s1 =	simm.s32 $0x1;
	s22 =	sadd.s32 $0x10034, s2;
	[dreg:$0xe] =	wrdreg s21  }
0x14: {  	s3 =	simm.s32 $0x5F20;
	s23 =	sadd.s32 $0x64EE, s2;
	[dreg:$0xf] =	wrdreg s22  }
0x15: {  	s10 =	simm.s32 $0x0;
	s24 =	sadd.s32 $0x1012E, s2;
	[dreg:$0x10] =	wrdreg s23  }
0x16: {  	s25 =	sadd.s32 $0x65E8, s2;
	s26 =	sadd.s32 $0x10228, s2;
	[dreg:$0x11] =	wrdreg s24  }
0x17: {  	s2 =	simm.s32 $0x7E60;
	s14 =	sadd.s32 s7, s5;
	[dreg:$0x12] =	wrdreg s25  }
0x18: {  	[dreg:$0x13] =	wrdreg s26;
	s23 =	simm.s32 $0x5250;
	s24 =	sadd.s32 $0x1200, s0  }
0x19: {  	s25 =	smax.u32 s8, $0x1;
	s26 =	simm.s32 $0x7D0;
	s0 =	simm.s32 $0x6EC0  }
0x1a: {  	v0 =	vlaneseq.u32;
	v1 =	vimm.f32 $0.0e+00;
	s7 =	simm.s32 $0x2;
	s8 =	simm.s32 $0x54D0;
	s23 =	simm.s32 @!p0 $0x54D0  }
.LBB2_1:
0x1b: {  	s11 =	rddreg [dreg:$0x6]  }
0x1c: {  	[tilespmem:s28], [sflag:$0x3] =	stream.linear.gather [hbm4b:s11+s6], $0x7D0, $0x38;
	[tilespmem:$0x8B50] =	vst v63  }
0x1d: {  	_ =	swait.ge [sflag:s29], $0x7D0  }
0x1e: {  	[sflag:s29] =	ssyncset.done $0x0  }
0x1f: {  	s18 =	rddreg [dreg:$0x7];
	[sflag:s29] =	ssyncadd.s32 $0xFFFFF830  }
0x20: {  	[tilespmem:s30], [sflag:$0x3] =	stream.linear.gather [hbm4b:s18+s6], $0x7D0, $0x38;
	[tilespmem:$0x8B50] =	vst v63  }
0x21: {  	_ =	swait.ge [sflag:s29], $0x7D0  }
0x22: {  	[sflag:s29] =	ssyncset.done $0x0  }
0x23: {  	s19 =	rddreg [dreg:$0x8];
	[sflag:s29] =	ssyncadd.s32 $0xFFFFF830  }
0x24: {  	[tilespmem:s6], [sflag:$0x3] =	stream.linear.gather [hbm4b:s19+s6], $0x2800, $0x38;
	[tilespmem:$0x8B50] =	vst v63  }
0x25: {  	_ =	swait.ge [sflag:s29], $0x2800  }
0x26: {  	[sflag:s29] =	ssyncset.done $0x0  }
0x27: {  	s12 =	simm.s32 $0x2800;
	s20 =	rddreg [dreg:$0x9];
	[sflag:s29] =	ssyncadd.s32 $0xFFFFD800  }
0x28: {  	[tilespmem:s12], [sflag:$0x3] =	stream.linear.gather [hbm4b:s20+s6], $0x2800, $0x38;
	[tilespmem:$0x8B50] =	vst v63  }
0x29: {  	_ =	swait.ge [sflag:s29], $0x2800  }
0x2a: {  	[sflag:s29] =	ssyncset.done $0x0  }
0x2b: {  	[sflag:s29] =	ssyncadd.s32 $0xFFFFD800  }
0x2c: {  	s22 =	simm.s32 $0x5220;
	s21 =	rddreg [dreg:$0x1]  }
0x2d: {  	[tilespmem:s22], [sflag:$0x3] =	stream.linear.gather [hbm4b:s21+s6], $0x30, $0x38;
	[tilespmem:$0x8B50] =	vst v63  }
0x2e: {  	_ =	swait.ge [sflag:s29], $0x30  }
0x2f: {  	[sflag:s29] =	ssyncset.done $0x0  }
0x30: {  	s11 =	simm.s32 $0x0;
	[sflag:s29] =	ssyncadd.s32 $0xFFFFFFD0  }
0x31: {  	v2 =	vld [tilespmem:s11+$0x0]  }
0x32: {  	v3 =	vld [tilespmem:s11+$0x2800];
	_ =	sdelay $0x4  }
0x33: {  	s13 =	simm.s32 $0x80;
	s12 =	simm.s32 $0x40;
	v4 =	vadd.f32 v3, v2;
	v2 =	vimm.f32 $0.0e+00;
	v3 =	vimm.f32 $0.0e+00  }
.LBB2_2:
0x34: {  	p0 =	sne.s32 s13, $0x9FC0;
	s15 =	sshra.s32 s12, $0x2;
	s12 =	smov.u32 s13  }
0x35: {  	v5 =	vld [tilespmem:s15+$0x0];
	[tilespmem:s11+$0x2800] =	vst v4;
	v2 =	vadd.f32 v4, v2;
	v4 =	vmul.f32 v4, v4;
	s11 =	smov.u32 s15  }
0x36: {  	v6 =	vld [tilespmem:s11+$0x2800]  }
.Ltmp0:
0x37: {  	v3 =	vadd.f32 v4, v3;
	(pc) =	sbr.rel @p0 .LBB2_2-.Ltmp0, $2  }
0x38: {  	_ =	sdelay $0x2  }
0x39: {  	s13 =	sadd.s32 $0x40, s13;
	v4 =	vadd.f32 v6, v5  }
0x3a: {  	s12 =	sshra.s32 s12, $0x2  }
0x3b: {  	v5 =	vld [tilespmem:s12+$0x0];
	[tilespmem:s11+$0x2800] =	vst v4  }
0x3c: {  	v6 =	vld [tilespmem:s12+$0x2800];
	_ =	sdelay $0x4  }
0x3d: {  	v7 =	vmul.f32 v4, v4;
	v5 =	vadd.f32 v6, v5  }
0x3e: {  	v2 =	vadd.f32 v4, v2  }
0x3f: {  	v3 =	vadd.f32 v7, v3;
	v4 =	vmul.f32 v5, v5  }
0x40: {  	v2 =	vadd.f32 v5, v2  }
0x41: {  	[tilespmem:s12+$0x2800] =	vst v5;
	v3 =	vadd.f32 v4, v3  }
0x42: {  	[tilespmem:$0x5000] =	vst v2  }
0x43: {  	s18 =	simm.s32 $0x5000;
	[tilespmem:$0x5010] =	vst v3  }
0x44: {  	[spmem:s9] =	stream.linear.scatter [tilespmem:s18], [sflag:$0x3], $0x10, $0x38;
	[tilespmem:$0x8B50] =	vst v63  }
0x45: {  	_ =	swait.ge [sflag:s29], $0x10  }
0x46: {  	[sflag:s29] =	ssyncset.done $0x0  }
0x47: {  	s20 =	simm.s32 $0x5010;
	s19 =	rddreg [dreg:$0xa];
	[sflag:s29] =	ssyncadd.s32 $0xFFFFFFF0  }
0x48: {  	[spmem:s19] =	stream.linear.scatter [tilespmem:s20], [sflag:$0x3], $0x10, $0x38;
	[tilespmem:$0x8B50] =	vst v63  }
0x49: {  	_ =	swait.ge [sflag:s29], $0x10  }
0x4a: {  	[sflag:s29] =	ssyncset.done $0x0  }
0x4b: {  	[sflag:s29] =	ssyncadd.s32 $0xFFFFFFF0  }
0x4c: {  	[bflag:$0x0] =	sbarrier.arrive $0xFFFF  }
0x4d: {  	s22 =	simm.s32 $0x5020;
	s21 =	rddreg [dreg:$0x2]  }
0x4e: {  	[tilespmem:s22], [sflag:$0x3] =	stream.linear.gather [spmem:s21], $0x200, $0x38;
	[tilespmem:$0x8B50] =	vst v63  }
0x4f: {  	_ =	swait.ge [sflag:s29], $0x200  }
0x50: {  	[sflag:s29] =	ssyncset.done $0x0  }
0x51: {  	[sflag:s29] =	ssyncadd.s32 $0xFFFFFE00  }
0x52: {  	v2 =	vld [tilespmem:$0x5020]  }
0x53: {  	v3 =	vld [tilespmem:$0x5030]  }
0x54: {  	v4 =	vld [tilespmem:$0x5040]  }
0x55: {  	v5 =	vld [tilespmem:$0x5050]  }
0x56: {  	v6 =	vld [tilespmem:$0x5060]  }
0x57: {  	v7 =	vld [tilespmem:$0x5070];
	v2 =	vadd.f32 $0.0e+00, v2  }
0x58: {  	v8 =	vld [tilespmem:$0x5080]  }
0x59: {  	v9 =	vld [tilespmem:$0x50A0];
	v3 =	vadd.f32 $0.0e+00, v3;
	v2 =	vadd.f32 v4, v2  }
0x5a: {  	v4 =	vld [tilespmem:$0x5090]  }
0x5b: {  	v3 =	vadd.f32 v5, v3;
	v5 =	vld [tilespmem:$0x50B0];
	v2 =	vadd.f32 v6, v2  }
0x5c: {  	v6 =	vld [tilespmem:$0x50C0]  }
0x5d: {  	v57 =	vld [tilespmem:$0x50E0];
	v3 =	vadd.f32 v7, v3;
	v2 =	vadd.f32 v8, v2  }
0x5e: {  	v7 =	vld [tilespmem:$0x50D0]  }
0x5f: {  	v58 =	vld [tilespmem:$0x5100];
	v3 =	vadd.f32 v4, v3;
	v2 =	vadd.f32 v9, v2  }
0x60: {  	v4 =	vld [tilespmem:$0x50F0]  }
0x61: {  	v3 =	vadd.f32 v5, v3;
	v5 =	vld [tilespmem:$0x5110];
	v2 =	vadd.f32 v6, v2  }
0x62: {  	v6 =	vld [tilespmem:$0x5120]  }
0x63: {  	v59 =	vld [tilespmem:$0x5140];
	v3 =	vadd.f32 v7, v3;
	v2 =	vadd.f32 v57, v2  }
0x64: {  	v7 =	vld [tilespmem:$0x5130]  }
0x65: {  	v60 =	vld [tilespmem:$0x5160];
	v3 =	vadd.f32 v4, v3;
	v2 =	vadd.f32 v58, v2  }
0x66: {  	v4 =	vld [tilespmem:$0x5150]  }
0x67: {  	v3 =	vadd.f32 v5, v3;
	v5 =	vld [tilespmem:$0x5170];
	v2 =	vadd.f32 v6, v2  }
0x68: {  	v6 =	vld [tilespmem:$0x5180]  }
0x69: {  	v61 =	vld [tilespmem:$0x51A0];
	v3 =	vadd.f32 v7, v3;
	v2 =	vadd.f32 v59, v2  }
0x6a: {  	v7 =	vld [tilespmem:$0x5190]  }
0x6b: {  	v62 =	vld [tilespmem:$0x51C0];
	v3 =	vadd.f32 v4, v3;
	v2 =	vadd.f32 v60, v2  }
0x6c: {  	v4 =	vld [tilespmem:$0x51B0]  }
0x6d: {  	v3 =	vadd.f32 v5, v3;
	v5 =	vld [tilespmem:$0x51D0];
	v2 =	vadd.f32 v6, v2  }
0x6e: {  	v6 =	vld [tilespmem:$0x51E0]  }
0x6f: {  	v63 =	vld [tilespmem:$0x5200];
	v3 =	vadd.f32 v7, v3;
	v2 =	vadd.f32 v61, v2  }
0x70: {  	v7 =	vld [tilespmem:$0x51F0]  }
0x71: {  	v3 =	vadd.f32 v4, v3;
	v2 =	vadd.f32 v62, v2  }
0x72: {  	v4 =	vld [tilespmem:$0x5210]  }
0x73: {  	v3 =	vadd.f32 v5, v3;
	v2 =	vadd.f32 v6, v2;
	_ =	sdelay $0x1  }
0x74: {  	v3 =	vadd.f32 v7, v3;
	v2 =	vadd.f32 v63, v2;
	_ =	sdelay $0x1  }
0x75: {  	v3 =	vadd.f32 v4, v3;
	v4 =	vmul.f32 $9.999999740e-05, v2;
	_ =	sdelay $0x1  }
0x76: {  	v2 =	vmul.f32 $9.999999740e-05, v3;
	v3 =	vmul.f32 v4, v4;
	_ =	sdelay $0x1  }
0x77: {  	v2 =	vsub.f32 v2, v3;
	_ =	sdelay $0x1  }
0x78: {  	v2 =	vadd.f32 $9.999999740e-06, v2;
	_ =	sdelay $0x1  }
0x79: {  	v3 =	vshra.s32 v2, $0x1;
	v2 =	vmul.f32 $5.000000000e-01, v2  }
0x7a: {  	v3 =	vsub.s32 $0x5F3759DF, v3  }
0x7b: {  	v5 =	vmul.f32 v3, v2;
	_ =	sdelay $0x1  }
0x7c: {  	v5 =	vmul.f32 v3, v5;
	_ =	sdelay $0x1  }
0x7d: {  	v5 =	vsub.f32 $1.500000000e+00, v5;
	_ =	sdelay $0x1  }
0x7e: {  	v3 =	vmul.f32 v3, v5;
	_ =	sdelay $0x1  }
0x7f: {  	v5 =	vmul.f32 v3, v2;
	_ =	sdelay $0x1  }
0x80: {  	v5 =	vmul.f32 v5, v3;
	_ =	sdelay $0x1  }
0x81: {  	v5 =	vsub.f32 $1.500000000e+00, v5;
	_ =	sdelay $0x1  }
0x82: {  	v3 =	vmul.f32 v5, v3;
	_ =	sdelay $0x1  }
0x83: {  	v2 =	vmul.f32 v3, v2;
	_ =	sdelay $0x1  }
0x84: {  	v2 =	vmul.f32 v2, v3  }
0x85: {  	v5 =	vld [tilespmem:$0x5220]  }
0x86: {  	v2 =	vsub.f32 $1.500000000e+00, v2;
	_ =	sdelay $0x1  }
0x87: {  	v2 =	vmul.f32 v2, v3  }
0x88: {  	v3 =	vld [tilespmem:$0x5230]  }
0x89: {  	v2 =	vmul.f32 v5, v2;
	_ =	sdelay $0x1  }
0x8a: {  	v4 =	vmul.f32 v2, v4;
	_ =	sdelay $0x1  }
0x8b: {  	v3 =	vsub.f32 v3, v4;
	v4 =	vld [tilespmem:$0x5240];
	_ =	sdelay $0x3  }
0x8c: {  	s11 =	simm.s32 $0x0;
	s12 =	simm.s32 $0x2800  }
.LBB2_4:
0x8d: {  	v5 =	vld [tilespmem:s12+$0x0]  }
0x8e: {  	s13 =	sadd.s32 $0x10, s12  }
0x8f: {  	v6 =	vld [tilespmem:s13+$0x0];
	_ =	sdelay $0x2  }
0x90: {  	v5 =	vmul.f32 v5, v2;
	_ =	sdelay $0x1  }
0x91: {  	v6 =	vmul.f32 v6, v2;
	v5 =	vadd.f32 v5, v3;
	_ =	sdelay $0x1  }
0x92: {  	s13 =	sadd.s32 $0x10, s13;
	v8 =	vadd.f32 v6, v3;
	v6 =	vmul.f32 $1.442695020e+00, v5  }
0x93: {  	v7 =	vld [tilespmem:s13+$0x0]  }
0x94: {  	(erf) = vpow2.f32 v6;
	_ =	sdelay $0x2  }
0x95: {  	v9 =	vmul.f32 $1.442695020e+00, v8  }
0x96: {  	v7 =	vmul.f32 v7, v2  }
0x97: {  	(erf) = vpow2.f32 v9  }
0x98: {  	s13 =	sadd.s32 $0x10, s13;
	v10 =	vadd.f32 v7, v3  }
0x99: {  	v7 =	vld [tilespmem:s13+$0x0]  }
0x9a: {  	v6 =	vmul.f32 $1.442695020e+00, v10  }
0x9b: {  	s13 =	sadd.s32 $0x10, s13;
	v9 =	vpop (erf)  }
0x9c: {  	(erf) = vpow2.f32 v6;
	v6 =	vld [tilespmem:s13+$0x0];
	v9 =	vadd.f32 $-1.000000000e+00, v9  }
0x9d: {  	vm0 =	vgt.f32 v5, $0.0e+00  }
0x9e: {  	v7 =	vmul.f32 v7, v2;
	v5 =	vsel vm0, v5, v9  }
0x9f: {  	v5 =	vmul.f32 v5, v4  }
0xa0: {  	v7 =	vadd.f32 v7, v3;
	v11 =	vpop (erf)  }
0xa1: {  	v6 =	vmul.f32 v6, v2;
	v11 =	vadd.f32 $-1.000000000e+00, v11;
	(xrf2) =	vadd.scan.msk.f32 $0xffff, v5  }
0xa2: {  	vm14 =	vgt.f32 v8, $0.0e+00;
	v9 =	vmul.f32 $1.442695020e+00, v7  }
0xa3: {  	v6 =	vadd.f32 v6, v3;
	v8 =	vsel vm14, v8, v11  }
0xa4: {  	s19 =	sadd.s32 $0x10, s13;
	v8 =	vmul.f32 v8, v4;
	(erf) = vpow2.f32 v9  }
0xa5: {  	v12 =	vld [tilespmem:s19+$0x0];
	v13 =	vmul.f32 $1.442695020e+00, v6  }
0xa6: {  	(xrf2) =	vadd.scan.msk.f32 $0xffff, v8  }
0xa7: {  	v11 =	vpop (erf);
	(erf) = vpow2.f32 v13  }
0xa8: {  	s18 =	simm.s32 $0x1;
	s16 =	simm.s32 $0x2;
	v11 =	vadd.f32 $-1.000000000e+00, v11  }
0xa9: {  	s17 =	simm.s32 $0x3;
	s15 =	simm.s32 $0x5;
	s20 =	simm.s32 $0x6;
	vm15 =	vgt.f32 v10, $0.0e+00  }
0xaa: {  	s21 =	sadd.s32 $0x10, s19;
	s19 =	simm.s32 $0x0;
	s13 =	simm.s32 $0x4;
	v5 =	vimm.f32 $0.0e+00;
	v8 =	vmul.f32 v12, v2;
	v9 =	vsel vm15, v10, v11  }
.LBB2_5:
0xab: {  	v10 =	vld [tilespmem:s21+$0x0];
	p0 =	sne.s32 s20, $0xF;
	v9 =	vmul.f32 v9, v4;
	v11, _, _ =	vpop (xrf2);
	s22 =	smov.u32 s20;
	s20 =	sadd.s32 $0x1, s20  }
.Ltmp1:
0xac: {  	v12 =	vadd.f32 v8, v3;
	v8 =	vmov s19;
	v11 =	vbroadcast v11, $0xF;
	s19 =	smov.u32 s18;
	s18 =	smov.u32 s16;
	(pc) =	sbr.rel @p0 .LBB2_5-.Ltmp1, $4  }
0xad: {  	s16 =	smov.u32 s17;
	s17 =	smov.u32 s13;
	s13 =	smov.u32 s15;
	v13 =	vpop (erf);
	(xrf2) =	vadd.scan.msk.f32 $0xffff, v9;
	vm0 =	veq.s32 v8, v0  }
0xae: {  	s15 =	smov.u32 s22;
	v9 =	vmul.f32 $1.442695020e+00, v12;
	v13 =	vadd.f32 $-1.000000000e+00, v13;
	v5 =	vsel vm0, v11, v5  }
0xaf: {  	vm0 =	vgt.f32 v7, $0.0e+00  }
0xb0: {  	s21 =	sadd.s32 $0x10, s21;
	v8 =	vmul.f32 v10, v2;
	(erf) = vpow2.f32 v9;
	v9 =	vsel vm0, v7, v13;
	v7 =	vmovc v6;
	v6 =	vmovc v12  }
0xb1: {  	_ = 	snop  }
0xb2: {  	v8 =	vadd.f32 v8, v3;
	_ =	sdelay $0x1  }
0xb3: {  	v10 =	vmul.f32 $1.442695020e+00, v8;
	_ =	sdelay $0x1  }
0xb4: {  	(erf) = vpow2.f32 v10;
	_ =	sdelay $0x5  }
0xb5: {  	v57 =	vpop (erf)  }
0xb6: {  	v10 =	vadd.f32 $-1.000000000e+00, v57  }
0xb7: {  	vm0 =	vgt.f32 v7, $0.0e+00;
	v11 =	vpop (erf)  }
0xb8: {  	v9 =	vmul.f32 v9, v4;
	v7 =	vsel vm0, v7, v10;
	v58 =	vadd.f32 $-1.000000000e+00, v11;
	v59 =	vpop (erf)  }
0xb9: {  	vm8 =	vgt.f32 v6, $0.0e+00;
	v7 =	vmul.f32 v7, v4;
	v11 =	vadd.f32 $-1.000000000e+00, v59  }
0xba: {  	(xrf2) =	vadd.scan.msk.f32 $0xffff, v9;
	vm9 =	vgt.f32 v8, $0.0e+00;
	v6 =	vsel vm8, v6, v58  }
0xbb: {  	(xrf2) =	vadd.scan.msk.f32 $0xffff, v7;
	v6 =	vmul.f32 v6, v4;
	v7 =	vsel vm9, v8, v11  }
0xbc: {  	v7 =	vmul.f32 v7, v4  }
0xbd: {  	(xrf2) =	vadd.scan.msk.f32 $0xffff, v6  }
0xbe: {  	(xrf2) =	vadd.scan.msk.f32 $0xffff, v7  }
0xbf: {  	v6, _, _ =	vpop (xrf2)  }
0xc0: {  	v60 =	vmov s19;
	v6 =	vbroadcast v6, $0xF;
	v7, _, _ =	vpop (xrf2)  }
0xc1: {  	v61 =	vmov s18;
	vm10 =	veq.s32 v60, v0;
	v7 =	vbroadcast v7, $0xF  }
0xc2: {  	vm11 =	veq.s32 v61, v0;
	v5 =	vsel vm10, v6, v5  }
0xc3: {  	v5 =	vsel vm11, v7, v5;
	v7 =	vmov s16  }
0xc4: {  	v9, _, _ =	vpop (xrf2);
	vm12 =	veq.s32 v7, v0;
	v7 =	vmov s17  }
0xc5: {  	v6, _, _ =	vpop (xrf2);
	v62 =	vbroadcast v9, $0xF  }
0xc6: {  	s22 =	sshll.u32 s11, $0x4;
	s11 =	sadd.s32 $0x1, s11;
	v6 =	vbroadcast v6, $0xF  }
0xc7: {  	p0 =	sne.s32 s11, $0x28;
	v5 =	vsel vm12, v62, v5;
	vm13 =	veq.s32 v7, v0;
	v7, _, _ =	vpop (xrf2)  }
.Ltmp2:
0xc8: {  	v5 =	vsel vm13, v6, v5;
	v6 =	vmov s13;
	v7 =	vbroadcast v7, $0xF;
	v63, _, _ =	vpop (xrf2);
	(pc) =	sbr.rel @p0 .LBB2_4-.Ltmp2, $4  }
0xc9: {  	vm14 =	veq.s32 v6, v0;
	v6 =	vmov s15;
	v8 =	vbroadcast v63, $0xF  }
0xca: {  	vm15 =	veq.s32 v6, v0;
	v5 =	vsel vm14, v7, v5  }
0xcb: {  	s13 =	sand.u32 $0x3FFFFFF0, s22;
	v5 =	vsel vm15, v8, v5  }
0xcc: {  	s12 =	sadd.s32 $0x100, s12;
	[tilespmem:s13+$0x5250] =	vst v5  }
0xcd: {  	[tilespmem:$0x54D0] =	vst v1  }
0xce: {  	[tilespmem:$0x54E0] =	vst v1  }
0xcf: {  	[tilespmem:$0x54F0] =	vst v1  }
0xd0: {  	[tilespmem:$0x5500] =	vst v1  }
0xd1: {  	[tilespmem:$0x5510] =	vst v1  }
0xd2: {  	[tilespmem:$0x5520] =	vst v1  }
0xd3: {  	[tilespmem:$0x5530] =	vst v1  }
0xd4: {  	[tilespmem:$0x5540] =	vst v1  }
0xd5: {  	[tilespmem:$0x5550] =	vst v1  }
0xd6: {  	[tilespmem:$0x5560] =	vst v1  }
0xd7: {  	[tilespmem:$0x5570] =	vst v1  }
0xd8: {  	[tilespmem:$0x5580] =	vst v1  }
0xd9: {  	[tilespmem:$0x5590] =	vst v1  }
0xda: {  	[tilespmem:$0x55A0] =	vst v1  }
0xdb: {  	[tilespmem:$0x55B0] =	vst v1  }
0xdc: {  	[tilespmem:$0x55C0] =	vst v1  }
0xdd: {  	[tilespmem:$0x55D0] =	vst v1  }
0xde: {  	[tilespmem:$0x55E0] =	vst v1  }
0xdf: {  	[tilespmem:$0x55F0] =	vst v1  }
0xe0: {  	[tilespmem:$0x5600] =	vst v1  }
0xe1: {  	[tilespmem:$0x5610] =	vst v1  }
0xe2: {  	[tilespmem:$0x5620] =	vst v1  }
0xe3: {  	[tilespmem:$0x5630] =	vst v1  }
0xe4: {  	[tilespmem:$0x5640] =	vst v1  }
0xe5: {  	[tilespmem:$0x5650] =	vst v1  }
0xe6: {  	[tilespmem:$0x5660] =	vst v1  }
0xe7: {  	[tilespmem:$0x5670] =	vst v1  }
0xe8: {  	[tilespmem:$0x5680] =	vst v1  }
0xe9: {  	[tilespmem:$0x5690] =	vst v1  }
0xea: {  	[tilespmem:$0x56A0] =	vst v1  }
0xeb: {  	[tilespmem:$0x56B0] =	vst v1  }
0xec: {  	[tilespmem:$0x56C0] =	vst v1  }
0xed: {  	[tilespmem:$0x56D0] =	vst v1  }
0xee: {  	[tilespmem:$0x56E0] =	vst v1  }
0xef: {  	[tilespmem:$0x56F0] =	vst v1  }
0xf0: {  	[tilespmem:$0x5700] =	vst v1  }
0xf1: {  	[tilespmem:$0x5710] =	vst v1  }
0xf2: {  	[tilespmem:$0x5720] =	vst v1  }
0xf3: {  	[tilespmem:$0x5730] =	vst v1  }
0xf4: {  	[tilespmem:$0x5740] =	vst v1;
	s11 =	rddreg [dreg:$0xb];
	s12 =	simm.s32 $0x5250  }
0xf5: {  	[spmem:s11] =	stream.linear.scatter [tilespmem:s12], [sflag:$0x3], $0x280, $0x38;
	[tilespmem:$0x8B50] =	vst v63  }
0xf6: {  	_ =	swait.ge [sflag:s29], $0x280  }
0xf7: {  	[sflag:s29] =	ssyncset.done $0x0  }
0xf8: {  	[sflag:s29] =	ssyncadd.s32 $0xFFFFFD80  }
0xf9: {  	[spmem:s14] =	stream.linear.scatter [tilespmem:s23], [sflag:$0x3], $0x280, $0x38;
	[tilespmem:$0x8B50] =	vst v63  }
0xfa: {  	_ =	swait.ge [sflag:s29], $0x280  }
0xfb: {  	[sflag:s29] =	ssyncset.done $0x0  }
0xfc: {  	[sflag:s29] =	ssyncadd.s32 $0xFFFFFD80  }
0xfd: {  	[bflag:$0x0] =	sbarrier.arrive $0xFFFF  }
0xfe: {  	[tilespmem:s31], [sflag:$0x1] =	stream.indirect.gather [spmem:s4], $0x1, s28, s26, $0xb8;
	[tilespmem:$0x8B50] =	vst v63  }
0xff: {  	s15 =	rddreg [dreg:$0xc]  }
0x100: {  	[tilespmem:s3], [sflag:$0x3] =	stream.linear.gather [hbm4b:s15+s6], $0x7D0, $0x38;
	[tilespmem:$0x8B50] =	vst v63  }
0x101: {  	_ =	swait.ge [sflag:s29], $0x7D0  }
0x102: {  	[sflag:s29] =	ssyncset.done $0x0  }
0x103: {  	s16 =	rddreg [dreg:$0xd];
	[sflag:s29] =	ssyncadd.s32 $0xFFFFF830  }
0x104: {  	[tilespmem:s0], [sflag:$0x3] =	stream.linear.gather [hbm4b:s16+s6], $0x7D0, $0x38;
	[tilespmem:$0x8B50] =	vst v63  }
0x105: {  	_ =	swait.ge [sflag:s29], $0x7D0  }
0x106: {  	[sflag:s29] =	ssyncset.done $0x0  }
0x107: {  	[sflag:s29] =	ssyncadd.s32 $0xFFFFF830  }
0x108: {  	_ =	swait.ge [sflag:s1], $0x7D0  }
0x109: {  	[sflag:s1] =	ssyncset.done $0x0  }
0x10a: {  	[sflag:s1] =	ssyncadd.s32 $0xFFFFF830  }
0x10b: {  	[tilespmem:s2], [sflag:$0x2] =	stream.indirect.gather [spmem:s4], $0x1, s3, s26, $0xb8;
	[tilespmem:$0x8B50] =	vst v63  }
0x10c: {  	_ = 	snop  }
0x10d: {  	[spmem:s5] =	stream.indirect.scatter.add.f32 [tilespmem:s31], [sflag:$0x3], $0x1, s30, s26, $0xb8;
	[tilespmem:$0x8B50] =	vst v63  }
0x10e: {  	_ =	swait.ge [sflag:s29], $0x7D0  }
0x10f: {  	[sflag:s29] =	ssyncset.done $0x0  }
0x110: {  	s17 =	rddreg [dreg:$0xe];
	[sflag:s29] =	ssyncadd.s32 $0xFFFFF830  }
0x111: {  	[tilespmem:s28], [sflag:$0x3] =	stream.linear.gather [hbm4b:s17+s6], $0x7D0, $0x38;
	[tilespmem:$0x8B50] =	vst v63  }
0x112: {  	_ =	swait.ge [sflag:s29], $0x7D0  }
0x113: {  	[sflag:s29] =	ssyncset.done $0x0  }
0x114: {  	s18 =	rddreg [dreg:$0xf];
	[sflag:s29] =	ssyncadd.s32 $0xFFFFF830  }
0x115: {  	[tilespmem:s30], [sflag:$0x3] =	stream.linear.gather [hbm4b:s18+s6], $0x7D0, $0x38;
	[tilespmem:$0x8B50] =	vst v63  }
0x116: {  	_ =	swait.ge [sflag:s29], $0x7D0  }
0x117: {  	[sflag:s29] =	ssyncset.done $0x0  }
0x118: {  	[sflag:s29] =	ssyncadd.s32 $0xFFFFF830  }
0x119: {  	_ =	swait.ge [sflag:s7], $0x7D0  }
0x11a: {  	[sflag:s7] =	ssyncset.done $0x0  }
0x11b: {  	[sflag:s7] =	ssyncadd.s32 $0xFFFFF830  }
0x11c: {  	[tilespmem:s31], [sflag:$0x1] =	stream.indirect.gather [spmem:s4], $0x1, s28, s26, $0xb8;
	[tilespmem:$0x8B50] =	vst v63  }
0x11d: {  	_ = 	snop  }
0x11e: {  	[spmem:s5] =	stream.indirect.scatter.add.f32 [tilespmem:s2], [sflag:$0x3], $0x1, s0, s26, $0xb8;
	[tilespmem:$0x8B50] =	vst v63  }
0x11f: {  	_ =	swait.ge [sflag:s29], $0x7D0  }
0x120: {  	[sflag:s29] =	ssyncset.done $0x0  }
0x121: {  	s19 =	rddreg [dreg:$0x10];
	[sflag:s29] =	ssyncadd.s32 $0xFFFFF830  }
0x122: {  	[tilespmem:s3], [sflag:$0x3] =	stream.linear.gather [hbm4b:s19+s6], $0x7D0, $0x38;
	[tilespmem:$0x8B50] =	vst v63  }
0x123: {  	_ =	swait.ge [sflag:s29], $0x7D0  }
0x124: {  	[sflag:s29] =	ssyncset.done $0x0  }
0x125: {  	s20 =	rddreg [dreg:$0x11];
	[sflag:s29] =	ssyncadd.s32 $0xFFFFF830  }
0x126: {  	[tilespmem:s0], [sflag:$0x3] =	stream.linear.gather [hbm4b:s20+s6], $0x7D0, $0x38;
	[tilespmem:$0x8B50] =	vst v63  }
0x127: {  	_ =	swait.ge [sflag:s29], $0x7D0  }
0x128: {  	[sflag:s29] =	ssyncset.done $0x0  }
0x129: {  	[sflag:s29] =	ssyncadd.s32 $0xFFFFF830  }
0x12a: {  	_ =	swait.ge [sflag:s1], $0x7D0  }
0x12b: {  	[sflag:s1] =	ssyncset.done $0x0  }
0x12c: {  	[sflag:s1] =	ssyncadd.s32 $0xFFFFF830  }
0x12d: {  	[tilespmem:s2], [sflag:$0x2] =	stream.indirect.gather [spmem:s4], $0x1, s3, s26, $0xb8;
	[tilespmem:$0x8B50] =	vst v63  }
0x12e: {  	_ = 	snop  }
0x12f: {  	[spmem:s5] =	stream.indirect.scatter.add.f32 [tilespmem:s31], [sflag:$0x3], $0x1, s30, s26, $0xb8;
	[tilespmem:$0x8B50] =	vst v63  }
0x130: {  	_ =	swait.ge [sflag:s29], $0x7D0  }
0x131: {  	[sflag:s29] =	ssyncset.done $0x0  }
0x132: {  	s21 =	rddreg [dreg:$0x12];
	[sflag:s29] =	ssyncadd.s32 $0xFFFFF830  }
0x133: {  	[tilespmem:s28], [sflag:$0x3] =	stream.linear.gather [hbm4b:s21+s6], $0x7D0, $0x38;
	[tilespmem:$0x8B50] =	vst v63  }
0x134: {  	_ =	swait.ge [sflag:s29], $0x7D0  }
0x135: {  	[sflag:s29] =	ssyncset.done $0x0  }
0x136: {  	s22 =	rddreg [dreg:$0x13];
	[sflag:s29] =	ssyncadd.s32 $0xFFFFF830  }
0x137: {  	[tilespmem:s30], [sflag:$0x3] =	stream.linear.gather [hbm4b:s22+s6], $0x7D0, $0x38;
	[tilespmem:$0x8B50] =	vst v63  }
0x138: {  	_ =	swait.ge [sflag:s29], $0x7D0  }
0x139: {  	[sflag:s29] =	ssyncset.done $0x0  }
0x13a: {  	[sflag:s29] =	ssyncadd.s32 $0xFFFFF830  }
0x13b: {  	_ =	swait.ge [sflag:s7], $0x7D0  }
0x13c: {  	[sflag:s7] =	ssyncset.done $0x0  }
0x13d: {  	[sflag:s7] =	ssyncadd.s32 $0xFFFFF830  }
0x13e: {  	[tilespmem:s31], [sflag:$0x1] =	stream.indirect.gather [spmem:s4], $0x1, s28, s26, $0xb8;
	[tilespmem:$0x8B50] =	vst v63  }
0x13f: {  	_ = 	snop  }
0x140: {  	[spmem:s5] =	stream.indirect.scatter.add.f32 [tilespmem:s2], [sflag:$0x3], $0x1, s0, s26, $0xb8;
	[tilespmem:$0x8B50] =	vst v63  }
0x141: {  	_ =	swait.ge [sflag:s29], $0x7D0  }
0x142: {  	[sflag:s29] =	ssyncset.done $0x0  }
0x143: {  	[sflag:s29] =	ssyncadd.s32 $0xFFFFF830  }
0x144: {  	_ =	swait.ge [sflag:s1], $0x7D0  }
0x145: {  	[sflag:s1] =	ssyncset.done $0x0  }
0x146: {  	[sflag:s1] =	ssyncadd.s32 $0xFFFFF830  }
0x147: {  	[spmem:s5] =	stream.indirect.scatter.add.f32 [tilespmem:s31], [sflag:$0x3], $0x1, s30, s26, $0xb8;
	[tilespmem:$0x8B50] =	vst v63  }
0x148: {  	_ =	swait.ge [sflag:s29], $0x7D0  }
0x149: {  	[sflag:s29] =	ssyncset.done $0x0  }
0x14a: {  	[sflag:s29] =	ssyncadd.s32 $0xFFFFF830  }
0x14b: {  	[bflag:$0x0] =	sbarrier.arrive $0xFFFF  }
0x14c: {  	[tilespmem:s8], [sflag:$0x3] =	stream.linear.gather [spmem:s14], $0x280, $0x38;
	[tilespmem:$0x8B50] =	vst v63  }
0x14d: {  	s10 =	sadd.s32 $0x1, s10;
	_ =	swait.ge [sflag:s29], $0x280  }
0x14e: {  	p0 =	sne.s32 s10, s25;
	[sflag:s29] =	ssyncset.done $0x0  }
.Ltmp3:
0x14f: {  	[sflag:s29] =	ssyncadd.s32 $0xFFFFFD80;
	(pc) =	sbr.rel @p0 .LBB2_1-.Ltmp3, $4  }
0x150: {  	[hbm4b:s24+s6] =	stream.linear.scatter [tilespmem:s8], [sflag:$0x3], $0x280, $0x38;
	[tilespmem:$0x8B50] =	vst v63  }
0x151: {  	_ =	swait.ge [sflag:s29], $0x280  }
0x152: {  	[sflag:s29] =	ssyncset.done $0x0  }
0x153: {  	[sflag:s29] =	ssyncadd.s32 $0xFFFFFD80  }
0x154: {  	_ =	sfence.sel $0x180000  }
0x155: {  	[bflag:$0x0] =	sbarrier.arrive $0xFFFF  }
0x156: {  	_ =	strace $0x9000004A  }
0x157: {  	s0 =	stileid.u32;
	[bflag:$0x2] =	sbarrier.arrive $0xFFFF  }
0x158: {  	p0 =	sne.s32 s0, $0x0;
	s0 =	rddreg [dreg:$0x5]  }
0x159: {  	s0 =	sadd.s32 @!p0 $0x100000, s0  }
0x15a: {  	[sflag:s0] =	ssyncadd.tile.s32 @!p0 $0x1;
	_ =	shalt  }
.Lfunc_end2:
_tile_overlayer_lowered:
.L_overlay_start_2:
0x15b: {  	(tag) =	ssettag $0x2  }
0x15c: {  	s0 =	rddreg [dreg:$0x0];
	s2 =	stileid.u32  }
0x15d: {  	s1 =	rddreg [dreg:$0x1];
	p0 =	sne.s32 s2, $0x0  }
0x15e: {  	s3 =	rddreg [dreg:$0x2];
	[bflag:$0x3] =	sbarrier.arrive $0xFFFF;
	s2 =	simm.s32 @!p0 $0x1C03  }
0x15f: {  	[timem:s3], [sflag:s2] =	dma.local @!p0 [hbm:s0], s1  }
0x160: {  	s0 =	simm.s32 @!p0 $0x3  }
0x161: {  	_ =	swait.ge @!p0 [sflag:s0], s1  }
0x162: {  	s1 =	ssub.s32 @!p0 $0x0, s1;
	[sflag:s0] =	ssyncset.done @!p0 $0x0  }
0x163: {  	[sflag:s0] =	ssyncadd.s32 @!p0 s1  }
0x164: {  	[bflag:$0x3] =	sbarrier.arrive $0xFFFF  }
0x165: {  	_ =	shalt  }

</sc_bundles>
